<compile_context>
chip_gen: v7x
topology: tpu7x:2x2x1
jax: 0.10.2.dev20260603
libtpu: 0.0.44.dev20260713+nightly
codegen_flags: <defaults>
</compile_context>

<pallas_src>
import jax
import jax.numpy as jnp
from jax import lax
from jax.experimental import pallas as pl
from jax.experimental.pallas import tpu as pltpu
from jax.experimental.pallas import tpu_sc as plsc

NC, NS = 2, 16
NW = NC * NS
LANES = 16


def _sc_loss_partials(img_tiled, ia, ib, P, wpb):
    own = P // wpb
    C = -(-own // 128) * 128
    for s in range(wpb):
        smod = s * own
        pre_min = max(smod + C - P, 0)
        pre = pre_min + ((smod - pre_min) & 7)
        assert 0 <= smod - pre and smod - pre + C <= P and (smod - pre) % 8 == 0
        assert pre + own <= C
    assert wpb & (wpb - 1) == 0
    wpb_shift = wpb.bit_length() - 1

    mesh = plsc.VectorSubcoreMesh(core_axis_name="c", subcore_axis_name="s")

    HR = C // 256
    HC = HR * 128

    def body(img, ia_h, ib_h, out_h,
             ia_v, ib_v, iac_v, za_v, zb_v, acc_v, ssem, g0sem, g1sem):
        cc = lax.axis_index("c")
        ss = lax.axis_index("s")
        wid = ss * NC + cc
        b = wid >> wpb_shift
        slot = wid - (b << wpb_shift)
        smod = slot * own
        pre_min = lax.max(smod + (C - P), 0)
        pre = pre_min + ((smod - pre_min) & 7)
        fstart = pl.multiple_of(b * P + smod - pre, 8)

        da_s = pltpu.async_copy(ia_h.at[pl.ds(fstart, C)], ia_v, ssem)
        db_s = pltpu.async_copy(ib_h.at[pl.ds(fstart, C)], ib_v, ssem)
        da_s.wait()

        def strip(j, carry):
            for k in range(8):
                sl = pl.ds(j * 128 + k * 16, 16)
                iac_v[sl] = ia_v[sl] & 0xFFFFF
            return carry

        lax.fori_loop(0, HR, strip, 0)
        ga0 = pltpu.async_copy(img.at[iac_v.at[pl.ds(0, HC)]],
                               za_v.at[pl.ds(0, HC)], g0sem)
        db_s.wait()
        gb0 = pltpu.async_copy(img.at[ib_v.at[pl.ds(0, HC)]],
                               zb_v.at[pl.ds(0, HC)], g0sem)
        lax.fori_loop(HR, 2 * HR, strip, 0)
        ga1 = pltpu.async_copy(img.at[iac_v.at[pl.ds(HC, HC)]],
                               za_v.at[pl.ds(HC, HC)], g1sem)
        gb1 = pltpu.async_copy(img.at[ib_v.at[pl.ds(HC, HC)]],
                               zb_v.at[pl.ds(HC, HC)], g1sem)

        lane = lax.iota(jnp.int32, LANES)
        lo = pre
        hi = pre + own

        def loss_rows(j, acc):
            base = j * 128
            for k in range(8):
                off = base + k * 16
                sl = pl.ds(off, 16)
                gt = (ia_v[sl] >> 20).astype(jnp.float32) - 1.0
                diff = za_v[sl] - zb_v[sl]
                q = gt * diff
                u = jnp.exp(-jnp.abs(q))
                t = u / (2.0 + u)
                t2 = t * t
                sp = t * (2.0 + t2 * (2.0 / 3.0 + t2 * (
                    2.0 / 5.0 + t2 * (2.0 / 7.0 + t2 * (2.0 / 9.0)))))
                sp = jnp.maximum(-q, 0.0) + sp
                m = jnp.abs(gt)
                lv = m * sp + (1.0 - m) * (diff * diff)
                li = lane + off
                sel = (li >= lo) & (li < hi)
                acc = acc + jnp.where(sel, lv, 0.0)
            return acc

        ga0.wait()
        gb0.wait()
        acc = lax.fori_loop(0, HR, loss_rows,
                            jnp.zeros((LANES,), jnp.float32))
        ga1.wait()
        gb1.wait()
        acc = lax.fori_loop(HR, 2 * HR, loss_rows, acc)
        acc_v[...] = acc
        pltpu.sync_copy(acc_v, out_h.at[pl.ds(wid * LANES, LANES)])

    f = pl.kernel(
        body,
        out_type=jax.ShapeDtypeStruct((NW * LANES,), jnp.float32),
        mesh=mesh,
        scratch_types=[
            pltpu.VMEM((C,), jnp.int32),
            pltpu.VMEM((C,), jnp.int32),
            pltpu.VMEM((C,), jnp.int32),
            pltpu.VMEM((C,), jnp.float32),
            pltpu.VMEM((C,), jnp.float32),
            pltpu.VMEM((LANES,), jnp.float32),
            pltpu.SemaphoreType.DMA,
            pltpu.SemaphoreType.DMA,
            pltpu.SemaphoreType.DMA,
        ],
    )
    return f(img_tiled, ia, ib)


def _tc_reduce(partials, n_total):

    def body(p_ref, out_ref):
        out_ref[0, 0] = jnp.sum(p_ref[...]) / n_total

    return pl.pallas_call(
        body,
        out_shape=jax.ShapeDtypeStruct((1, 1), jnp.float32),
        out_specs=pl.BlockSpec(memory_space=pltpu.SMEM),
    )(partials)


def kernel(input, x_A, y_A, x_B, y_B, ordinal):
    B, _, H, W = input.shape
    P = x_A.shape[1]
    wpb = NW // B
    HW = H * W
    XT = W // 128

    timg = (input.reshape(B, H // 8, 8, XT, 128)
            .transpose(0, 1, 3, 2, 4).reshape(-1))

    boffs = (jnp.arange(B, dtype=jnp.int32) * HW)[:, None]

    def addr(y, x):
        y = y.astype(jnp.int32)
        x = x.astype(jnp.int32)
        return (boffs + (y >> 3) * (XT * 1024) + (x >> 7) * 1024
                + (y & 7) * 128 + (x & 127)).reshape(-1)

    assert B * HW <= 1 << 20
    ia = addr(y_A, x_A) | (ordinal.astype(jnp.int32) << 20).reshape(-1)
    ib = addr(y_B, x_B)

    partials = _sc_loss_partials(timg, ia, ib, P, wpb)

    loss = _tc_reduce(partials.reshape(4, NW * LANES // 4), B * P)
    return loss.reshape(1)

# --- scband reference (transcript-rebuilt; emitter-appended) ---
"""Pipeline reference for scband-relative-depth-crit-35579509080324 (READ-ONLY COPY).

The authoritative reference and input builder live on the scoring server;
editing this copy changes nothing except your own understanding.
"""

import jax, jax.numpy as jnp
import numpy as np

B, H, W, P = 4, 512, 512, 20000

def setup_inputs(seed: int = 0) -> dict:
    key = jax.random.key(seed)
    k1, k2, k3, k4, k5, k6 = jax.random.split(key, 6)
    return {
        "input": jax.random.normal(k1, (B, 1, H, W), dtype=jnp.float32),
        "x_A": jax.random.randint(k2, (B, P), 0, W),
        "y_A": jax.random.randint(k3, (B, P), 0, H),
        "x_B": jax.random.randint(k4, (B, P), 0, W),
        "y_B": jax.random.randint(k5, (B, P), 0, H),
        "ordinal": jax.random.randint(k6, (B, P), 0, 3).astype(jnp.int32),
    }

def reference(input, x_A, y_A, x_B, y_B, ordinal):
    # target[b]['ordianl_relation'] takes values in {-1, 0, 1}
    gt = ordinal.astype(jnp.float32) - 1.0
    img = input[:, 0, :, :]  # [B, H, W]

    def gather_points(im, y, x):
        # index_select on columns then gather on rows == im[y, x]
        return im[y, x]

    z_A = jax.vmap(gather_points)(img, y_A, x_A)  # [B, P]
    z_B = jax.vmap(gather_points)(img, y_B, x_B)  # [B, P]

    mask = jnp.abs(gt)
    diff = z_A - z_B
    loss = mask * jnp.log(1.0 + jnp.exp(-gt * diff)) + (1.0 - mask) * diff * diff
    n_point_total = x_A.shape[0] * x_A.shape[1]
    return (jnp.sum(loss) / n_point_total).reshape(1)

if __name__ == "__main__":
    import jax
    _d = setup_inputs()
    print(jax.jit(kernel)(*tuple(_d.values())))

</pallas_src>

<mosaic_0001>
#map = affine_map<(d0, d1) -> (0)>
module attributes {stable_mosaic.version = 14 : i64} {
  func.func @body(%arg0: i32, %arg1: i32, %arg2: memref<1048576xf32, #tpu.memory_space<hbm>>, %arg3: memref<80000xi32, #tpu.memory_space<hbm>>, %arg4: memref<80000xi32, #tpu.memory_space<hbm>>, %arg5: memref<512xf32, #tpu.memory_space<hbm>>, %arg6: memref<2560xi32, #tpu.memory_space<vmem>>, %arg7: memref<2560xi32, #tpu.memory_space<vmem>>, %arg8: memref<2560xi32, #tpu.memory_space<vmem>>, %arg9: memref<2560xf32, #tpu.memory_space<vmem>>, %arg10: memref<2560xf32, #tpu.memory_space<vmem>>, %arg11: memref<16xf32, #tpu.memory_space<vmem>>, %arg12: memref<!tpu.dma_semaphore, #tpu.memory_space<semaphore_mem>>, %arg13: memref<!tpu.dma_semaphore, #tpu.memory_space<semaphore_mem>>, %arg14: memref<!tpu.dma_semaphore, #tpu.memory_space<semaphore_mem>>) attributes {dimension_semantics = [#tpu.dimension_semantics<core_parallel>, #tpu.dimension_semantics<subcore_parallel>], iteration_bounds = array<i64: 2, 16>, scalar_prefetch = 0 : i64, scratch_operands = 9 : i64, tpu.core_type = #tpu.core_type<sc_vector_subcore>, window_params = [{transform_indices = #map}, {transform_indices = #map}, {transform_indices = #map}, {transform_indices = #map}]} {
    %mul3A = arith.constant 2 : i32
    %mul3A_0 = arith.muli %arg1, %mul3A : i32
    %add3A = arith.addi %mul3A_0, %arg0 : i32
    %shift_right_arithmetic3A = arith.constant 3 : i32
    %shift_right_arithmetic3A_1 = arith.shrsi %add3A, %shift_right_arithmetic3A : i32
    %shift_left3A = arith.constant 3 : i32
    %shift_left3A_2 = arith.shli %shift_right_arithmetic3A_1, %shift_left3A : i32
    %sub3A = arith.subi %add3A, %shift_left3A_2 : i32
    %mul3A_3 = arith.constant 2500 : i32
    %mul3A_4 = arith.muli %sub3A, %mul3A_3 : i32
    %add3A_5 = arith.constant -17440 : i32
    %add3A_6 = arith.addi %mul3A_4, %add3A_5 : i32
    %max3A = arith.constant 0 : i32
    %max3A_7 = arith.maxsi %add3A_6, %max3A : i32
    %sub3A_8 = arith.subi %mul3A_4, %max3A_7 : i32
    %and3A = arith.constant 7 : i32
    %and3A_9 = arith.andi %sub3A_8, %and3A : i32
    %add3A_10 = arith.addi %max3A_7, %and3A_9 : i32
    %mul3A_11 = arith.constant 20000 : i32
    %mul3A_12 = arith.muli %shift_right_arithmetic3A_1, %mul3A_11 : i32
    %add3A_13 = arith.addi %mul3A_12, %mul3A_4 : i32
    %sub3A_14 = arith.subi %add3A_13, %add3A_10 : i32
    %multiple_of3A = tpu.assume_multiple %sub3A_14, 8 : i32
    %dma_start3A = tpu.memref_slice %arg3[%multiple_of3A] : memref<80000xi32, #tpu.memory_space<hbm>> -> memref<2560xi32, #tpu.memory_space<hbm>>
    %dma_start3A_15 = tpu.memref_slice %arg3[%multiple_of3A] : memref<80000xi32, #tpu.memory_space<hbm>> -> memref<2560xi32, #tpu.memory_space<hbm>>
    tpu.enqueue_dma source(%dma_start3A_15 : memref<2560xi32, #tpu.memory_space<hbm>>) target(%arg6 : memref<2560xi32, #tpu.memory_space<vmem>>) target_semaphore(%arg12 : memref<!tpu.dma_semaphore, #tpu.memory_space<semaphore_mem>>)
    %dma_start3A_16 = tpu.memref_slice %arg4[%multiple_of3A] : memref<80000xi32, #tpu.memory_space<hbm>> -> memref<2560xi32, #tpu.memory_space<hbm>>
    %dma_start3A_17 = tpu.memref_slice %arg4[%multiple_of3A] : memref<80000xi32, #tpu.memory_space<hbm>> -> memref<2560xi32, #tpu.memory_space<hbm>>
    tpu.enqueue_dma source(%dma_start3A_17 : memref<2560xi32, #tpu.memory_space<hbm>>) target(%arg7 : memref<2560xi32, #tpu.memory_space<vmem>>) target_semaphore(%arg12 : memref<!tpu.dma_semaphore, #tpu.memory_space<semaphore_mem>>)
    %dma_wait3A = tpu.memref_slice %arg3[%multiple_of3A] : memref<80000xi32, #tpu.memory_space<hbm>> -> memref<2560xi32, #tpu.memory_space<hbm>>
    %dma_wait3A_18 = tpu.memref_slice %arg3[%multiple_of3A] : memref<80000xi32, #tpu.memory_space<hbm>> -> memref<2560xi32, #tpu.memory_space<hbm>>
    tpu.wait_dma2 semaphore(%arg12 : memref<!tpu.dma_semaphore, #tpu.memory_space<semaphore_mem>>) src(%dma_wait3A_18 : memref<2560xi32, #tpu.memory_space<hbm>>) dst(%arg6 : memref<2560xi32, #tpu.memory_space<vmem>>)
    %scan3A = arith.constant 0 : i32
    %scan3A_19 = arith.constant 0 : i32
    %scan3A_20 = arith.constant 10 : i32
    %scan3A_21 = arith.addi %scan3A_19, %scan3A_20 : i32
    %scan3A_22 = arith.constant 1 : i32
    scf.for %scan3A_100 = %scan3A_19 to %scan3A_21 step %scan3A_22  : i32 {
      %mul3A_101 = arith.constant 128 : i32
      %mul3A_102 = arith.muli %scan3A_100, %mul3A_101 : i32
      %add3A_103 = arith.constant 0 : i32
      %add3A_104 = arith.addi %mul3A_102, %add3A_103 : i32
      %get3A = arith.index_cast %add3A_104 : i32 to index
      %get3A_105 = tpu.vector_load %arg6[%get3A] {strides = array<i32>} : memref<2560xi32, #tpu.memory_space<vmem>>, vector<16xi32>,
      %get3A_106 = vector.shape_cast %get3A_105 : vector<16xi32> to vector<16xi32>
      %and3A_107 = arith.constant 1048575 : i32
      %and3A_108 = vector.broadcast %and3A_107 : i32 to vector<16xi32>
      %and3A_109 = arith.andi %get3A_106, %and3A_108 : vector<16xi32>
      %swap3A_110 = arith.index_cast %add3A_104 : i32 to index
      %swap3A_111 = tpu.vector_load %arg8[%swap3A_110] {strides = array<i32>} : memref<2560xi32, #tpu.memory_space<vmem>>, vector<16xi32>,
      %swap3A_112 = vector.shape_cast %swap3A_111 : vector<16xi32> to vector<16xi32>
      %swap3A_113 = vector.shape_cast %and3A_109 : vector<16xi32> to vector<16xi32>
      tpu.vector_store %arg8[%swap3A_110], %swap3A_113 {strides = array<i32>} : memref<2560xi32, #tpu.memory_space<vmem>>, vector<16xi32>,
      %mul3A_114 = arith.constant 128 : i32
      %mul3A_115 = arith.muli %scan3A_100, %mul3A_114 : i32
      %add3A_116 = arith.constant 16 : i32
      %add3A_117 = arith.addi %mul3A_115, %add3A_116 : i32
      %get3A_118 = arith.index_cast %add3A_117 : i32 to index
      %get3A_119 = tpu.vector_load %arg6[%get3A_118] {strides = array<i32>} : memref<2560xi32, #tpu.memory_space<vmem>>, vector<16xi32>,
      %get3A_120 = vector.shape_cast %get3A_119 : vector<16xi32> to vector<16xi32>
      %and3A_121 = arith.constant 1048575 : i32
      %and3A_122 = vector.broadcast %and3A_121 : i32 to vector<16xi32>
      %and3A_123 = arith.andi %get3A_120, %and3A_122 : vector<16xi32>
      %swap3A_124 = arith.index_cast %add3A_117 : i32 to index
      %swap3A_125 = tpu.vector_load %arg8[%swap3A_124] {strides = array<i32>} : memref<2560xi32, #tpu.memory_space<vmem>>, vector<16xi32>,
      %swap3A_126 = vector.shape_cast %swap3A_125 : vector<16xi32> to vector<16xi32>
      %swap3A_127 = vector.shape_cast %and3A_123 : vector<16xi32> to vector<16xi32>
      tpu.vector_store %arg8[%swap3A_124], %swap3A_127 {strides = array<i32>} : memref<2560xi32, #tpu.memory_space<vmem>>, vector<16xi32>,
      %mul3A_128 = arith.constant 128 : i32
      %mul3A_129 = arith.muli %scan3A_100, %mul3A_128 : i32
      %add3A_130 = arith.constant 32 : i32
      %add3A_131 = arith.addi %mul3A_129, %add3A_130 : i32
      %get3A_132 = arith.index_cast %add3A_131 : i32 to index
      %get3A_133 = tpu.vector_load %arg6[%get3A_132] {strides = array<i32>} : memref<2560xi32, #tpu.memory_space<vmem>>, vector<16xi32>,
      %get3A_134 = vector.shape_cast %get3A_133 : vector<16xi32> to vector<16xi32>
      %and3A_135 = arith.constant 1048575 : i32
      %and3A_136 = vector.broadcast %and3A_135 : i32 to vector<16xi32>
      %and3A_137 = arith.andi %get3A_134, %and3A_136 : vector<16xi32>
      %swap3A_138 = arith.index_cast %add3A_131 : i32 to index
      %swap3A_139 = tpu.vector_load %arg8[%swap3A_138] {strides = array<i32>} : memref<2560xi32, #tpu.memory_space<vmem>>, vector<16xi32>,
      %swap3A_140 = vector.shape_cast %swap3A_139 : vector<16xi32> to vector<16xi32>
      %swap3A_141 = vector.shape_cast %and3A_137 : vector<16xi32> to vector<16xi32>
      tpu.vector_store %arg8[%swap3A_138], %swap3A_141 {strides = array<i32>} : memref<2560xi32, #tpu.memory_space<vmem>>, vector<16xi32>,
      %mul3A_142 = arith.constant 128 : i32
      %mul3A_143 = arith.muli %scan3A_100, %mul3A_142 : i32
      %add3A_144 = arith.constant 48 : i32
      %add3A_145 = arith.addi %mul3A_143, %add3A_144 : i32
      %get3A_146 = arith.index_cast %add3A_145 : i32 to index
      %get3A_147 = tpu.vector_load %arg6[%get3A_146] {strides = array<i32>} : memref<2560xi32, #tpu.memory_space<vmem>>, vector<16xi32>,
      %get3A_148 = vector.shape_cast %get3A_147 : vector<16xi32> to vector<16xi32>
      %and3A_149 = arith.constant 1048575 : i32
      %and3A_150 = vector.broadcast %and3A_149 : i32 to vector<16xi32>
      %and3A_151 = arith.andi %get3A_148, %and3A_150 : vector<16xi32>
      %swap3A_152 = arith.index_cast %add3A_145 : i32 to index
      %swap3A_153 = tpu.vector_load %arg8[%swap3A_152] {strides = array<i32>} : memref<2560xi32, #tpu.memory_space<vmem>>, vector<16xi32>,
      %swap3A_154 = vector.shape_cast %swap3A_153 : vector<16xi32> to vector<16xi32>
      %swap3A_155 = vector.shape_cast %and3A_151 : vector<16xi32> to vector<16xi32>
      tpu.vector_store %arg8[%swap3A_152], %swap3A_155 {strides = array<i32>} : memref<2560xi32, #tpu.memory_space<vmem>>, vector<16xi32>,
      %mul3A_156 = arith.constant 128 : i32
      %mul3A_157 = arith.muli %scan3A_100, %mul3A_156 : i32
      %add3A_158 = arith.constant 64 : i32
      %add3A_159 = arith.addi %mul3A_157, %add3A_158 : i32
      %get3A_160 = arith.index_cast %add3A_159 : i32 to index
      %get3A_161 = tpu.vector_load %arg6[%get3A_160] {strides = array<i32>} : memref<2560xi32, #tpu.memory_space<vmem>>, vector<16xi32>,
      %get3A_162 = vector.shape_cast %get3A_161 : vector<16xi32> to vector<16xi32>
      %and3A_163 = arith.constant 1048575 : i32
      %and3A_164 = vector.broadcast %and3A_163 : i32 to vector<16xi32>
      %and3A_165 = arith.andi %get3A_162, %and3A_164 : vector<16xi32>
      %swap3A_166 = arith.index_cast %add3A_159 : i32 to index
      %swap3A_167 = tpu.vector_load %arg8[%swap3A_166] {strides = array<i32>} : memref<2560xi32, #tpu.memory_space<vmem>>, vector<16xi32>,
      %swap3A_168 = vector.shape_cast %swap3A_167 : vector<16xi32> to vector<16xi32>
      %swap3A_169 = vector.shape_cast %and3A_165 : vector<16xi32> to vector<16xi32>
      tpu.vector_store %arg8[%swap3A_166], %swap3A_169 {strides = array<i32>} : memref<2560xi32, #tpu.memory_space<vmem>>, vector<16xi32>,
      %mul3A_170 = arith.constant 128 : i32
      %mul3A_171 = arith.muli %scan3A_100, %mul3A_170 : i32
      %add3A_172 = arith.constant 80 : i32
      %add3A_173 = arith.addi %mul3A_171, %add3A_172 : i32
      %get3A_174 = arith.index_cast %add3A_173 : i32 to index
      %get3A_175 = tpu.vector_load %arg6[%get3A_174] {strides = array<i32>} : memref<2560xi32, #tpu.memory_space<vmem>>, vector<16xi32>,
      %get3A_176 = vector.shape_cast %get3A_175 : vector<16xi32> to vector<16xi32>
      %and3A_177 = arith.constant 1048575 : i32
      %and3A_178 = vector.broadcast %and3A_177 : i32 to vector<16xi32>
      %and3A_179 = arith.andi %get3A_176, %and3A_178 : vector<16xi32>
      %swap3A_180 = arith.index_cast %add3A_173 : i32 to index
      %swap3A_181 = tpu.vector_load %arg8[%swap3A_180] {strides = array<i32>} : memref<2560xi32, #tpu.memory_space<vmem>>, vector<16xi32>,
      %swap3A_182 = vector.shape_cast %swap3A_181 : vector<16xi32> to vector<16xi32>
      %swap3A_183 = vector.shape_cast %and3A_179 : vector<16xi32> to vector<16xi32>
      tpu.vector_store %arg8[%swap3A_180], %swap3A_183 {strides = array<i32>} : memref<2560xi32, #tpu.memory_space<vmem>>, vector<16xi32>,
      %mul3A_184 = arith.constant 128 : i32
      %mul3A_185 = arith.muli %scan3A_100, %mul3A_184 : i32
      %add3A_186 = arith.constant 96 : i32
      %add3A_187 = arith.addi %mul3A_185, %add3A_186 : i32
      %get3A_188 = arith.index_cast %add3A_187 : i32 to index
      %get3A_189 = tpu.vector_load %arg6[%get3A_188] {strides = array<i32>} : memref<2560xi32, #tpu.memory_space<vmem>>, vector<16xi32>,
      %get3A_190 = vector.shape_cast %get3A_189 : vector<16xi32> to vector<16xi32>
      %and3A_191 = arith.constant 1048575 : i32
      %and3A_192 = vector.broadcast %and3A_191 : i32 to vector<16xi32>
      %and3A_193 = arith.andi %get3A_190, %and3A_192 : vector<16xi32>
      %swap3A_194 = arith.index_cast %add3A_187 : i32 to index
      %swap3A_195 = tpu.vector_load %arg8[%swap3A_194] {strides = array<i32>} : memref<2560xi32, #tpu.memory_space<vmem>>, vector<16xi32>,
      %swap3A_196 = vector.shape_cast %swap3A_195 : vector<16xi32> to vector<16xi32>
      %swap3A_197 = vector.shape_cast %and3A_193 : vector<16xi32> to vector<16xi32>
      tpu.vector_store %arg8[%swap3A_194], %swap3A_197 {strides = array<i32>} : memref<2560xi32, #tpu.memory_space<vmem>>, vector<16xi32>,
      %mul3A_198 = arith.constant 128 : i32
      %mul3A_199 = arith.muli %scan3A_100, %mul3A_198 : i32
      %add3A_200 = arith.constant 112 : i32
      %add3A_201 = arith.addi %mul3A_199, %add3A_200 : i32
      %get3A_202 = arith.index_cast %add3A_201 : i32 to index
      %get3A_203 = tpu.vector_load %arg6[%get3A_202] {strides = array<i32>} : memref<2560xi32, #tpu.memory_space<vmem>>, vector<16xi32>,
      %get3A_204 = vector.shape_cast %get3A_203 : vector<16xi32> to vector<16xi32>
      %and3A_205 = arith.constant 1048575 : i32
      %and3A_206 = vector.broadcast %and3A_205 : i32 to vector<16xi32>
      %and3A_207 = arith.andi %get3A_204, %and3A_206 : vector<16xi32>
      %swap3A_208 = arith.index_cast %add3A_201 : i32 to index
      %swap3A_209 = tpu.vector_load %arg8[%swap3A_208] {strides = array<i32>} : memref<2560xi32, #tpu.memory_space<vmem>>, vector<16xi32>,
      %swap3A_210 = vector.shape_cast %swap3A_209 : vector<16xi32> to vector<16xi32>
      %swap3A_211 = vector.shape_cast %and3A_207 : vector<16xi32> to vector<16xi32>
      tpu.vector_store %arg8[%swap3A_208], %swap3A_211 {strides = array<i32>} : memref<2560xi32, #tpu.memory_space<vmem>>, vector<16xi32>,
    }
    %scan3A_23 = arith.constant 10 : i32
    %dma_start3A_24 = arith.constant 0 : i32
    %dma_start3A_25 = tpu.memref_slice %arg9[%dma_start3A_24] : memref<2560xf32, #tpu.memory_space<vmem>> -> memref<1280xf32, #tpu.memory_space<vmem>>
    %dma_start3A_26 = arith.constant 0 : i32
    %dma_start3A_27 = tpu.memref_slice %arg8[%dma_start3A_26] : memref<2560xi32, #tpu.memory_space<vmem>> -> memref<1280xi32, #tpu.memory_space<vmem>>
    %dma_start3A_28 = arith.constant 0 : i32
    %dma_start3A_29 = tpu.memref_slice %arg2[%dma_start3A_28] : memref<1048576xf32, #tpu.memory_space<hbm>> -> memref<1048576xf32, #tpu.memory_space<hbm>>
    tpu.enqueue_indirect_dma source(%dma_start3A_29 : memref<1048576xf32, #tpu.memory_space<hbm>>) target(%dma_start3A_25 : memref<1280xf32, #tpu.memory_space<vmem>>) offsets(%dma_start3A_27 : memref<1280xi32, #tpu.memory_space<vmem>>) semaphore(%arg13 : memref<!tpu.dma_semaphore, #tpu.memory_space<semaphore_mem>>)
    %dma_wait3A_30 = tpu.memref_slice %arg4[%multiple_of3A] : memref<80000xi32, #tpu.memory_space<hbm>> -> memref<2560xi32, #tpu.memory_space<hbm>>
    %dma_wait3A_31 = tpu.memref_slice %arg4[%multiple_of3A] : memref<80000xi32, #tpu.memory_space<hbm>> -> memref<2560xi32, #tpu.memory_space<hbm>>
    tpu.wait_dma2 semaphore(%arg12 : memref<!tpu.dma_semaphore, #tpu.memory_space<semaphore_mem>>) src(%dma_wait3A_31 : memref<2560xi32, #tpu.memory_space<hbm>>) dst(%arg7 : memref<2560xi32, #tpu.memory_space<vmem>>)
    %dma_start3A_32 = arith.constant 0 : i32
    %dma_start3A_33 = tpu.memref_slice %arg10[%dma_start3A_32] : memref<2560xf32, #tpu.memory_space<vmem>> -> memref<1280xf32, #tpu.memory_space<vmem>>
    %dma_start3A_34 = arith.constant 0 : i32
    %dma_start3A_35 = tpu.memref_slice %arg7[%dma_start3A_34] : memref<2560xi32, #tpu.memory_space<vmem>> -> memref<1280xi32, #tpu.memory_space<vmem>>
    %dma_start3A_36 = arith.constant 0 : i32
    %dma_start3A_37 = tpu.memref_slice %arg2[%dma_start3A_36] : memref<1048576xf32, #tpu.memory_space<hbm>> -> memref<1048576xf32, #tpu.memory_space<hbm>>
    tpu.enqueue_indirect_dma source(%dma_start3A_37 : memref<1048576xf32, #tpu.memory_space<hbm>>) target(%dma_start3A_33 : memref<1280xf32, #tpu.memory_space<vmem>>) offsets(%dma_start3A_35 : memref<1280xi32, #tpu.memory_space<vmem>>) semaphore(%arg13 : memref<!tpu.dma_semaphore, #tpu.memory_space<semaphore_mem>>)
    %scan3A_38 = arith.constant 0 : i32
    %scan3A_39 = arith.constant 10 : i32
    %scan3A_40 = arith.constant 10 : i32
    %scan3A_41 = arith.addi %scan3A_39, %scan3A_40 : i32
    %scan3A_42 = arith.constant 1 : i32
    scf.for %scan3A_100 = %scan3A_39 to %scan3A_41 step %scan3A_42  : i32 {
      %mul3A_101 = arith.constant 128 : i32
      %mul3A_102 = arith.muli %scan3A_100, %mul3A_101 : i32
      %add3A_103 = arith.constant 0 : i32
      %add3A_104 = arith.addi %mul3A_102, %add3A_103 : i32
      %get3A = arith.index_cast %add3A_104 : i32 to index
      %get3A_105 = tpu.vector_load %arg6[%get3A] {strides = array<i32>} : memref<2560xi32, #tpu.memory_space<vmem>>, vector<16xi32>,
      %get3A_106 = vector.shape_cast %get3A_105 : vector<16xi32> to vector<16xi32>
      %and3A_107 = arith.constant 1048575 : i32
      %and3A_108 = vector.broadcast %and3A_107 : i32 to vector<16xi32>
      %and3A_109 = arith.andi %get3A_106, %and3A_108 : vector<16xi32>
      %swap3A_110 = arith.index_cast %add3A_104 : i32 to index
      %swap3A_111 = tpu.vector_load %arg8[%swap3A_110] {strides = array<i32>} : memref<2560xi32, #tpu.memory_space<vmem>>, vector<16xi32>,
      %swap3A_112 = vector.shape_cast %swap3A_111 : vector<16xi32> to vector<16xi32>
      %swap3A_113 = vector.shape_cast %and3A_109 : vector<16xi32> to vector<16xi32>
      tpu.vector_store %arg8[%swap3A_110], %swap3A_113 {strides = array<i32>} : memref<2560xi32, #tpu.memory_space<vmem>>, vector<16xi32>,
      %mul3A_114 = arith.constant 128 : i32
      %mul3A_115 = arith.muli %scan3A_100, %mul3A_114 : i32
      %add3A_116 = arith.constant 16 : i32
      %add3A_117 = arith.addi %mul3A_115, %add3A_116 : i32
      %get3A_118 = arith.index_cast %add3A_117 : i32 to index
      %get3A_119 = tpu.vector_load %arg6[%get3A_118] {strides = array<i32>} : memref<2560xi32, #tpu.memory_space<vmem>>, vector<16xi32>,
      %get3A_120 = vector.shape_cast %get3A_119 : vector<16xi32> to vector<16xi32>
      %and3A_121 = arith.constant 1048575 : i32
      %and3A_122 = vector.broadcast %and3A_121 : i32 to vector<16xi32>
      %and3A_123 = arith.andi %get3A_120, %and3A_122 : vector<16xi32>
      %swap3A_124 = arith.index_cast %add3A_117 : i32 to index
      %swap3A_125 = tpu.vector_load %arg8[%swap3A_124] {strides = array<i32>} : memref<2560xi32, #tpu.memory_space<vmem>>, vector<16xi32>,
      %swap3A_126 = vector.shape_cast %swap3A_125 : vector<16xi32> to vector<16xi32>
      %swap3A_127 = vector.shape_cast %and3A_123 : vector<16xi32> to vector<16xi32>
      tpu.vector_store %arg8[%swap3A_124], %swap3A_127 {strides = array<i32>} : memref<2560xi32, #tpu.memory_space<vmem>>, vector<16xi32>,
      %mul3A_128 = arith.constant 128 : i32
      %mul3A_129 = arith.muli %scan3A_100, %mul3A_128 : i32
      %add3A_130 = arith.constant 32 : i32
      %add3A_131 = arith.addi %mul3A_129, %add3A_130 : i32
      %get3A_132 = arith.index_cast %add3A_131 : i32 to index
      %get3A_133 = tpu.vector_load %arg6[%get3A_132] {strides = array<i32>} : memref<2560xi32, #tpu.memory_space<vmem>>, vector<16xi32>,
      %get3A_134 = vector.shape_cast %get3A_133 : vector<16xi32> to vector<16xi32>
      %and3A_135 = arith.constant 1048575 : i32
      %and3A_136 = vector.broadcast %and3A_135 : i32 to vector<16xi32>
      %and3A_137 = arith.andi %get3A_134, %and3A_136 : vector<16xi32>
      %swap3A_138 = arith.index_cast %add3A_131 : i32 to index
      %swap3A_139 = tpu.vector_load %arg8[%swap3A_138] {strides = array<i32>} : memref<2560xi32, #tpu.memory_space<vmem>>, vector<16xi32>,
      %swap3A_140 = vector.shape_cast %swap3A_139 : vector<16xi32> to vector<16xi32>
      %swap3A_141 = vector.shape_cast %and3A_137 : vector<16xi32> to vector<16xi32>
      tpu.vector_store %arg8[%swap3A_138], %swap3A_141 {strides = array<i32>} : memref<2560xi32, #tpu.memory_space<vmem>>, vector<16xi32>,
      %mul3A_142 = arith.constant 128 : i32
      %mul3A_143 = arith.muli %scan3A_100, %mul3A_142 : i32
      %add3A_144 = arith.constant 48 : i32
      %add3A_145 = arith.addi %mul3A_143, %add3A_144 : i32
      %get3A_146 = arith.index_cast %add3A_145 : i32 to index
      %get3A_147 = tpu.vector_load %arg6[%get3A_146] {strides = array<i32>} : memref<2560xi32, #tpu.memory_space<vmem>>, vector<16xi32>,
      %get3A_148 = vector.shape_cast %get3A_147 : vector<16xi32> to vector<16xi32>
      %and3A_149 = arith.constant 1048575 : i32
      %and3A_150 = vector.broadcast %and3A_149 : i32 to vector<16xi32>
      %and3A_151 = arith.andi %get3A_148, %and3A_150 : vector<16xi32>
      %swap3A_152 = arith.index_cast %add3A_145 : i32 to index
      %swap3A_153 = tpu.vector_load %arg8[%swap3A_152] {strides = array<i32>} : memref<2560xi32, #tpu.memory_space<vmem>>, vector<16xi32>,
      %swap3A_154 = vector.shape_cast %swap3A_153 : vector<16xi32> to vector<16xi32>
      %swap3A_155 = vector.shape_cast %and3A_151 : vector<16xi32> to vector<16xi32>
      tpu.vector_store %arg8[%swap3A_152], %swap3A_155 {strides = array<i32>} : memref<2560xi32, #tpu.memory_space<vmem>>, vector<16xi32>,
      %mul3A_156 = arith.constant 128 : i32
      %mul3A_157 = arith.muli %scan3A_100, %mul3A_156 : i32
      %add3A_158 = arith.constant 64 : i32
      %add3A_159 = arith.addi %mul3A_157, %add3A_158 : i32
      %get3A_160 = arith.index_cast %add3A_159 : i32 to index
      %get3A_161 = tpu.vector_load %arg6[%get3A_160] {strides = array<i32>} : memref<2560xi32, #tpu.memory_space<vmem>>, vector<16xi32>,
      %get3A_162 = vector.shape_cast %get3A_161 : vector<16xi32> to vector<16xi32>
      %and3A_163 = arith.constant 1048575 : i32
      %and3A_164 = vector.broadcast %and3A_163 : i32 to vector<16xi32>
      %and3A_165 = arith.andi %get3A_162, %and3A_164 : vector<16xi32>
      %swap3A_166 = arith.index_cast %add3A_159 : i32 to index
      %swap3A_167 = tpu.vector_load %arg8[%swap3A_166] {strides = array<i32>} : memref<2560xi32, #tpu.memory_space<vmem>>, vector<16xi32>,
      %swap3A_168 = vector.shape_cast %swap3A_167 : vector<16xi32> to vector<16xi32>
      %swap3A_169 = vector.shape_cast %and3A_165 : vector<16xi32> to vector<16xi32>
      tpu.vector_store %arg8[%swap3A_166], %swap3A_169 {strides = array<i32>} : memref<2560xi32, #tpu.memory_space<vmem>>, vector<16xi32>,
      %mul3A_170 = arith.constant 128 : i32
      %mul3A_171 = arith.muli %scan3A_100, %mul3A_170 : i32
      %add3A_172 = arith.constant 80 : i32
      %add3A_173 = arith.addi %mul3A_171, %add3A_172 : i32
      %get3A_174 = arith.index_cast %add3A_173 : i32 to index
      %get3A_175 = tpu.vector_load %arg6[%get3A_174] {strides = array<i32>} : memref<2560xi32, #tpu.memory_space<vmem>>, vector<16xi32>,
      %get3A_176 = vector.shape_cast %get3A_175 : vector<16xi32> to vector<16xi32>
      %and3A_177 = arith.constant 1048575 : i32
      %and3A_178 = vector.broadcast %and3A_177 : i32 to vector<16xi32>
      %and3A_179 = arith.andi %get3A_176, %and3A_178 : vector<16xi32>
      %swap3A_180 = arith.index_cast %add3A_173 : i32 to index
      %swap3A_181 = tpu.vector_load %arg8[%swap3A_180] {strides = array<i32>} : memref<2560xi32, #tpu.memory_space<vmem>>, vector<16xi32>,
      %swap3A_182 = vector.shape_cast %swap3A_181 : vector<16xi32> to vector<16xi32>
      %swap3A_183 = vector.shape_cast %and3A_179 : vector<16xi32> to vector<16xi32>
      tpu.vector_store %arg8[%swap3A_180], %swap3A_183 {strides = array<i32>} : memref<2560xi32, #tpu.memory_space<vmem>>, vector<16xi32>,
      %mul3A_184 = arith.constant 128 : i32
      %mul3A_185 = arith.muli %scan3A_100, %mul3A_184 : i32
      %add3A_186 = arith.constant 96 : i32
      %add3A_187 = arith.addi %mul3A_185, %add3A_186 : i32
      %get3A_188 = arith.index_cast %add3A_187 : i32 to index
      %get3A_189 = tpu.vector_load %arg6[%get3A_188] {strides = array<i32>} : memref<2560xi32, #tpu.memory_space<vmem>>, vector<16xi32>,
      %get3A_190 = vector.shape_cast %get3A_189 : vector<16xi32> to vector<16xi32>
      %and3A_191 = arith.constant 1048575 : i32
      %and3A_192 = vector.broadcast %and3A_191 : i32 to vector<16xi32>
      %and3A_193 = arith.andi %get3A_190, %and3A_192 : vector<16xi32>
      %swap3A_194 = arith.index_cast %add3A_187 : i32 to index
      %swap3A_195 = tpu.vector_load %arg8[%swap3A_194] {strides = array<i32>} : memref<2560xi32, #tpu.memory_space<vmem>>, vector<16xi32>,
      %swap3A_196 = vector.shape_cast %swap3A_195 : vector<16xi32> to vector<16xi32>
      %swap3A_197 = vector.shape_cast %and3A_193 : vector<16xi32> to vector<16xi32>
      tpu.vector_store %arg8[%swap3A_194], %swap3A_197 {strides = array<i32>} : memref<2560xi32, #tpu.memory_space<vmem>>, vector<16xi32>,
      %mul3A_198 = arith.constant 128 : i32
      %mul3A_199 = arith.muli %scan3A_100, %mul3A_198 : i32
      %add3A_200 = arith.constant 112 : i32
      %add3A_201 = arith.addi %mul3A_199, %add3A_200 : i32
      %get3A_202 = arith.index_cast %add3A_201 : i32 to index
      %get3A_203 = tpu.vector_load %arg6[%get3A_202] {strides = array<i32>} : memref<2560xi32, #tpu.memory_space<vmem>>, vector<16xi32>,
      %get3A_204 = vector.shape_cast %get3A_203 : vector<16xi32> to vector<16xi32>
      %and3A_205 = arith.constant 1048575 : i32
      %and3A_206 = vector.broadcast %and3A_205 : i32 to vector<16xi32>
      %and3A_207 = arith.andi %get3A_204, %and3A_206 : vector<16xi32>
      %swap3A_208 = arith.index_cast %add3A_201 : i32 to index
      %swap3A_209 = tpu.vector_load %arg8[%swap3A_208] {strides = array<i32>} : memref<2560xi32, #tpu.memory_space<vmem>>, vector<16xi32>,
      %swap3A_210 = vector.shape_cast %swap3A_209 : vector<16xi32> to vector<16xi32>
      %swap3A_211 = vector.shape_cast %and3A_207 : vector<16xi32> to vector<16xi32>
      tpu.vector_store %arg8[%swap3A_208], %swap3A_211 {strides = array<i32>} : memref<2560xi32, #tpu.memory_space<vmem>>, vector<16xi32>,
    }
    %scan3A_43 = arith.constant 10 : i32
    %dma_start3A_44 = arith.constant 1280 : i32
    %dma_start3A_45 = tpu.memref_slice %arg9[%dma_start3A_44] : memref<2560xf32, #tpu.memory_space<vmem>> -> memref<1280xf32, #tpu.memory_space<vmem>>
    %dma_start3A_46 = arith.constant 1280 : i32
    %dma_start3A_47 = tpu.memref_slice %arg8[%dma_start3A_46] : memref<2560xi32, #tpu.memory_space<vmem>> -> memref<1280xi32, #tpu.memory_space<vmem>>
    %dma_start3A_48 = arith.constant 0 : i32
    %dma_start3A_49 = tpu.memref_slice %arg2[%dma_start3A_48] : memref<1048576xf32, #tpu.memory_space<hbm>> -> memref<1048576xf32, #tpu.memory_space<hbm>>
    tpu.enqueue_indirect_dma source(%dma_start3A_49 : memref<1048576xf32, #tpu.memory_space<hbm>>) target(%dma_start3A_45 : memref<1280xf32, #tpu.memory_space<vmem>>) offsets(%dma_start3A_47 : memref<1280xi32, #tpu.memory_space<vmem>>) semaphore(%arg14 : memref<!tpu.dma_semaphore, #tpu.memory_space<semaphore_mem>>)
    %dma_start3A_50 = arith.constant 1280 : i32
    %dma_start3A_51 = tpu.memref_slice %arg10[%dma_start3A_50] : memref<2560xf32, #tpu.memory_space<vmem>> -> memref<1280xf32, #tpu.memory_space<vmem>>
    %dma_start3A_52 = arith.constant 1280 : i32
    %dma_start3A_53 = tpu.memref_slice %arg7[%dma_start3A_52] : memref<2560xi32, #tpu.memory_space<vmem>> -> memref<1280xi32, #tpu.memory_space<vmem>>
    %dma_start3A_54 = arith.constant 0 : i32
    %dma_start3A_55 = tpu.memref_slice %arg2[%dma_start3A_54] : memref<1048576xf32, #tpu.memory_space<hbm>> -> memref<1048576xf32, #tpu.memory_space<hbm>>
    tpu.enqueue_indirect_dma source(%dma_start3A_55 : memref<1048576xf32, #tpu.memory_space<hbm>>) target(%dma_start3A_51 : memref<1280xf32, #tpu.memory_space<vmem>>) offsets(%dma_start3A_53 : memref<1280xi32, #tpu.memory_space<vmem>>) semaphore(%arg14 : memref<!tpu.dma_semaphore, #tpu.memory_space<semaphore_mem>>)
    %iota3A = tpu.iota {dimensions = array<i32: 0>} : vector<16xi32>
    %add3A_56 = arith.constant 2500 : i32
    %add3A_57 = arith.addi %add3A_10, %add3A_56 : i32
    %dma_wait3A_58 = arith.constant 0 : i32
    %dma_wait3A_59 = tpu.memref_slice %arg9[%dma_wait3A_58] : memref<2560xf32, #tpu.memory_space<vmem>> -> memref<1280xf32, #tpu.memory_space<vmem>>
    %dma_wait3A_60 = arith.constant 0 : i32
    %dma_wait3A_61 = tpu.memref_slice %arg8[%dma_wait3A_60] : memref<2560xi32, #tpu.memory_space<vmem>> -> memref<1280xi32, #tpu.memory_space<vmem>>
    %dma_wait3A_62 = arith.constant 0 : i32
    %dma_wait3A_63 = tpu.memref_slice %arg2[%dma_wait3A_62] : memref<1048576xf32, #tpu.memory_space<hbm>> -> memref<1048576xf32, #tpu.memory_space<hbm>>
    tpu.wait_indirect_dma semaphore(%arg13 : memref<!tpu.dma_semaphore, #tpu.memory_space<semaphore_mem>>) src(%dma_wait3A_63 : memref<1048576xf32, #tpu.memory_space<hbm>>) dst(%dma_wait3A_59 : memref<1280xf32, #tpu.memory_space<vmem>>)
    %dma_wait3A_64 = arith.constant 0 : i32
    %dma_wait3A_65 = tpu.memref_slice %arg10[%dma_wait3A_64] : memref<2560xf32, #tpu.memory_space<vmem>> -> memref<1280xf32, #tpu.memory_space<vmem>>
    %dma_wait3A_66 = arith.constant 0 : i32
    %dma_wait3A_67 = tpu.memref_slice %arg7[%dma_wait3A_66] : memref<2560xi32, #tpu.memory_space<vmem>> -> memref<1280xi32, #tpu.memory_space<vmem>>
    %dma_wait3A_68 = arith.constant 0 : i32
    %dma_wait3A_69 = tpu.memref_slice %arg2[%dma_wait3A_68] : memref<1048576xf32, #tpu.memory_space<hbm>> -> memref<1048576xf32, #tpu.memory_space<hbm>>
    tpu.wait_indirect_dma semaphore(%arg13 : memref<!tpu.dma_semaphore, #tpu.memory_space<semaphore_mem>>) src(%dma_wait3A_69 : memref<1048576xf32, #tpu.memory_space<hbm>>) dst(%dma_wait3A_65 : memref<1280xf32, #tpu.memory_space<vmem>>)
    %broadcast_in_dim3A = arith.constant 0.000000e+00 : f32
    %broadcast_in_dim3A_70 = vector.broadcast %broadcast_in_dim3A : f32 to vector<16xf32>
    %scan3A_71 = arith.constant 0 : i32
    %scan3A_72 = arith.constant 10 : i32
    %scan3A_73 = arith.addi %scan3A_71, %scan3A_72 : i32
    %scan3A_74 = arith.constant 1 : i32
    %scan3A_75 = scf.for %scan3A_100 = %scan3A_71 to %scan3A_73 step %scan3A_74 iter_args(%scan3A_101 = %broadcast_in_dim3A_70) -> (vector<16xf32>)  : i32 {
      %mul3A_102 = arith.constant 128 : i32
      %mul3A_103 = arith.muli %scan3A_100, %mul3A_102 : i32
      %add3A_104 = arith.constant 0 : i32
      %add3A_105 = arith.addi %mul3A_103, %add3A_104 : i32
      %get3A = arith.index_cast %add3A_105 : i32 to index
      %get3A_106 = tpu.vector_load %arg6[%get3A] {strides = array<i32>} : memref<2560xi32, #tpu.memory_space<vmem>>, vector<16xi32>,
      %get3A_107 = vector.shape_cast %get3A_106 : vector<16xi32> to vector<16xi32>
      %shift_right_arithmetic3A_108 = arith.constant 20 : i32
      %shift_right_arithmetic3A_109 = vector.broadcast %shift_right_arithmetic3A_108 : i32 to vector<16xi32>
      %shift_right_arithmetic3A_110 = arith.shrsi %get3A_107, %shift_right_arithmetic3A_109 : vector<16xi32>
      %convert_element_type3A = arith.sitofp %shift_right_arithmetic3A_110 : vector<16xi32> to vector<16xf32>
      %sub3A_111 = arith.constant 1.000000e+00 : f32
      %sub3A_112 = vector.broadcast %sub3A_111 : f32 to vector<16xf32>
      %sub3A_113 = arith.subf %convert_element_type3A, %sub3A_112 : vector<16xf32>
      %get3A_114 = arith.index_cast %add3A_105 : i32 to index
      %get3A_115 = tpu.vector_load %arg9[%get3A_114] {strides = array<i32>} : memref<2560xf32, #tpu.memory_space<vmem>>, vector<16xf32>,
      %get3A_116 = vector.shape_cast %get3A_115 : vector<16xf32> to vector<16xf32>
      %get3A_117 = arith.index_cast %add3A_105 : i32 to index
      %get3A_118 = tpu.vector_load %arg10[%get3A_117] {strides = array<i32>} : memref<2560xf32, #tpu.memory_space<vmem>>, vector<16xf32>,
      %get3A_119 = vector.shape_cast %get3A_118 : vector<16xf32> to vector<16xf32>
      %sub3A_120 = arith.subf %get3A_116, %get3A_119 : vector<16xf32>
      %mul3A_121 = arith.mulf %sub3A_113, %sub3A_120 : vector<16xf32>
      %abs3A = math.absf %mul3A_121 : vector<16xf32>
      %neg3A = arith.constant 0.000000e+00 : f32
      %neg3A_122 = vector.broadcast %neg3A : f32 to vector<16xf32>
      %neg3A_123 = arith.subf %neg3A_122, %abs3A : vector<16xf32>
      %exp3A = math.exp %neg3A_123 : vector<16xf32>
      %add3A_124 = arith.constant 2.000000e+00 : f32
      %add3A_125 = vector.broadcast %add3A_124 : f32 to vector<16xf32>
      %add3A_126 = arith.addf %add3A_125, %exp3A : vector<16xf32>
      %div3A = arith.divf %exp3A, %add3A_126 : vector<16xf32>
      %mul3A_127 = arith.mulf %div3A, %div3A : vector<16xf32>
      %mul3A_128 = arith.constant 0.222222224 : f32
      %mul3A_129 = vector.broadcast %mul3A_128 : f32 to vector<16xf32>
      %mul3A_130 = arith.mulf %mul3A_127, %mul3A_129 : vector<16xf32>
      %add3A_131 = arith.constant 0.285714298 : f32
      %add3A_132 = vector.broadcast %add3A_131 : f32 to vector<16xf32>
      %add3A_133 = arith.addf %add3A_132, %mul3A_130 : vector<16xf32>
      %mul3A_134 = arith.mulf %mul3A_127, %add3A_133 : vector<16xf32>
      %add3A_135 = arith.constant 4.000000e-01 : f32
      %add3A_136 = vector.broadcast %add3A_135 : f32 to vector<16xf32>
      %add3A_137 = arith.addf %add3A_136, %mul3A_134 : vector<16xf32>
      %mul3A_138 = arith.mulf %mul3A_127, %add3A_137 : vector<16xf32>
      %add3A_139 = arith.constant 0.666666686 : f32
      %add3A_140 = vector.broadcast %add3A_139 : f32 to vector<16xf32>
      %add3A_141 = arith.addf %add3A_140, %mul3A_138 : vector<16xf32>
      %mul3A_142 = arith.mulf %mul3A_127, %add3A_141 : vector<16xf32>
      %add3A_143 = arith.constant 2.000000e+00 : f32
      %add3A_144 = vector.broadcast %add3A_143 : f32 to vector<16xf32>
      %add3A_145 = arith.addf %add3A_144, %mul3A_142 : vector<16xf32>
      %mul3A_146 = arith.mulf %div3A, %add3A_145 : vector<16xf32>
      %neg3A_147 = arith.constant 0.000000e+00 : f32
      %neg3A_148 = vector.broadcast %neg3A_147 : f32 to vector<16xf32>
      %neg3A_149 = arith.subf %neg3A_148, %mul3A_121 : vector<16xf32>
      %max3A_150 = arith.constant 0.000000e+00 : f32
      %max3A_151 = vector.broadcast %max3A_150 : f32 to vector<16xf32>
      %max3A_152 = arith.maximumf %neg3A_149, %max3A_151 : vector<16xf32>
      %add3A_153 = arith.addf %max3A_152, %mul3A_146 : vector<16xf32>
      %abs3A_154 = math.absf %sub3A_113 : vector<16xf32>
      %mul3A_155 = arith.mulf %abs3A_154, %add3A_153 : vector<16xf32>
      %sub3A_156 = arith.constant 1.000000e+00 : f32
      %sub3A_157 = vector.broadcast %sub3A_156 : f32 to vector<16xf32>
      %sub3A_158 = arith.subf %sub3A_157, %abs3A_154 : vector<16xf32>
      %mul3A_159 = arith.mulf %sub3A_120, %sub3A_120 : vector<16xf32>
      %mul3A_160 = arith.mulf %sub3A_158, %mul3A_159 : vector<16xf32>
      %add3A_161 = arith.addf %mul3A_155, %mul3A_160 : vector<16xf32>
      %add3A_162 = vector.broadcast %add3A_105 : i32 to vector<16xi32>
      %add3A_163 = arith.addi %iota3A, %add3A_162 : vector<16xi32>
      %ge3A = vector.broadcast %add3A_10 : i32 to vector<16xi32>
      %ge3A_164 = arith.cmpi sge, %add3A_163, %ge3A : vector<16xi32>
      %lt3A = vector.broadcast %add3A_57 : i32 to vector<16xi32>
      %lt3A_165 = arith.cmpi slt, %add3A_163, %lt3A : vector<16xi32>
      %and3A_166 = arith.andi %ge3A_164, %lt3A_165 : vector<16xi1>
      %jit3A = arith.constant 0.000000e+00 : f32
      %broadcast_in_dim3A_167 = vector.broadcast %jit3A : f32 to vector<16xf32>
      %select_n3A = arith.select %and3A_166, %add3A_161, %broadcast_in_dim3A_167 : vector<16xi1>, vector<16xf32>
      %add3A_168 = arith.addf %scan3A_101, %select_n3A : vector<16xf32>
      %add3A_169 = arith.constant 16 : i32
      %add3A_170 = arith.addi %mul3A_103, %add3A_169 : i32
      %get3A_171 = arith.index_cast %add3A_170 : i32 to index
      %get3A_172 = tpu.vector_load %arg6[%get3A_171] {strides = array<i32>} : memref<2560xi32, #tpu.memory_space<vmem>>, vector<16xi32>,
      %get3A_173 = vector.shape_cast %get3A_172 : vector<16xi32> to vector<16xi32>
      %shift_right_arithmetic3A_174 = arith.constant 20 : i32
      %shift_right_arithmetic3A_175 = vector.broadcast %shift_right_arithmetic3A_174 : i32 to vector<16xi32>
      %shift_right_arithmetic3A_176 = arith.shrsi %get3A_173, %shift_right_arithmetic3A_175 : vector<16xi32>
      %convert_element_type3A_177 = arith.sitofp %shift_right_arithmetic3A_176 : vector<16xi32> to vector<16xf32>
      %sub3A_178 = arith.constant 1.000000e+00 : f32
      %sub3A_179 = vector.broadcast %sub3A_178 : f32 to vector<16xf32>
      %sub3A_180 = arith.subf %convert_element_type3A_177, %sub3A_179 : vector<16xf32>
      %get3A_181 = arith.index_cast %add3A_170 : i32 to index
      %get3A_182 = tpu.vector_load %arg9[%get3A_181] {strides = array<i32>} : memref<2560xf32, #tpu.memory_space<vmem>>, vector<16xf32>,
      %get3A_183 = vector.shape_cast %get3A_182 : vector<16xf32> to vector<16xf32>
      %get3A_184 = arith.index_cast %add3A_170 : i32 to index
      %get3A_185 = tpu.vector_load %arg10[%get3A_184] {strides = array<i32>} : memref<2560xf32, #tpu.memory_space<vmem>>, vector<16xf32>,
      %get3A_186 = vector.shape_cast %get3A_185 : vector<16xf32> to vector<16xf32>
      %sub3A_187 = arith.subf %get3A_183, %get3A_186 : vector<16xf32>
      %mul3A_188 = arith.mulf %sub3A_180, %sub3A_187 : vector<16xf32>
      %abs3A_189 = math.absf %mul3A_188 : vector<16xf32>
      %neg3A_190 = arith.constant 0.000000e+00 : f32
      %neg3A_191 = vector.broadcast %neg3A_190 : f32 to vector<16xf32>
      %neg3A_192 = arith.subf %neg3A_191, %abs3A_189 : vector<16xf32>
      %exp3A_193 = math.exp %neg3A_192 : vector<16xf32>
      %add3A_194 = arith.constant 2.000000e+00 : f32
      %add3A_195 = vector.broadcast %add3A_194 : f32 to vector<16xf32>
      %add3A_196 = arith.addf %add3A_195, %exp3A_193 : vector<16xf32>
      %div3A_197 = arith.divf %exp3A_193, %add3A_196 : vector<16xf32>
      %mul3A_198 = arith.mulf %div3A_197, %div3A_197 : vector<16xf32>
      %mul3A_199 = arith.constant 0.222222224 : f32
      %mul3A_200 = vector.broadcast %mul3A_199 : f32 to vector<16xf32>
      %mul3A_201 = arith.mulf %mul3A_198, %mul3A_200 : vector<16xf32>
      %add3A_202 = arith.constant 0.285714298 : f32
      %add3A_203 = vector.broadcast %add3A_202 : f32 to vector<16xf32>
      %add3A_204 = arith.addf %add3A_203, %mul3A_201 : vector<16xf32>
      %mul3A_205 = arith.mulf %mul3A_198, %add3A_204 : vector<16xf32>
      %add3A_206 = arith.constant 4.000000e-01 : f32
      %add3A_207 = vector.broadcast %add3A_206 : f32 to vector<16xf32>
      %add3A_208 = arith.addf %add3A_207, %mul3A_205 : vector<16xf32>
      %mul3A_209 = arith.mulf %mul3A_198, %add3A_208 : vector<16xf32>
      %add3A_210 = arith.constant 0.666666686 : f32
      %add3A_211 = vector.broadcast %add3A_210 : f32 to vector<16xf32>
      %add3A_212 = arith.addf %add3A_211, %mul3A_209 : vector<16xf32>
      %mul3A_213 = arith.mulf %mul3A_198, %add3A_212 : vector<16xf32>
      %add3A_214 = arith.constant 2.000000e+00 : f32
      %add3A_215 = vector.broadcast %add3A_214 : f32 to vector<16xf32>
      %add3A_216 = arith.addf %add3A_215, %mul3A_213 : vector<16xf32>
      %mul3A_217 = arith.mulf %div3A_197, %add3A_216 : vector<16xf32>
      %neg3A_218 = arith.constant 0.000000e+00 : f32
      %neg3A_219 = vector.broadcast %neg3A_218 : f32 to vector<16xf32>
      %neg3A_220 = arith.subf %neg3A_219, %mul3A_188 : vector<16xf32>
      %max3A_221 = arith.constant 0.000000e+00 : f32
      %max3A_222 = vector.broadcast %max3A_221 : f32 to vector<16xf32>
      %max3A_223 = arith.maximumf %neg3A_220, %max3A_222 : vector<16xf32>
      %add3A_224 = arith.addf %max3A_223, %mul3A_217 : vector<16xf32>
      %abs3A_225 = math.absf %sub3A_180 : vector<16xf32>
      %mul3A_226 = arith.mulf %abs3A_225, %add3A_224 : vector<16xf32>
      %sub3A_227 = arith.constant 1.000000e+00 : f32
      %sub3A_228 = vector.broadcast %sub3A_227 : f32 to vector<16xf32>
      %sub3A_229 = arith.subf %sub3A_228, %abs3A_225 : vector<16xf32>
      %mul3A_230 = arith.mulf %sub3A_187, %sub3A_187 : vector<16xf32>
      %mul3A_231 = arith.mulf %sub3A_229, %mul3A_230 : vector<16xf32>
      %add3A_232 = arith.addf %mul3A_226, %mul3A_231 : vector<16xf32>
      %add3A_233 = vector.broadcast %add3A_170 : i32 to vector<16xi32>
      %add3A_234 = arith.addi %iota3A, %add3A_233 : vector<16xi32>
      %ge3A_235 = vector.broadcast %add3A_10 : i32 to vector<16xi32>
      %ge3A_236 = arith.cmpi sge, %add3A_234, %ge3A_235 : vector<16xi32>
      %lt3A_237 = vector.broadcast %add3A_57 : i32 to vector<16xi32>
      %lt3A_238 = arith.cmpi slt, %add3A_234, %lt3A_237 : vector<16xi32>
      %and3A_239 = arith.andi %ge3A_236, %lt3A_238 : vector<16xi1>
      %jit3A_240 = arith.constant 0.000000e+00 : f32
      %broadcast_in_dim3A_241 = vector.broadcast %jit3A_240 : f32 to vector<16xf32>
      %select_n3A_242 = arith.select %and3A_239, %add3A_232, %broadcast_in_dim3A_241 : vector<16xi1>, vector<16xf32>
      %add3A_243 = arith.addf %add3A_168, %select_n3A_242 : vector<16xf32>
      %add3A_244 = arith.constant 32 : i32
      %add3A_245 = arith.addi %mul3A_103, %add3A_244 : i32
      %get3A_246 = arith.index_cast %add3A_245 : i32 to index
      %get3A_247 = tpu.vector_load %arg6[%get3A_246] {strides = array<i32>} : memref<2560xi32, #tpu.memory_space<vmem>>, vector<16xi32>,
      %get3A_248 = vector.shape_cast %get3A_247 : vector<16xi32> to vector<16xi32>
      %shift_right_arithmetic3A_249 = arith.constant 20 : i32
      %shift_right_arithmetic3A_250 = vector.broadcast %shift_right_arithmetic3A_249 : i32 to vector<16xi32>
      %shift_right_arithmetic3A_251 = arith.shrsi %get3A_248, %shift_right_arithmetic3A_250 : vector<16xi32>
      %convert_element_type3A_252 = arith.sitofp %shift_right_arithmetic3A_251 : vector<16xi32> to vector<16xf32>
      %sub3A_253 = arith.constant 1.000000e+00 : f32
      %sub3A_254 = vector.broadcast %sub3A_253 : f32 to vector<16xf32>
      %sub3A_255 = arith.subf %convert_element_type3A_252, %sub3A_254 : vector<16xf32>
      %get3A_256 = arith.index_cast %add3A_245 : i32 to index
      %get3A_257 = tpu.vector_load %arg9[%get3A_256] {strides = array<i32>} : memref<2560xf32, #tpu.memory_space<vmem>>, vector<16xf32>,
      %get3A_258 = vector.shape_cast %get3A_257 : vector<16xf32> to vector<16xf32>
      %get3A_259 = arith.index_cast %add3A_245 : i32 to index
      %get3A_260 = tpu.vector_load %arg10[%get3A_259] {strides = array<i32>} : memref<2560xf32, #tpu.memory_space<vmem>>, vector<16xf32>,
      %get3A_261 = vector.shape_cast %get3A_260 : vector<16xf32> to vector<16xf32>
      %sub3A_262 = arith.subf %get3A_258, %get3A_261 : vector<16xf32>
      %mul3A_263 = arith.mulf %sub3A_255, %sub3A_262 : vector<16xf32>
      %abs3A_264 = math.absf %mul3A_263 : vector<16xf32>
      %neg3A_265 = arith.constant 0.000000e+00 : f32
      %neg3A_266 = vector.broadcast %neg3A_265 : f32 to vector<16xf32>
      %neg3A_267 = arith.subf %neg3A_266, %abs3A_264 : vector<16xf32>
      %exp3A_268 = math.exp %neg3A_267 : vector<16xf32>
      %add3A_269 = arith.constant 2.000000e+00 : f32
      %add3A_270 = vector.broadcast %add3A_269 : f32 to vector<16xf32>
      %add3A_271 = arith.addf %add3A_270, %exp3A_268 : vector<16xf32>
      %div3A_272 = arith.divf %exp3A_268, %add3A_271 : vector<16xf32>
      %mul3A_273 = arith.mulf %div3A_272, %div3A_272 : vector<16xf32>
      %mul3A_274 = arith.constant 0.222222224 : f32
      %mul3A_275 = vector.broadcast %mul3A_274 : f32 to vector<16xf32>
      %mul3A_276 = arith.mulf %mul3A_273, %mul3A_275 : vector<16xf32>
      %add3A_277 = arith.constant 0.285714298 : f32
      %add3A_278 = vector.broadcast %add3A_277 : f32 to vector<16xf32>
      %add3A_279 = arith.addf %add3A_278, %mul3A_276 : vector<16xf32>
      %mul3A_280 = arith.mulf %mul3A_273, %add3A_279 : vector<16xf32>
      %add3A_281 = arith.constant 4.000000e-01 : f32
      %add3A_282 = vector.broadcast %add3A_281 : f32 to vector<16xf32>
      %add3A_283 = arith.addf %add3A_282, %mul3A_280 : vector<16xf32>
      %mul3A_284 = arith.mulf %mul3A_273, %add3A_283 : vector<16xf32>
      %add3A_285 = arith.constant 0.666666686 : f32
      %add3A_286 = vector.broadcast %add3A_285 : f32 to vector<16xf32>
      %add3A_287 = arith.addf %add3A_286, %mul3A_284 : vector<16xf32>
      %mul3A_288 = arith.mulf %mul3A_273, %add3A_287 : vector<16xf32>
      %add3A_289 = arith.constant 2.000000e+00 : f32
      %add3A_290 = vector.broadcast %add3A_289 : f32 to vector<16xf32>
      %add3A_291 = arith.addf %add3A_290, %mul3A_288 : vector<16xf32>
      %mul3A_292 = arith.mulf %div3A_272, %add3A_291 : vector<16xf32>
      %neg3A_293 = arith.constant 0.000000e+00 : f32
      %neg3A_294 = vector.broadcast %neg3A_293 : f32 to vector<16xf32>
      %neg3A_295 = arith.subf %neg3A_294, %mul3A_263 : vector<16xf32>
      %max3A_296 = arith.constant 0.000000e+00 : f32
      %max3A_297 = vector.broadcast %max3A_296 : f32 to vector<16xf32>
      %max3A_298 = arith.maximumf %neg3A_295, %max3A_297 : vector<16xf32>
      %add3A_299 = arith.addf %max3A_298, %mul3A_292 : vector<16xf32>
      %abs3A_300 = math.absf %sub3A_255 : vector<16xf32>
      %mul3A_301 = arith.mulf %abs3A_300, %add3A_299 : vector<16xf32>
      %sub3A_302 = arith.constant 1.000000e+00 : f32
      %sub3A_303 = vector.broadcast %sub3A_302 : f32 to vector<16xf32>
      %sub3A_304 = arith.subf %sub3A_303, %abs3A_300 : vector<16xf32>
      %mul3A_305 = arith.mulf %sub3A_262, %sub3A_262 : vector<16xf32>
      %mul3A_306 = arith.mulf %sub3A_304, %mul3A_305 : vector<16xf32>
      %add3A_307 = arith.addf %mul3A_301, %mul3A_306 : vector<16xf32>
      %add3A_308 = vector.broadcast %add3A_245 : i32 to vector<16xi32>
      %add3A_309 = arith.addi %iota3A, %add3A_308 : vector<16xi32>
      %ge3A_310 = vector.broadcast %add3A_10 : i32 to vector<16xi32>
      %ge3A_311 = arith.cmpi sge, %add3A_309, %ge3A_310 : vector<16xi32>
      %lt3A_312 = vector.broadcast %add3A_57 : i32 to vector<16xi32>
      %lt3A_313 = arith.cmpi slt, %add3A_309, %lt3A_312 : vector<16xi32>
      %and3A_314 = arith.andi %ge3A_311, %lt3A_313 : vector<16xi1>
      %jit3A_315 = arith.constant 0.000000e+00 : f32
      %broadcast_in_dim3A_316 = vector.broadcast %jit3A_315 : f32 to vector<16xf32>
      %select_n3A_317 = arith.select %and3A_314, %add3A_307, %broadcast_in_dim3A_316 : vector<16xi1>, vector<16xf32>
      %add3A_318 = arith.addf %add3A_243, %select_n3A_317 : vector<16xf32>
      %add3A_319 = arith.constant 48 : i32
      %add3A_320 = arith.addi %mul3A_103, %add3A_319 : i32
      %get3A_321 = arith.index_cast %add3A_320 : i32 to index
      %get3A_322 = tpu.vector_load %arg6[%get3A_321] {strides = array<i32>} : memref<2560xi32, #tpu.memory_space<vmem>>, vector<16xi32>,
      %get3A_323 = vector.shape_cast %get3A_322 : vector<16xi32> to vector<16xi32>
      %shift_right_arithmetic3A_324 = arith.constant 20 : i32
      %shift_right_arithmetic3A_325 = vector.broadcast %shift_right_arithmetic3A_324 : i32 to vector<16xi32>
      %shift_right_arithmetic3A_326 = arith.shrsi %get3A_323, %shift_right_arithmetic3A_325 : vector<16xi32>
      %convert_element_type3A_327 = arith.sitofp %shift_right_arithmetic3A_326 : vector<16xi32> to vector<16xf32>
      %sub3A_328 = arith.constant 1.000000e+00 : f32
      %sub3A_329 = vector.broadcast %sub3A_328 : f32 to vector<16xf32>
      %sub3A_330 = arith.subf %convert_element_type3A_327, %sub3A_329 : vector<16xf32>
      %get3A_331 = arith.index_cast %add3A_320 : i32 to index
      %get3A_332 = tpu.vector_load %arg9[%get3A_331] {strides = array<i32>} : memref<2560xf32, #tpu.memory_space<vmem>>, vector<16xf32>,
      %get3A_333 = vector.shape_cast %get3A_332 : vector<16xf32> to vector<16xf32>
      %get3A_334 = arith.index_cast %add3A_320 : i32 to index
      %get3A_335 = tpu.vector_load %arg10[%get3A_334] {strides = array<i32>} : memref<2560xf32, #tpu.memory_space<vmem>>, vector<16xf32>,
      %get3A_336 = vector.shape_cast %get3A_335 : vector<16xf32> to vector<16xf32>
      %sub3A_337 = arith.subf %get3A_333, %get3A_336 : vector<16xf32>
      %mul3A_338 = arith.mulf %sub3A_330, %sub3A_337 : vector<16xf32>
      %abs3A_339 = math.absf %mul3A_338 : vector<16xf32>
      %neg3A_340 = arith.constant 0.000000e+00 : f32
      %neg3A_341 = vector.broadcast %neg3A_340 : f32 to vector<16xf32>
      %neg3A_342 = arith.subf %neg3A_341, %abs3A_339 : vector<16xf32>
      %exp3A_343 = math.exp %neg3A_342 : vector<16xf32>
      %add3A_344 = arith.constant 2.000000e+00 : f32
      %add3A_345 = vector.broadcast %add3A_344 : f32 to vector<16xf32>
      %add3A_346 = arith.addf %add3A_345, %exp3A_343 : vector<16xf32>
      %div3A_347 = arith.divf %exp3A_343, %add3A_346 : vector<16xf32>
      %mul3A_348 = arith.mulf %div3A_347, %div3A_347 : vector<16xf32>
      %mul3A_349 = arith.constant 0.222222224 : f32
      %mul3A_350 = vector.broadcast %mul3A_349 : f32 to vector<16xf32>
      %mul3A_351 = arith.mulf %mul3A_348, %mul3A_350 : vector<16xf32>
      %add3A_352 = arith.constant 0.285714298 : f32
      %add3A_353 = vector.broadcast %add3A_352 : f32 to vector<16xf32>
      %add3A_354 = arith.addf %add3A_353, %mul3A_351 : vector<16xf32>
      %mul3A_355 = arith.mulf %mul3A_348, %add3A_354 : vector<16xf32>
      %add3A_356 = arith.constant 4.000000e-01 : f32
      %add3A_357 = vector.broadcast %add3A_356 : f32 to vector<16xf32>
      %add3A_358 = arith.addf %add3A_357, %mul3A_355 : vector<16xf32>
      %mul3A_359 = arith.mulf %mul3A_348, %add3A_358 : vector<16xf32>
      %add3A_360 = arith.constant 0.666666686 : f32
      %add3A_361 = vector.broadcast %add3A_360 : f32 to vector<16xf32>
      %add3A_362 = arith.addf %add3A_361, %mul3A_359 : vector<16xf32>
      %mul3A_363 = arith.mulf %mul3A_348, %add3A_362 : vector<16xf32>
      %add3A_364 = arith.constant 2.000000e+00 : f32
      %add3A_365 = vector.broadcast %add3A_364 : f32 to vector<16xf32>
      %add3A_366 = arith.addf %add3A_365, %mul3A_363 : vector<16xf32>
      %mul3A_367 = arith.mulf %div3A_347, %add3A_366 : vector<16xf32>
      %neg3A_368 = arith.constant 0.000000e+00 : f32
      %neg3A_369 = vector.broadcast %neg3A_368 : f32 to vector<16xf32>
      %neg3A_370 = arith.subf %neg3A_369, %mul3A_338 : vector<16xf32>
      %max3A_371 = arith.constant 0.000000e+00 : f32
      %max3A_372 = vector.broadcast %max3A_371 : f32 to vector<16xf32>
      %max3A_373 = arith.maximumf %neg3A_370, %max3A_372 : vector<16xf32>
      %add3A_374 = arith.addf %max3A_373, %mul3A_367 : vector<16xf32>
      %abs3A_375 = math.absf %sub3A_330 : vector<16xf32>
      %mul3A_376 = arith.mulf %abs3A_375, %add3A_374 : vector<16xf32>
      %sub3A_377 = arith.constant 1.000000e+00 : f32
      %sub3A_378 = vector.broadcast %sub3A_377 : f32 to vector<16xf32>
      %sub3A_379 = arith.subf %sub3A_378, %abs3A_375 : vector<16xf32>
      %mul3A_380 = arith.mulf %sub3A_337, %sub3A_337 : vector<16xf32>
      %mul3A_381 = arith.mulf %sub3A_379, %mul3A_380 : vector<16xf32>
      %add3A_382 = arith.addf %mul3A_376, %mul3A_381 : vector<16xf32>
      %add3A_383 = vector.broadcast %add3A_320 : i32 to vector<16xi32>
      %add3A_384 = arith.addi %iota3A, %add3A_383 : vector<16xi32>
      %ge3A_385 = vector.broadcast %add3A_10 : i32 to vector<16xi32>
      %ge3A_386 = arith.cmpi sge, %add3A_384, %ge3A_385 : vector<16xi32>
      %lt3A_387 = vector.broadcast %add3A_57 : i32 to vector<16xi32>
      %lt3A_388 = arith.cmpi slt, %add3A_384, %lt3A_387 : vector<16xi32>
      %and3A_389 = arith.andi %ge3A_386, %lt3A_388 : vector<16xi1>
      %jit3A_390 = arith.constant 0.000000e+00 : f32
      %broadcast_in_dim3A_391 = vector.broadcast %jit3A_390 : f32 to vector<16xf32>
      %select_n3A_392 = arith.select %and3A_389, %add3A_382, %broadcast_in_dim3A_391 : vector<16xi1>, vector<16xf32>
      %add3A_393 = arith.addf %add3A_318, %select_n3A_392 : vector<16xf32>
      %add3A_394 = arith.constant 64 : i32
      %add3A_395 = arith.addi %mul3A_103, %add3A_394 : i32
      %get3A_396 = arith.index_cast %add3A_395 : i32 to index
      %get3A_397 = tpu.vector_load %arg6[%get3A_396] {strides = array<i32>} : memref<2560xi32, #tpu.memory_space<vmem>>, vector<16xi32>,
      %get3A_398 = vector.shape_cast %get3A_397 : vector<16xi32> to vector<16xi32>
      %shift_right_arithmetic3A_399 = arith.constant 20 : i32
      %shift_right_arithmetic3A_400 = vector.broadcast %shift_right_arithmetic3A_399 : i32 to vector<16xi32>
      %shift_right_arithmetic3A_401 = arith.shrsi %get3A_398, %shift_right_arithmetic3A_400 : vector<16xi32>
      %convert_element_type3A_402 = arith.sitofp %shift_right_arithmetic3A_401 : vector<16xi32> to vector<16xf32>
      %sub3A_403 = arith.constant 1.000000e+00 : f32
      %sub3A_404 = vector.broadcast %sub3A_403 : f32 to vector<16xf32>
      %sub3A_405 = arith.subf %convert_element_type3A_402, %sub3A_404 : vector<16xf32>
      %get3A_406 = arith.index_cast %add3A_395 : i32 to index
      %get3A_407 = tpu.vector_load %arg9[%get3A_406] {strides = array<i32>} : memref<2560xf32, #tpu.memory_space<vmem>>, vector<16xf32>,
      %get3A_408 = vector.shape_cast %get3A_407 : vector<16xf32> to vector<16xf32>
      %get3A_409 = arith.index_cast %add3A_395 : i32 to index
      %get3A_410 = tpu.vector_load %arg10[%get3A_409] {strides = array<i32>} : memref<2560xf32, #tpu.memory_space<vmem>>, vector<16xf32>,
      %get3A_411 = vector.shape_cast %get3A_410 : vector<16xf32> to vector<16xf32>
      %sub3A_412 = arith.subf %get3A_408, %get3A_411 : vector<16xf32>
      %mul3A_413 = arith.mulf %sub3A_405, %sub3A_412 : vector<16xf32>
      %abs3A_414 = math.absf %mul3A_413 : vector<16xf32>
      %neg3A_415 = arith.constant 0.000000e+00 : f32
      %neg3A_416 = vector.broadcast %neg3A_415 : f32 to vector<16xf32>
      %neg3A_417 = arith.subf %neg3A_416, %abs3A_414 : vector<16xf32>
      %exp3A_418 = math.exp %neg3A_417 : vector<16xf32>
      %add3A_419 = arith.constant 2.000000e+00 : f32
      %add3A_420 = vector.broadcast %add3A_419 : f32 to vector<16xf32>
      %add3A_421 = arith.addf %add3A_420, %exp3A_418 : vector<16xf32>
      %div3A_422 = arith.divf %exp3A_418, %add3A_421 : vector<16xf32>
      %mul3A_423 = arith.mulf %div3A_422, %div3A_422 : vector<16xf32>
      %mul3A_424 = arith.constant 0.222222224 : f32
      %mul3A_425 = vector.broadcast %mul3A_424 : f32 to vector<16xf32>
      %mul3A_426 = arith.mulf %mul3A_423, %mul3A_425 : vector<16xf32>
      %add3A_427 = arith.constant 0.285714298 : f32
      %add3A_428 = vector.broadcast %add3A_427 : f32 to vector<16xf32>
      %add3A_429 = arith.addf %add3A_428, %mul3A_426 : vector<16xf32>
      %mul3A_430 = arith.mulf %mul3A_423, %add3A_429 : vector<16xf32>
      %add3A_431 = arith.constant 4.000000e-01 : f32
      %add3A_432 = vector.broadcast %add3A_431 : f32 to vector<16xf32>
      %add3A_433 = arith.addf %add3A_432, %mul3A_430 : vector<16xf32>
      %mul3A_434 = arith.mulf %mul3A_423, %add3A_433 : vector<16xf32>
      %add3A_435 = arith.constant 0.666666686 : f32
      %add3A_436 = vector.broadcast %add3A_435 : f32 to vector<16xf32>
      %add3A_437 = arith.addf %add3A_436, %mul3A_434 : vector<16xf32>
      %mul3A_438 = arith.mulf %mul3A_423, %add3A_437 : vector<16xf32>
      %add3A_439 = arith.constant 2.000000e+00 : f32
      %add3A_440 = vector.broadcast %add3A_439 : f32 to vector<16xf32>
      %add3A_441 = arith.addf %add3A_440, %mul3A_438 : vector<16xf32>
      %mul3A_442 = arith.mulf %div3A_422, %add3A_441 : vector<16xf32>
      %neg3A_443 = arith.constant 0.000000e+00 : f32
      %neg3A_444 = vector.broadcast %neg3A_443 : f32 to vector<16xf32>
      %neg3A_445 = arith.subf %neg3A_444, %mul3A_413 : vector<16xf32>
      %max3A_446 = arith.constant 0.000000e+00 : f32
      %max3A_447 = vector.broadcast %max3A_446 : f32 to vector<16xf32>
      %max3A_448 = arith.maximumf %neg3A_445, %max3A_447 : vector<16xf32>
      %add3A_449 = arith.addf %max3A_448, %mul3A_442 : vector<16xf32>
      %abs3A_450 = math.absf %sub3A_405 : vector<16xf32>
      %mul3A_451 = arith.mulf %abs3A_450, %add3A_449 : vector<16xf32>
      %sub3A_452 = arith.constant 1.000000e+00 : f32
      %sub3A_453 = vector.broadcast %sub3A_452 : f32 to vector<16xf32>
      %sub3A_454 = arith.subf %sub3A_453, %abs3A_450 : vector<16xf32>
      %mul3A_455 = arith.mulf %sub3A_412, %sub3A_412 : vector<16xf32>
      %mul3A_456 = arith.mulf %sub3A_454, %mul3A_455 : vector<16xf32>
      %add3A_457 = arith.addf %mul3A_451, %mul3A_456 : vector<16xf32>
      %add3A_458 = vector.broadcast %add3A_395 : i32 to vector<16xi32>
      %add3A_459 = arith.addi %iota3A, %add3A_458 : vector<16xi32>
      %ge3A_460 = vector.broadcast %add3A_10 : i32 to vector<16xi32>
      %ge3A_461 = arith.cmpi sge, %add3A_459, %ge3A_460 : vector<16xi32>
      %lt3A_462 = vector.broadcast %add3A_57 : i32 to vector<16xi32>
      %lt3A_463 = arith.cmpi slt, %add3A_459, %lt3A_462 : vector<16xi32>
      %and3A_464 = arith.andi %ge3A_461, %lt3A_463 : vector<16xi1>
      %jit3A_465 = arith.constant 0.000000e+00 : f32
      %broadcast_in_dim3A_466 = vector.broadcast %jit3A_465 : f32 to vector<16xf32>
      %select_n3A_467 = arith.select %and3A_464, %add3A_457, %broadcast_in_dim3A_466 : vector<16xi1>, vector<16xf32>
      %add3A_468 = arith.addf %add3A_393, %select_n3A_467 : vector<16xf32>
      %add3A_469 = arith.constant 80 : i32
      %add3A_470 = arith.addi %mul3A_103, %add3A_469 : i32
      %get3A_471 = arith.index_cast %add3A_470 : i32 to index
      %get3A_472 = tpu.vector_load %arg6[%get3A_471] {strides = array<i32>} : memref<2560xi32, #tpu.memory_space<vmem>>, vector<16xi32>,
      %get3A_473 = vector.shape_cast %get3A_472 : vector<16xi32> to vector<16xi32>
      %shift_right_arithmetic3A_474 = arith.constant 20 : i32
      %shift_right_arithmetic3A_475 = vector.broadcast %shift_right_arithmetic3A_474 : i32 to vector<16xi32>
      %shift_right_arithmetic3A_476 = arith.shrsi %get3A_473, %shift_right_arithmetic3A_475 : vector<16xi32>
      %convert_element_type3A_477 = arith.sitofp %shift_right_arithmetic3A_476 : vector<16xi32> to vector<16xf32>
      %sub3A_478 = arith.constant 1.000000e+00 : f32
      %sub3A_479 = vector.broadcast %sub3A_478 : f32 to vector<16xf32>
      %sub3A_480 = arith.subf %convert_element_type3A_477, %sub3A_479 : vector<16xf32>
      %get3A_481 = arith.index_cast %add3A_470 : i32 to index
      %get3A_482 = tpu.vector_load %arg9[%get3A_481] {strides = array<i32>} : memref<2560xf32, #tpu.memory_space<vmem>>, vector<16xf32>,
      %get3A_483 = vector.shape_cast %get3A_482 : vector<16xf32> to vector<16xf32>
      %get3A_484 = arith.index_cast %add3A_470 : i32 to index
      %get3A_485 = tpu.vector_load %arg10[%get3A_484] {strides = array<i32>} : memref<2560xf32, #tpu.memory_space<vmem>>, vector<16xf32>,
      %get3A_486 = vector.shape_cast %get3A_485 : vector<16xf32> to vector<16xf32>
      %sub3A_487 = arith.subf %get3A_483, %get3A_486 : vector<16xf32>
      %mul3A_488 = arith.mulf %sub3A_480, %sub3A_487 : vector<16xf32>
      %abs3A_489 = math.absf %mul3A_488 : vector<16xf32>
      %neg3A_490 = arith.constant 0.000000e+00 : f32
      %neg3A_491 = vector.broadcast %neg3A_490 : f32 to vector<16xf32>
      %neg3A_492 = arith.subf %neg3A_491, %abs3A_489 : vector<16xf32>
      %exp3A_493 = math.exp %neg3A_492 : vector<16xf32>
      %add3A_494 = arith.constant 2.000000e+00 : f32
      %add3A_495 = vector.broadcast %add3A_494 : f32 to vector<16xf32>
      %add3A_496 = arith.addf %add3A_495, %exp3A_493 : vector<16xf32>
      %div3A_497 = arith.divf %exp3A_493, %add3A_496 : vector<16xf32>
      %mul3A_498 = arith.mulf %div3A_497, %div3A_497 : vector<16xf32>
      %mul3A_499 = arith.constant 0.222222224 : f32
      %mul3A_500 = vector.broadcast %mul3A_499 : f32 to vector<16xf32>
      %mul3A_501 = arith.mulf %mul3A_498, %mul3A_500 : vector<16xf32>
      %add3A_502 = arith.constant 0.285714298 : f32
      %add3A_503 = vector.broadcast %add3A_502 : f32 to vector<16xf32>
      %add3A_504 = arith.addf %add3A_503, %mul3A_501 : vector<16xf32>
      %mul3A_505 = arith.mulf %mul3A_498, %add3A_504 : vector<16xf32>
      %add3A_506 = arith.constant 4.000000e-01 : f32
      %add3A_507 = vector.broadcast %add3A_506 : f32 to vector<16xf32>
      %add3A_508 = arith.addf %add3A_507, %mul3A_505 : vector<16xf32>
      %mul3A_509 = arith.mulf %mul3A_498, %add3A_508 : vector<16xf32>
      %add3A_510 = arith.constant 0.666666686 : f32
      %add3A_511 = vector.broadcast %add3A_510 : f32 to vector<16xf32>
      %add3A_512 = arith.addf %add3A_511, %mul3A_509 : vector<16xf32>
      %mul3A_513 = arith.mulf %mul3A_498, %add3A_512 : vector<16xf32>
      %add3A_514 = arith.constant 2.000000e+00 : f32
      %add3A_515 = vector.broadcast %add3A_514 : f32 to vector<16xf32>
      %add3A_516 = arith.addf %add3A_515, %mul3A_513 : vector<16xf32>
      %mul3A_517 = arith.mulf %div3A_497, %add3A_516 : vector<16xf32>
      %neg3A_518 = arith.constant 0.000000e+00 : f32
      %neg3A_519 = vector.broadcast %neg3A_518 : f32 to vector<16xf32>
      %neg3A_520 = arith.subf %neg3A_519, %mul3A_488 : vector<16xf32>
      %max3A_521 = arith.constant 0.000000e+00 : f32
      %max3A_522 = vector.broadcast %max3A_521 : f32 to vector<16xf32>
      %max3A_523 = arith.maximumf %neg3A_520, %max3A_522 : vector<16xf32>
      %add3A_524 = arith.addf %max3A_523, %mul3A_517 : vector<16xf32>
      %abs3A_525 = math.absf %sub3A_480 : vector<16xf32>
      %mul3A_526 = arith.mulf %abs3A_525, %add3A_524 : vector<16xf32>
      %sub3A_527 = arith.constant 1.000000e+00 : f32
      %sub3A_528 = vector.broadcast %sub3A_527 : f32 to vector<16xf32>
      %sub3A_529 = arith.subf %sub3A_528, %abs3A_525 : vector<16xf32>
      %mul3A_530 = arith.mulf %sub3A_487, %sub3A_487 : vector<16xf32>
      %mul3A_531 = arith.mulf %sub3A_529, %mul3A_530 : vector<16xf32>
      %add3A_532 = arith.addf %mul3A_526, %mul3A_531 : vector<16xf32>
      %add3A_533 = vector.broadcast %add3A_470 : i32 to vector<16xi32>
      %add3A_534 = arith.addi %iota3A, %add3A_533 : vector<16xi32>
      %ge3A_535 = vector.broadcast %add3A_10 : i32 to vector<16xi32>
      %ge3A_536 = arith.cmpi sge, %add3A_534, %ge3A_535 : vector<16xi32>
      %lt3A_537 = vector.broadcast %add3A_57 : i32 to vector<16xi32>
      %lt3A_538 = arith.cmpi slt, %add3A_534, %lt3A_537 : vector<16xi32>
      %and3A_539 = arith.andi %ge3A_536, %lt3A_538 : vector<16xi1>
      %jit3A_540 = arith.constant 0.000000e+00 : f32
      %broadcast_in_dim3A_541 = vector.broadcast %jit3A_540 : f32 to vector<16xf32>
      %select_n3A_542 = arith.select %and3A_539, %add3A_532, %broadcast_in_dim3A_541 : vector<16xi1>, vector<16xf32>
      %add3A_543 = arith.addf %add3A_468, %select_n3A_542 : vector<16xf32>
      %add3A_544 = arith.constant 96 : i32
      %add3A_545 = arith.addi %mul3A_103, %add3A_544 : i32
      %get3A_546 = arith.index_cast %add3A_545 : i32 to index
      %get3A_547 = tpu.vector_load %arg6[%get3A_546] {strides = array<i32>} : memref<2560xi32, #tpu.memory_space<vmem>>, vector<16xi32>,
      %get3A_548 = vector.shape_cast %get3A_547 : vector<16xi32> to vector<16xi32>
      %shift_right_arithmetic3A_549 = arith.constant 20 : i32
      %shift_right_arithmetic3A_550 = vector.broadcast %shift_right_arithmetic3A_549 : i32 to vector<16xi32>
      %shift_right_arithmetic3A_551 = arith.shrsi %get3A_548, %shift_right_arithmetic3A_550 : vector<16xi32>
      %convert_element_type3A_552 = arith.sitofp %shift_right_arithmetic3A_551 : vector<16xi32> to vector<16xf32>
      %sub3A_553 = arith.constant 1.000000e+00 : f32
      %sub3A_554 = vector.broadcast %sub3A_553 : f32 to vector<16xf32>
      %sub3A_555 = arith.subf %convert_element_type3A_552, %sub3A_554 : vector<16xf32>
      %get3A_556 = arith.index_cast %add3A_545 : i32 to index
      %get3A_557 = tpu.vector_load %arg9[%get3A_556] {strides = array<i32>} : memref<2560xf32, #tpu.memory_space<vmem>>, vector<16xf32>,
      %get3A_558 = vector.shape_cast %get3A_557 : vector<16xf32> to vector<16xf32>
      %get3A_559 = arith.index_cast %add3A_545 : i32 to index
      %get3A_560 = tpu.vector_load %arg10[%get3A_559] {strides = array<i32>} : memref<2560xf32, #tpu.memory_space<vmem>>, vector<16xf32>,
      %get3A_561 = vector.shape_cast %get3A_560 : vector<16xf32> to vector<16xf32>
      %sub3A_562 = arith.subf %get3A_558, %get3A_561 : vector<16xf32>
      %mul3A_563 = arith.mulf %sub3A_555, %sub3A_562 : vector<16xf32>
      %abs3A_564 = math.absf %mul3A_563 : vector<16xf32>
      %neg3A_565 = arith.constant 0.000000e+00 : f32
      %neg3A_566 = vector.broadcast %neg3A_565 : f32 to vector<16xf32>
      %neg3A_567 = arith.subf %neg3A_566, %abs3A_564 : vector<16xf32>
      %exp3A_568 = math.exp %neg3A_567 : vector<16xf32>
      %add3A_569 = arith.constant 2.000000e+00 : f32
      %add3A_570 = vector.broadcast %add3A_569 : f32 to vector<16xf32>
      %add3A_571 = arith.addf %add3A_570, %exp3A_568 : vector<16xf32>
      %div3A_572 = arith.divf %exp3A_568, %add3A_571 : vector<16xf32>
      %mul3A_573 = arith.mulf %div3A_572, %div3A_572 : vector<16xf32>
      %mul3A_574 = arith.constant 0.222222224 : f32
      %mul3A_575 = vector.broadcast %mul3A_574 : f32 to vector<16xf32>
      %mul3A_576 = arith.mulf %mul3A_573, %mul3A_575 : vector<16xf32>
      %add3A_577 = arith.constant 0.285714298 : f32
      %add3A_578 = vector.broadcast %add3A_577 : f32 to vector<16xf32>
      %add3A_579 = arith.addf %add3A_578, %mul3A_576 : vector<16xf32>
      %mul3A_580 = arith.mulf %mul3A_573, %add3A_579 : vector<16xf32>
      %add3A_581 = arith.constant 4.000000e-01 : f32
      %add3A_582 = vector.broadcast %add3A_581 : f32 to vector<16xf32>
      %add3A_583 = arith.addf %add3A_582, %mul3A_580 : vector<16xf32>
      %mul3A_584 = arith.mulf %mul3A_573, %add3A_583 : vector<16xf32>
      %add3A_585 = arith.constant 0.666666686 : f32
      %add3A_586 = vector.broadcast %add3A_585 : f32 to vector<16xf32>
      %add3A_587 = arith.addf %add3A_586, %mul3A_584 : vector<16xf32>
      %mul3A_588 = arith.mulf %mul3A_573, %add3A_587 : vector<16xf32>
      %add3A_589 = arith.constant 2.000000e+00 : f32
      %add3A_590 = vector.broadcast %add3A_589 : f32 to vector<16xf32>
      %add3A_591 = arith.addf %add3A_590, %mul3A_588 : vector<16xf32>
      %mul3A_592 = arith.mulf %div3A_572, %add3A_591 : vector<16xf32>
      %neg3A_593 = arith.constant 0.000000e+00 : f32
      %neg3A_594 = vector.broadcast %neg3A_593 : f32 to vector<16xf32>
      %neg3A_595 = arith.subf %neg3A_594, %mul3A_563 : vector<16xf32>
      %max3A_596 = arith.constant 0.000000e+00 : f32
      %max3A_597 = vector.broadcast %max3A_596 : f32 to vector<16xf32>
      %max3A_598 = arith.maximumf %neg3A_595, %max3A_597 : vector<16xf32>
      %add3A_599 = arith.addf %max3A_598, %mul3A_592 : vector<16xf32>
      %abs3A_600 = math.absf %sub3A_555 : vector<16xf32>
      %mul3A_601 = arith.mulf %abs3A_600, %add3A_599 : vector<16xf32>
      %sub3A_602 = arith.constant 1.000000e+00 : f32
      %sub3A_603 = vector.broadcast %sub3A_602 : f32 to vector<16xf32>
      %sub3A_604 = arith.subf %sub3A_603, %abs3A_600 : vector<16xf32>
      %mul3A_605 = arith.mulf %sub3A_562, %sub3A_562 : vector<16xf32>
      %mul3A_606 = arith.mulf %sub3A_604, %mul3A_605 : vector<16xf32>
      %add3A_607 = arith.addf %mul3A_601, %mul3A_606 : vector<16xf32>
      %add3A_608 = vector.broadcast %add3A_545 : i32 to vector<16xi32>
      %add3A_609 = arith.addi %iota3A, %add3A_608 : vector<16xi32>
      %ge3A_610 = vector.broadcast %add3A_10 : i32 to vector<16xi32>
      %ge3A_611 = arith.cmpi sge, %add3A_609, %ge3A_610 : vector<16xi32>
      %lt3A_612 = vector.broadcast %add3A_57 : i32 to vector<16xi32>
      %lt3A_613 = arith.cmpi slt, %add3A_609, %lt3A_612 : vector<16xi32>
      %and3A_614 = arith.andi %ge3A_611, %lt3A_613 : vector<16xi1>
      %jit3A_615 = arith.constant 0.000000e+00 : f32
      %broadcast_in_dim3A_616 = vector.broadcast %jit3A_615 : f32 to vector<16xf32>
      %select_n3A_617 = arith.select %and3A_614, %add3A_607, %broadcast_in_dim3A_616 : vector<16xi1>, vector<16xf32>
      %add3A_618 = arith.addf %add3A_543, %select_n3A_617 : vector<16xf32>
      %add3A_619 = arith.constant 112 : i32
      %add3A_620 = arith.addi %mul3A_103, %add3A_619 : i32
      %get3A_621 = arith.index_cast %add3A_620 : i32 to index
      %get3A_622 = tpu.vector_load %arg6[%get3A_621] {strides = array<i32>} : memref<2560xi32, #tpu.memory_space<vmem>>, vector<16xi32>,
      %get3A_623 = vector.shape_cast %get3A_622 : vector<16xi32> to vector<16xi32>
      %shift_right_arithmetic3A_624 = arith.constant 20 : i32
      %shift_right_arithmetic3A_625 = vector.broadcast %shift_right_arithmetic3A_624 : i32 to vector<16xi32>
      %shift_right_arithmetic3A_626 = arith.shrsi %get3A_623, %shift_right_arithmetic3A_625 : vector<16xi32>
      %convert_element_type3A_627 = arith.sitofp %shift_right_arithmetic3A_626 : vector<16xi32> to vector<16xf32>
      %sub3A_628 = arith.constant 1.000000e+00 : f32
      %sub3A_629 = vector.broadcast %sub3A_628 : f32 to vector<16xf32>
      %sub3A_630 = arith.subf %convert_element_type3A_627, %sub3A_629 : vector<16xf32>
      %get3A_631 = arith.index_cast %add3A_620 : i32 to index
      %get3A_632 = tpu.vector_load %arg9[%get3A_631] {strides = array<i32>} : memref<2560xf32, #tpu.memory_space<vmem>>, vector<16xf32>,
      %get3A_633 = vector.shape_cast %get3A_632 : vector<16xf32> to vector<16xf32>
      %get3A_634 = arith.index_cast %add3A_620 : i32 to index
      %get3A_635 = tpu.vector_load %arg10[%get3A_634] {strides = array<i32>} : memref<2560xf32, #tpu.memory_space<vmem>>, vector<16xf32>,
      %get3A_636 = vector.shape_cast %get3A_635 : vector<16xf32> to vector<16xf32>
      %sub3A_637 = arith.subf %get3A_633, %get3A_636 : vector<16xf32>
      %mul3A_638 = arith.mulf %sub3A_630, %sub3A_637 : vector<16xf32>
      %abs3A_639 = math.absf %mul3A_638 : vector<16xf32>
      %neg3A_640 = arith.constant 0.000000e+00 : f32
      %neg3A_641 = vector.broadcast %neg3A_640 : f32 to vector<16xf32>
      %neg3A_642 = arith.subf %neg3A_641, %abs3A_639 : vector<16xf32>
      %exp3A_643 = math.exp %neg3A_642 : vector<16xf32>
      %add3A_644 = arith.constant 2.000000e+00 : f32
      %add3A_645 = vector.broadcast %add3A_644 : f32 to vector<16xf32>
      %add3A_646 = arith.addf %add3A_645, %exp3A_643 : vector<16xf32>
      %div3A_647 = arith.divf %exp3A_643, %add3A_646 : vector<16xf32>
      %mul3A_648 = arith.mulf %div3A_647, %div3A_647 : vector<16xf32>
      %mul3A_649 = arith.constant 0.222222224 : f32
      %mul3A_650 = vector.broadcast %mul3A_649 : f32 to vector<16xf32>
      %mul3A_651 = arith.mulf %mul3A_648, %mul3A_650 : vector<16xf32>
      %add3A_652 = arith.constant 0.285714298 : f32
      %add3A_653 = vector.broadcast %add3A_652 : f32 to vector<16xf32>
      %add3A_654 = arith.addf %add3A_653, %mul3A_651 : vector<16xf32>
      %mul3A_655 = arith.mulf %mul3A_648, %add3A_654 : vector<16xf32>
      %add3A_656 = arith.constant 4.000000e-01 : f32
      %add3A_657 = vector.broadcast %add3A_656 : f32 to vector<16xf32>
      %add3A_658 = arith.addf %add3A_657, %mul3A_655 : vector<16xf32>
      %mul3A_659 = arith.mulf %mul3A_648, %add3A_658 : vector<16xf32>
      %add3A_660 = arith.constant 0.666666686 : f32
      %add3A_661 = vector.broadcast %add3A_660 : f32 to vector<16xf32>
      %add3A_662 = arith.addf %add3A_661, %mul3A_659 : vector<16xf32>
      %mul3A_663 = arith.mulf %mul3A_648, %add3A_662 : vector<16xf32>
      %add3A_664 = arith.constant 2.000000e+00 : f32
      %add3A_665 = vector.broadcast %add3A_664 : f32 to vector<16xf32>
      %add3A_666 = arith.addf %add3A_665, %mul3A_663 : vector<16xf32>
      %mul3A_667 = arith.mulf %div3A_647, %add3A_666 : vector<16xf32>
      %neg3A_668 = arith.constant 0.000000e+00 : f32
      %neg3A_669 = vector.broadcast %neg3A_668 : f32 to vector<16xf32>
      %neg3A_670 = arith.subf %neg3A_669, %mul3A_638 : vector<16xf32>
      %max3A_671 = arith.constant 0.000000e+00 : f32
      %max3A_672 = vector.broadcast %max3A_671 : f32 to vector<16xf32>
      %max3A_673 = arith.maximumf %neg3A_670, %max3A_672 : vector<16xf32>
      %add3A_674 = arith.addf %max3A_673, %mul3A_667 : vector<16xf32>
      %abs3A_675 = math.absf %sub3A_630 : vector<16xf32>
      %mul3A_676 = arith.mulf %abs3A_675, %add3A_674 : vector<16xf32>
      %sub3A_677 = arith.constant 1.000000e+00 : f32
      %sub3A_678 = vector.broadcast %sub3A_677 : f32 to vector<16xf32>
      %sub3A_679 = arith.subf %sub3A_678, %abs3A_675 : vector<16xf32>
      %mul3A_680 = arith.mulf %sub3A_637, %sub3A_637 : vector<16xf32>
      %mul3A_681 = arith.mulf %sub3A_679, %mul3A_680 : vector<16xf32>
      %add3A_682 = arith.addf %mul3A_676, %mul3A_681 : vector<16xf32>
      %add3A_683 = vector.broadcast %add3A_620 : i32 to vector<16xi32>
      %add3A_684 = arith.addi %iota3A, %add3A_683 : vector<16xi32>
      %ge3A_685 = vector.broadcast %add3A_10 : i32 to vector<16xi32>
      %ge3A_686 = arith.cmpi sge, %add3A_684, %ge3A_685 : vector<16xi32>
      %lt3A_687 = vector.broadcast %add3A_57 : i32 to vector<16xi32>
      %lt3A_688 = arith.cmpi slt, %add3A_684, %lt3A_687 : vector<16xi32>
      %and3A_689 = arith.andi %ge3A_686, %lt3A_688 : vector<16xi1>
      %jit3A_690 = arith.constant 0.000000e+00 : f32
      %broadcast_in_dim3A_691 = vector.broadcast %jit3A_690 : f32 to vector<16xf32>
      %select_n3A_692 = arith.select %and3A_689, %add3A_682, %broadcast_in_dim3A_691 : vector<16xi1>, vector<16xf32>
      %add3A_693 = arith.addf %add3A_618, %select_n3A_692 : vector<16xf32>
      scf.yield %add3A_693 : vector<16xf32>
    }
    %scan3A_76 = arith.constant 10 : i32
    %dma_wait3A_77 = arith.constant 1280 : i32
    %dma_wait3A_78 = tpu.memref_slice %arg9[%dma_wait3A_77] : memref<2560xf32, #tpu.memory_space<vmem>> -> memref<1280xf32, #tpu.memory_space<vmem>>
    %dma_wait3A_79 = arith.constant 1280 : i32
    %dma_wait3A_80 = tpu.memref_slice %arg8[%dma_wait3A_79] : memref<2560xi32, #tpu.memory_space<vmem>> -> memref<1280xi32, #tpu.memory_space<vmem>>
    %dma_wait3A_81 = arith.constant 0 : i32
    %dma_wait3A_82 = tpu.memref_slice %arg2[%dma_wait3A_81] : memref<1048576xf32, #tpu.memory_space<hbm>> -> memref<1048576xf32, #tpu.memory_space<hbm>>
    tpu.wait_indirect_dma semaphore(%arg14 : memref<!tpu.dma_semaphore, #tpu.memory_space<semaphore_mem>>) src(%dma_wait3A_82 : memref<1048576xf32, #tpu.memory_space<hbm>>) dst(%dma_wait3A_78 : memref<1280xf32, #tpu.memory_space<vmem>>)
    %dma_wait3A_83 = arith.constant 1280 : i32
    %dma_wait3A_84 = tpu.memref_slice %arg10[%dma_wait3A_83] : memref<2560xf32, #tpu.memory_space<vmem>> -> memref<1280xf32, #tpu.memory_space<vmem>>
    %dma_wait3A_85 = arith.constant 1280 : i32
    %dma_wait3A_86 = tpu.memref_slice %arg7[%dma_wait3A_85] : memref<2560xi32, #tpu.memory_space<vmem>> -> memref<1280xi32, #tpu.memory_space<vmem>>
    %dma_wait3A_87 = arith.constant 0 : i32
    %dma_wait3A_88 = tpu.memref_slice %arg2[%dma_wait3A_87] : memref<1048576xf32, #tpu.memory_space<hbm>> -> memref<1048576xf32, #tpu.memory_space<hbm>>
    tpu.wait_indirect_dma semaphore(%arg14 : memref<!tpu.dma_semaphore, #tpu.memory_space<semaphore_mem>>) src(%dma_wait3A_88 : memref<1048576xf32, #tpu.memory_space<hbm>>) dst(%dma_wait3A_84 : memref<1280xf32, #tpu.memory_space<vmem>>)
    %scan3A_89 = arith.constant 10 : i32
    %scan3A_90 = arith.constant 10 : i32
    %scan3A_91 = arith.addi %scan3A_89, %scan3A_90 : i32
    %scan3A_92 = arith.constant 1 : i32
    %scan3A_93 = scf.for %scan3A_100 = %scan3A_89 to %scan3A_91 step %scan3A_92 iter_args(%scan3A_101 = %scan3A_75) -> (vector<16xf32>)  : i32 {
      %mul3A_102 = arith.constant 128 : i32
      %mul3A_103 = arith.muli %scan3A_100, %mul3A_102 : i32
      %add3A_104 = arith.constant 0 : i32
      %add3A_105 = arith.addi %mul3A_103, %add3A_104 : i32
      %get3A = arith.index_cast %add3A_105 : i32 to index
      %get3A_106 = tpu.vector_load %arg6[%get3A] {strides = array<i32>} : memref<2560xi32, #tpu.memory_space<vmem>>, vector<16xi32>,
      %get3A_107 = vector.shape_cast %get3A_106 : vector<16xi32> to vector<16xi32>
      %shift_right_arithmetic3A_108 = arith.constant 20 : i32
      %shift_right_arithmetic3A_109 = vector.broadcast %shift_right_arithmetic3A_108 : i32 to vector<16xi32>
      %shift_right_arithmetic3A_110 = arith.shrsi %get3A_107, %shift_right_arithmetic3A_109 : vector<16xi32>
      %convert_element_type3A = arith.sitofp %shift_right_arithmetic3A_110 : vector<16xi32> to vector<16xf32>
      %sub3A_111 = arith.constant 1.000000e+00 : f32
      %sub3A_112 = vector.broadcast %sub3A_111 : f32 to vector<16xf32>
      %sub3A_113 = arith.subf %convert_element_type3A, %sub3A_112 : vector<16xf32>
      %get3A_114 = arith.index_cast %add3A_105 : i32 to index
      %get3A_115 = tpu.vector_load %arg9[%get3A_114] {strides = array<i32>} : memref<2560xf32, #tpu.memory_space<vmem>>, vector<16xf32>,
      %get3A_116 = vector.shape_cast %get3A_115 : vector<16xf32> to vector<16xf32>
      %get3A_117 = arith.index_cast %add3A_105 : i32 to index
      %get3A_118 = tpu.vector_load %arg10[%get3A_117] {strides = array<i32>} : memref<2560xf32, #tpu.memory_space<vmem>>, vector<16xf32>,
      %get3A_119 = vector.shape_cast %get3A_118 : vector<16xf32> to vector<16xf32>
      %sub3A_120 = arith.subf %get3A_116, %get3A_119 : vector<16xf32>
      %mul3A_121 = arith.mulf %sub3A_113, %sub3A_120 : vector<16xf32>
      %abs3A = math.absf %mul3A_121 : vector<16xf32>
      %neg3A = arith.constant 0.000000e+00 : f32
      %neg3A_122 = vector.broadcast %neg3A : f32 to vector<16xf32>
      %neg3A_123 = arith.subf %neg3A_122, %abs3A : vector<16xf32>
      %exp3A = math.exp %neg3A_123 : vector<16xf32>
      %add3A_124 = arith.constant 2.000000e+00 : f32
      %add3A_125 = vector.broadcast %add3A_124 : f32 to vector<16xf32>
      %add3A_126 = arith.addf %add3A_125, %exp3A : vector<16xf32>
      %div3A = arith.divf %exp3A, %add3A_126 : vector<16xf32>
      %mul3A_127 = arith.mulf %div3A, %div3A : vector<16xf32>
      %mul3A_128 = arith.constant 0.222222224 : f32
      %mul3A_129 = vector.broadcast %mul3A_128 : f32 to vector<16xf32>
      %mul3A_130 = arith.mulf %mul3A_127, %mul3A_129 : vector<16xf32>
      %add3A_131 = arith.constant 0.285714298 : f32
      %add3A_132 = vector.broadcast %add3A_131 : f32 to vector<16xf32>
      %add3A_133 = arith.addf %add3A_132, %mul3A_130 : vector<16xf32>
      %mul3A_134 = arith.mulf %mul3A_127, %add3A_133 : vector<16xf32>
      %add3A_135 = arith.constant 4.000000e-01 : f32
      %add3A_136 = vector.broadcast %add3A_135 : f32 to vector<16xf32>
      %add3A_137 = arith.addf %add3A_136, %mul3A_134 : vector<16xf32>
      %mul3A_138 = arith.mulf %mul3A_127, %add3A_137 : vector<16xf32>
      %add3A_139 = arith.constant 0.666666686 : f32
      %add3A_140 = vector.broadcast %add3A_139 : f32 to vector<16xf32>
      %add3A_141 = arith.addf %add3A_140, %mul3A_138 : vector<16xf32>
      %mul3A_142 = arith.mulf %mul3A_127, %add3A_141 : vector<16xf32>
      %add3A_143 = arith.constant 2.000000e+00 : f32
      %add3A_144 = vector.broadcast %add3A_143 : f32 to vector<16xf32>
      %add3A_145 = arith.addf %add3A_144, %mul3A_142 : vector<16xf32>
      %mul3A_146 = arith.mulf %div3A, %add3A_145 : vector<16xf32>
      %neg3A_147 = arith.constant 0.000000e+00 : f32
      %neg3A_148 = vector.broadcast %neg3A_147 : f32 to vector<16xf32>
      %neg3A_149 = arith.subf %neg3A_148, %mul3A_121 : vector<16xf32>
      %max3A_150 = arith.constant 0.000000e+00 : f32
      %max3A_151 = vector.broadcast %max3A_150 : f32 to vector<16xf32>
      %max3A_152 = arith.maximumf %neg3A_149, %max3A_151 : vector<16xf32>
      %add3A_153 = arith.addf %max3A_152, %mul3A_146 : vector<16xf32>
      %abs3A_154 = math.absf %sub3A_113 : vector<16xf32>
      %mul3A_155 = arith.mulf %abs3A_154, %add3A_153 : vector<16xf32>
      %sub3A_156 = arith.constant 1.000000e+00 : f32
      %sub3A_157 = vector.broadcast %sub3A_156 : f32 to vector<16xf32>
      %sub3A_158 = arith.subf %sub3A_157, %abs3A_154 : vector<16xf32>
      %mul3A_159 = arith.mulf %sub3A_120, %sub3A_120 : vector<16xf32>
      %mul3A_160 = arith.mulf %sub3A_158, %mul3A_159 : vector<16xf32>
      %add3A_161 = arith.addf %mul3A_155, %mul3A_160 : vector<16xf32>
      %add3A_162 = vector.broadcast %add3A_105 : i32 to vector<16xi32>
      %add3A_163 = arith.addi %iota3A, %add3A_162 : vector<16xi32>
      %ge3A = vector.broadcast %add3A_10 : i32 to vector<16xi32>
      %ge3A_164 = arith.cmpi sge, %add3A_163, %ge3A : vector<16xi32>
      %lt3A = vector.broadcast %add3A_57 : i32 to vector<16xi32>
      %lt3A_165 = arith.cmpi slt, %add3A_163, %lt3A : vector<16xi32>
      %and3A_166 = arith.andi %ge3A_164, %lt3A_165 : vector<16xi1>
      %jit3A = arith.constant 0.000000e+00 : f32
      %broadcast_in_dim3A_167 = vector.broadcast %jit3A : f32 to vector<16xf32>
      %select_n3A = arith.select %and3A_166, %add3A_161, %broadcast_in_dim3A_167 : vector<16xi1>, vector<16xf32>
      %add3A_168 = arith.addf %scan3A_101, %select_n3A : vector<16xf32>
      %add3A_169 = arith.constant 16 : i32
      %add3A_170 = arith.addi %mul3A_103, %add3A_169 : i32
      %get3A_171 = arith.index_cast %add3A_170 : i32 to index
      %get3A_172 = tpu.vector_load %arg6[%get3A_171] {strides = array<i32>} : memref<2560xi32, #tpu.memory_space<vmem>>, vector<16xi32>,
      %get3A_173 = vector.shape_cast %get3A_172 : vector<16xi32> to vector<16xi32>
      %shift_right_arithmetic3A_174 = arith.constant 20 : i32
      %shift_right_arithmetic3A_175 = vector.broadcast %shift_right_arithmetic3A_174 : i32 to vector<16xi32>
      %shift_right_arithmetic3A_176 = arith.shrsi %get3A_173, %shift_right_arithmetic3A_175 : vector<16xi32>
      %convert_element_type3A_177 = arith.sitofp %shift_right_arithmetic3A_176 : vector<16xi32> to vector<16xf32>
      %sub3A_178 = arith.constant 1.000000e+00 : f32
      %sub3A_179 = vector.broadcast %sub3A_178 : f32 to vector<16xf32>
      %sub3A_180 = arith.subf %convert_element_type3A_177, %sub3A_179 : vector<16xf32>
      %get3A_181 = arith.index_cast %add3A_170 : i32 to index
      %get3A_182 = tpu.vector_load %arg9[%get3A_181] {strides = array<i32>} : memref<2560xf32, #tpu.memory_space<vmem>>, vector<16xf32>,
      %get3A_183 = vector.shape_cast %get3A_182 : vector<16xf32> to vector<16xf32>
      %get3A_184 = arith.index_cast %add3A_170 : i32 to index
      %get3A_185 = tpu.vector_load %arg10[%get3A_184] {strides = array<i32>} : memref<2560xf32, #tpu.memory_space<vmem>>, vector<16xf32>,
      %get3A_186 = vector.shape_cast %get3A_185 : vector<16xf32> to vector<16xf32>
      %sub3A_187 = arith.subf %get3A_183, %get3A_186 : vector<16xf32>
      %mul3A_188 = arith.mulf %sub3A_180, %sub3A_187 : vector<16xf32>
      %abs3A_189 = math.absf %mul3A_188 : vector<16xf32>
      %neg3A_190 = arith.constant 0.000000e+00 : f32
      %neg3A_191 = vector.broadcast %neg3A_190 : f32 to vector<16xf32>
      %neg3A_192 = arith.subf %neg3A_191, %abs3A_189 : vector<16xf32>
      %exp3A_193 = math.exp %neg3A_192 : vector<16xf32>
      %add3A_194 = arith.constant 2.000000e+00 : f32
      %add3A_195 = vector.broadcast %add3A_194 : f32 to vector<16xf32>
      %add3A_196 = arith.addf %add3A_195, %exp3A_193 : vector<16xf32>
      %div3A_197 = arith.divf %exp3A_193, %add3A_196 : vector<16xf32>
      %mul3A_198 = arith.mulf %div3A_197, %div3A_197 : vector<16xf32>
      %mul3A_199 = arith.constant 0.222222224 : f32
      %mul3A_200 = vector.broadcast %mul3A_199 : f32 to vector<16xf32>
      %mul3A_201 = arith.mulf %mul3A_198, %mul3A_200 : vector<16xf32>
      %add3A_202 = arith.constant 0.285714298 : f32
      %add3A_203 = vector.broadcast %add3A_202 : f32 to vector<16xf32>
      %add3A_204 = arith.addf %add3A_203, %mul3A_201 : vector<16xf32>
      %mul3A_205 = arith.mulf %mul3A_198, %add3A_204 : vector<16xf32>
      %add3A_206 = arith.constant 4.000000e-01 : f32
      %add3A_207 = vector.broadcast %add3A_206 : f32 to vector<16xf32>
      %add3A_208 = arith.addf %add3A_207, %mul3A_205 : vector<16xf32>
      %mul3A_209 = arith.mulf %mul3A_198, %add3A_208 : vector<16xf32>
      %add3A_210 = arith.constant 0.666666686 : f32
      %add3A_211 = vector.broadcast %add3A_210 : f32 to vector<16xf32>
      %add3A_212 = arith.addf %add3A_211, %mul3A_209 : vector<16xf32>
      %mul3A_213 = arith.mulf %mul3A_198, %add3A_212 : vector<16xf32>
      %add3A_214 = arith.constant 2.000000e+00 : f32
      %add3A_215 = vector.broadcast %add3A_214 : f32 to vector<16xf32>
      %add3A_216 = arith.addf %add3A_215, %mul3A_213 : vector<16xf32>
      %mul3A_217 = arith.mulf %div3A_197, %add3A_216 : vector<16xf32>
      %neg3A_218 = arith.constant 0.000000e+00 : f32
      %neg3A_219 = vector.broadcast %neg3A_218 : f32 to vector<16xf32>
      %neg3A_220 = arith.subf %neg3A_219, %mul3A_188 : vector<16xf32>
      %max3A_221 = arith.constant 0.000000e+00 : f32
      %max3A_222 = vector.broadcast %max3A_221 : f32 to vector<16xf32>
      %max3A_223 = arith.maximumf %neg3A_220, %max3A_222 : vector<16xf32>
      %add3A_224 = arith.addf %max3A_223, %mul3A_217 : vector<16xf32>
      %abs3A_225 = math.absf %sub3A_180 : vector<16xf32>
      %mul3A_226 = arith.mulf %abs3A_225, %add3A_224 : vector<16xf32>
      %sub3A_227 = arith.constant 1.000000e+00 : f32
      %sub3A_228 = vector.broadcast %sub3A_227 : f32 to vector<16xf32>
      %sub3A_229 = arith.subf %sub3A_228, %abs3A_225 : vector<16xf32>
      %mul3A_230 = arith.mulf %sub3A_187, %sub3A_187 : vector<16xf32>
      %mul3A_231 = arith.mulf %sub3A_229, %mul3A_230 : vector<16xf32>
      %add3A_232 = arith.addf %mul3A_226, %mul3A_231 : vector<16xf32>
      %add3A_233 = vector.broadcast %add3A_170 : i32 to vector<16xi32>
      %add3A_234 = arith.addi %iota3A, %add3A_233 : vector<16xi32>
      %ge3A_235 = vector.broadcast %add3A_10 : i32 to vector<16xi32>
      %ge3A_236 = arith.cmpi sge, %add3A_234, %ge3A_235 : vector<16xi32>
      %lt3A_237 = vector.broadcast %add3A_57 : i32 to vector<16xi32>
      %lt3A_238 = arith.cmpi slt, %add3A_234, %lt3A_237 : vector<16xi32>
      %and3A_239 = arith.andi %ge3A_236, %lt3A_238 : vector<16xi1>
      %jit3A_240 = arith.constant 0.000000e+00 : f32
      %broadcast_in_dim3A_241 = vector.broadcast %jit3A_240 : f32 to vector<16xf32>
      %select_n3A_242 = arith.select %and3A_239, %add3A_232, %broadcast_in_dim3A_241 : vector<16xi1>, vector<16xf32>
      %add3A_243 = arith.addf %add3A_168, %select_n3A_242 : vector<16xf32>
      %add3A_244 = arith.constant 32 : i32
      %add3A_245 = arith.addi %mul3A_103, %add3A_244 : i32
      %get3A_246 = arith.index_cast %add3A_245 : i32 to index
      %get3A_247 = tpu.vector_load %arg6[%get3A_246] {strides = array<i32>} : memref<2560xi32, #tpu.memory_space<vmem>>, vector<16xi32>,
      %get3A_248 = vector.shape_cast %get3A_247 : vector<16xi32> to vector<16xi32>
      %shift_right_arithmetic3A_249 = arith.constant 20 : i32
      %shift_right_arithmetic3A_250 = vector.broadcast %shift_right_arithmetic3A_249 : i32 to vector<16xi32>
      %shift_right_arithmetic3A_251 = arith.shrsi %get3A_248, %shift_right_arithmetic3A_250 : vector<16xi32>
      %convert_element_type3A_252 = arith.sitofp %shift_right_arithmetic3A_251 : vector<16xi32> to vector<16xf32>
      %sub3A_253 = arith.constant 1.000000e+00 : f32
      %sub3A_254 = vector.broadcast %sub3A_253 : f32 to vector<16xf32>
      %sub3A_255 = arith.subf %convert_element_type3A_252, %sub3A_254 : vector<16xf32>
      %get3A_256 = arith.index_cast %add3A_245 : i32 to index
      %get3A_257 = tpu.vector_load %arg9[%get3A_256] {strides = array<i32>} : memref<2560xf32, #tpu.memory_space<vmem>>, vector<16xf32>,
      %get3A_258 = vector.shape_cast %get3A_257 : vector<16xf32> to vector<16xf32>
      %get3A_259 = arith.index_cast %add3A_245 : i32 to index
      %get3A_260 = tpu.vector_load %arg10[%get3A_259] {strides = array<i32>} : memref<2560xf32, #tpu.memory_space<vmem>>, vector<16xf32>,
      %get3A_261 = vector.shape_cast %get3A_260 : vector<16xf32> to vector<16xf32>
      %sub3A_262 = arith.subf %get3A_258, %get3A_261 : vector<16xf32>
      %mul3A_263 = arith.mulf %sub3A_255, %sub3A_262 : vector<16xf32>
      %abs3A_264 = math.absf %mul3A_263 : vector<16xf32>
      %neg3A_265 = arith.constant 0.000000e+00 : f32
      %neg3A_266 = vector.broadcast %neg3A_265 : f32 to vector<16xf32>
      %neg3A_267 = arith.subf %neg3A_266, %abs3A_264 : vector<16xf32>
      %exp3A_268 = math.exp %neg3A_267 : vector<16xf32>
      %add3A_269 = arith.constant 2.000000e+00 : f32
      %add3A_270 = vector.broadcast %add3A_269 : f32 to vector<16xf32>
      %add3A_271 = arith.addf %add3A_270, %exp3A_268 : vector<16xf32>
      %div3A_272 = arith.divf %exp3A_268, %add3A_271 : vector<16xf32>
      %mul3A_273 = arith.mulf %div3A_272, %div3A_272 : vector<16xf32>
      %mul3A_274 = arith.constant 0.222222224 : f32
      %mul3A_275 = vector.broadcast %mul3A_274 : f32 to vector<16xf32>
      %mul3A_276 = arith.mulf %mul3A_273, %mul3A_275 : vector<16xf32>
      %add3A_277 = arith.constant 0.285714298 : f32
      %add3A_278 = vector.broadcast %add3A_277 : f32 to vector<16xf32>
      %add3A_279 = arith.addf %add3A_278, %mul3A_276 : vector<16xf32>
      %mul3A_280 = arith.mulf %mul3A_273, %add3A_279 : vector<16xf32>
      %add3A_281 = arith.constant 4.000000e-01 : f32
      %add3A_282 = vector.broadcast %add3A_281 : f32 to vector<16xf32>
      %add3A_283 = arith.addf %add3A_282, %mul3A_280 : vector<16xf32>
      %mul3A_284 = arith.mulf %mul3A_273, %add3A_283 : vector<16xf32>
      %add3A_285 = arith.constant 0.666666686 : f32
      %add3A_286 = vector.broadcast %add3A_285 : f32 to vector<16xf32>
      %add3A_287 = arith.addf %add3A_286, %mul3A_284 : vector<16xf32>
      %mul3A_288 = arith.mulf %mul3A_273, %add3A_287 : vector<16xf32>
      %add3A_289 = arith.constant 2.000000e+00 : f32
      %add3A_290 = vector.broadcast %add3A_289 : f32 to vector<16xf32>
      %add3A_291 = arith.addf %add3A_290, %mul3A_288 : vector<16xf32>
      %mul3A_292 = arith.mulf %div3A_272, %add3A_291 : vector<16xf32>
      %neg3A_293 = arith.constant 0.000000e+00 : f32
      %neg3A_294 = vector.broadcast %neg3A_293 : f32 to vector<16xf32>
      %neg3A_295 = arith.subf %neg3A_294, %mul3A_263 : vector<16xf32>
      %max3A_296 = arith.constant 0.000000e+00 : f32
      %max3A_297 = vector.broadcast %max3A_296 : f32 to vector<16xf32>
      %max3A_298 = arith.maximumf %neg3A_295, %max3A_297 : vector<16xf32>
      %add3A_299 = arith.addf %max3A_298, %mul3A_292 : vector<16xf32>
      %abs3A_300 = math.absf %sub3A_255 : vector<16xf32>
      %mul3A_301 = arith.mulf %abs3A_300, %add3A_299 : vector<16xf32>
      %sub3A_302 = arith.constant 1.000000e+00 : f32
      %sub3A_303 = vector.broadcast %sub3A_302 : f32 to vector<16xf32>
      %sub3A_304 = arith.subf %sub3A_303, %abs3A_300 : vector<16xf32>
      %mul3A_305 = arith.mulf %sub3A_262, %sub3A_262 : vector<16xf32>
      %mul3A_306 = arith.mulf %sub3A_304, %mul3A_305 : vector<16xf32>
      %add3A_307 = arith.addf %mul3A_301, %mul3A_306 : vector<16xf32>
      %add3A_308 = vector.broadcast %add3A_245 : i32 to vector<16xi32>
      %add3A_309 = arith.addi %iota3A, %add3A_308 : vector<16xi32>
      %ge3A_310 = vector.broadcast %add3A_10 : i32 to vector<16xi32>
      %ge3A_311 = arith.cmpi sge, %add3A_309, %ge3A_310 : vector<16xi32>
      %lt3A_312 = vector.broadcast %add3A_57 : i32 to vector<16xi32>
      %lt3A_313 = arith.cmpi slt, %add3A_309, %lt3A_312 : vector<16xi32>
      %and3A_314 = arith.andi %ge3A_311, %lt3A_313 : vector<16xi1>
      %jit3A_315 = arith.constant 0.000000e+00 : f32
      %broadcast_in_dim3A_316 = vector.broadcast %jit3A_315 : f32 to vector<16xf32>
      %select_n3A_317 = arith.select %and3A_314, %add3A_307, %broadcast_in_dim3A_316 : vector<16xi1>, vector<16xf32>
      %add3A_318 = arith.addf %add3A_243, %select_n3A_317 : vector<16xf32>
      %add3A_319 = arith.constant 48 : i32
      %add3A_320 = arith.addi %mul3A_103, %add3A_319 : i32
      %get3A_321 = arith.index_cast %add3A_320 : i32 to index
      %get3A_322 = tpu.vector_load %arg6[%get3A_321] {strides = array<i32>} : memref<2560xi32, #tpu.memory_space<vmem>>, vector<16xi32>,
      %get3A_323 = vector.shape_cast %get3A_322 : vector<16xi32> to vector<16xi32>
      %shift_right_arithmetic3A_324 = arith.constant 20 : i32
      %shift_right_arithmetic3A_325 = vector.broadcast %shift_right_arithmetic3A_324 : i32 to vector<16xi32>
      %shift_right_arithmetic3A_326 = arith.shrsi %get3A_323, %shift_right_arithmetic3A_325 : vector<16xi32>
      %convert_element_type3A_327 = arith.sitofp %shift_right_arithmetic3A_326 : vector<16xi32> to vector<16xf32>
      %sub3A_328 = arith.constant 1.000000e+00 : f32
      %sub3A_329 = vector.broadcast %sub3A_328 : f32 to vector<16xf32>
      %sub3A_330 = arith.subf %convert_element_type3A_327, %sub3A_329 : vector<16xf32>
      %get3A_331 = arith.index_cast %add3A_320 : i32 to index
      %get3A_332 = tpu.vector_load %arg9[%get3A_331] {strides = array<i32>} : memref<2560xf32, #tpu.memory_space<vmem>>, vector<16xf32>,
      %get3A_333 = vector.shape_cast %get3A_332 : vector<16xf32> to vector<16xf32>
      %get3A_334 = arith.index_cast %add3A_320 : i32 to index
      %get3A_335 = tpu.vector_load %arg10[%get3A_334] {strides = array<i32>} : memref<2560xf32, #tpu.memory_space<vmem>>, vector<16xf32>,
      %get3A_336 = vector.shape_cast %get3A_335 : vector<16xf32> to vector<16xf32>
      %sub3A_337 = arith.subf %get3A_333, %get3A_336 : vector<16xf32>
      %mul3A_338 = arith.mulf %sub3A_330, %sub3A_337 : vector<16xf32>
      %abs3A_339 = math.absf %mul3A_338 : vector<16xf32>
      %neg3A_340 = arith.constant 0.000000e+00 : f32
      %neg3A_341 = vector.broadcast %neg3A_340 : f32 to vector<16xf32>
      %neg3A_342 = arith.subf %neg3A_341, %abs3A_339 : vector<16xf32>
      %exp3A_343 = math.exp %neg3A_342 : vector<16xf32>
      %add3A_344 = arith.constant 2.000000e+00 : f32
      %add3A_345 = vector.broadcast %add3A_344 : f32 to vector<16xf32>
      %add3A_346 = arith.addf %add3A_345, %exp3A_343 : vector<16xf32>
      %div3A_347 = arith.divf %exp3A_343, %add3A_346 : vector<16xf32>
      %mul3A_348 = arith.mulf %div3A_347, %div3A_347 : vector<16xf32>
      %mul3A_349 = arith.constant 0.222222224 : f32
      %mul3A_350 = vector.broadcast %mul3A_349 : f32 to vector<16xf32>
      %mul3A_351 = arith.mulf %mul3A_348, %mul3A_350 : vector<16xf32>
      %add3A_352 = arith.constant 0.285714298 : f32
      %add3A_353 = vector.broadcast %add3A_352 : f32 to vector<16xf32>
      %add3A_354 = arith.addf %add3A_353, %mul3A_351 : vector<16xf32>
      %mul3A_355 = arith.mulf %mul3A_348, %add3A_354 : vector<16xf32>
      %add3A_356 = arith.constant 4.000000e-01 : f32
      %add3A_357 = vector.broadcast %add3A_356 : f32 to vector<16xf32>
      %add3A_358 = arith.addf %add3A_357, %mul3A_355 : vector<16xf32>
      %mul3A_359 = arith.mulf %mul3A_348, %add3A_358 : vector<16xf32>
      %add3A_360 = arith.constant 0.666666686 : f32
      %add3A_361 = vector.broadcast %add3A_360 : f32 to vector<16xf32>
      %add3A_362 = arith.addf %add3A_361, %mul3A_359 : vector<16xf32>
      %mul3A_363 = arith.mulf %mul3A_348, %add3A_362 : vector<16xf32>
      %add3A_364 = arith.constant 2.000000e+00 : f32
      %add3A_365 = vector.broadcast %add3A_364 : f32 to vector<16xf32>
      %add3A_366 = arith.addf %add3A_365, %mul3A_363 : vector<16xf32>
      %mul3A_367 = arith.mulf %div3A_347, %add3A_366 : vector<16xf32>
      %neg3A_368 = arith.constant 0.000000e+00 : f32
      %neg3A_369 = vector.broadcast %neg3A_368 : f32 to vector<16xf32>
      %neg3A_370 = arith.subf %neg3A_369, %mul3A_338 : vector<16xf32>
      %max3A_371 = arith.constant 0.000000e+00 : f32
      %max3A_372 = vector.broadcast %max3A_371 : f32 to vector<16xf32>
      %max3A_373 = arith.maximumf %neg3A_370, %max3A_372 : vector<16xf32>
      %add3A_374 = arith.addf %max3A_373, %mul3A_367 : vector<16xf32>
      %abs3A_375 = math.absf %sub3A_330 : vector<16xf32>
      %mul3A_376 = arith.mulf %abs3A_375, %add3A_374 : vector<16xf32>
      %sub3A_377 = arith.constant 1.000000e+00 : f32
      %sub3A_378 = vector.broadcast %sub3A_377 : f32 to vector<16xf32>
      %sub3A_379 = arith.subf %sub3A_378, %abs3A_375 : vector<16xf32>
      %mul3A_380 = arith.mulf %sub3A_337, %sub3A_337 : vector<16xf32>
      %mul3A_381 = arith.mulf %sub3A_379, %mul3A_380 : vector<16xf32>
      %add3A_382 = arith.addf %mul3A_376, %mul3A_381 : vector<16xf32>
      %add3A_383 = vector.broadcast %add3A_320 : i32 to vector<16xi32>
      %add3A_384 = arith.addi %iota3A, %add3A_383 : vector<16xi32>
      %ge3A_385 = vector.broadcast %add3A_10 : i32 to vector<16xi32>
      %ge3A_386 = arith.cmpi sge, %add3A_384, %ge3A_385 : vector<16xi32>
      %lt3A_387 = vector.broadcast %add3A_57 : i32 to vector<16xi32>
      %lt3A_388 = arith.cmpi slt, %add3A_384, %lt3A_387 : vector<16xi32>
      %and3A_389 = arith.andi %ge3A_386, %lt3A_388 : vector<16xi1>
      %jit3A_390 = arith.constant 0.000000e+00 : f32
      %broadcast_in_dim3A_391 = vector.broadcast %jit3A_390 : f32 to vector<16xf32>
      %select_n3A_392 = arith.select %and3A_389, %add3A_382, %broadcast_in_dim3A_391 : vector<16xi1>, vector<16xf32>
      %add3A_393 = arith.addf %add3A_318, %select_n3A_392 : vector<16xf32>
      %add3A_394 = arith.constant 64 : i32
      %add3A_395 = arith.addi %mul3A_103, %add3A_394 : i32
      %get3A_396 = arith.index_cast %add3A_395 : i32 to index
      %get3A_397 = tpu.vector_load %arg6[%get3A_396] {strides = array<i32>} : memref<2560xi32, #tpu.memory_space<vmem>>, vector<16xi32>,
      %get3A_398 = vector.shape_cast %get3A_397 : vector<16xi32> to vector<16xi32>
      %shift_right_arithmetic3A_399 = arith.constant 20 : i32
      %shift_right_arithmetic3A_400 = vector.broadcast %shift_right_arithmetic3A_399 : i32 to vector<16xi32>
      %shift_right_arithmetic3A_401 = arith.shrsi %get3A_398, %shift_right_arithmetic3A_400 : vector<16xi32>
      %convert_element_type3A_402 = arith.sitofp %shift_right_arithmetic3A_401 : vector<16xi32> to vector<16xf32>
      %sub3A_403 = arith.constant 1.000000e+00 : f32
      %sub3A_404 = vector.broadcast %sub3A_403 : f32 to vector<16xf32>
      %sub3A_405 = arith.subf %convert_element_type3A_402, %sub3A_404 : vector<16xf32>
      %get3A_406 = arith.index_cast %add3A_395 : i32 to index
      %get3A_407 = tpu.vector_load %arg9[%get3A_406] {strides = array<i32>} : memref<2560xf32, #tpu.memory_space<vmem>>, vector<16xf32>,
      %get3A_408 = vector.shape_cast %get3A_407 : vector<16xf32> to vector<16xf32>
      %get3A_409 = arith.index_cast %add3A_395 : i32 to index
      %get3A_410 = tpu.vector_load %arg10[%get3A_409] {strides = array<i32>} : memref<2560xf32, #tpu.memory_space<vmem>>, vector<16xf32>,
      %get3A_411 = vector.shape_cast %get3A_410 : vector<16xf32> to vector<16xf32>
      %sub3A_412 = arith.subf %get3A_408, %get3A_411 : vector<16xf32>
      %mul3A_413 = arith.mulf %sub3A_405, %sub3A_412 : vector<16xf32>
      %abs3A_414 = math.absf %mul3A_413 : vector<16xf32>
      %neg3A_415 = arith.constant 0.000000e+00 : f32
      %neg3A_416 = vector.broadcast %neg3A_415 : f32 to vector<16xf32>
      %neg3A_417 = arith.subf %neg3A_416, %abs3A_414 : vector<16xf32>
      %exp3A_418 = math.exp %neg3A_417 : vector<16xf32>
      %add3A_419 = arith.constant 2.000000e+00 : f32
      %add3A_420 = vector.broadcast %add3A_419 : f32 to vector<16xf32>
      %add3A_421 = arith.addf %add3A_420, %exp3A_418 : vector<16xf32>
      %div3A_422 = arith.divf %exp3A_418, %add3A_421 : vector<16xf32>
      %mul3A_423 = arith.mulf %div3A_422, %div3A_422 : vector<16xf32>
      %mul3A_424 = arith.constant 0.222222224 : f32
      %mul3A_425 = vector.broadcast %mul3A_424 : f32 to vector<16xf32>
      %mul3A_426 = arith.mulf %mul3A_423, %mul3A_425 : vector<16xf32>
      %add3A_427 = arith.constant 0.285714298 : f32
      %add3A_428 = vector.broadcast %add3A_427 : f32 to vector<16xf32>
      %add3A_429 = arith.addf %add3A_428, %mul3A_426 : vector<16xf32>
      %mul3A_430 = arith.mulf %mul3A_423, %add3A_429 : vector<16xf32>
      %add3A_431 = arith.constant 4.000000e-01 : f32
      %add3A_432 = vector.broadcast %add3A_431 : f32 to vector<16xf32>
      %add3A_433 = arith.addf %add3A_432, %mul3A_430 : vector<16xf32>
      %mul3A_434 = arith.mulf %mul3A_423, %add3A_433 : vector<16xf32>
      %add3A_435 = arith.constant 0.666666686 : f32
      %add3A_436 = vector.broadcast %add3A_435 : f32 to vector<16xf32>
      %add3A_437 = arith.addf %add3A_436, %mul3A_434 : vector<16xf32>
      %mul3A_438 = arith.mulf %mul3A_423, %add3A_437 : vector<16xf32>
      %add3A_439 = arith.constant 2.000000e+00 : f32
      %add3A_440 = vector.broadcast %add3A_439 : f32 to vector<16xf32>
      %add3A_441 = arith.addf %add3A_440, %mul3A_438 : vector<16xf32>
      %mul3A_442 = arith.mulf %div3A_422, %add3A_441 : vector<16xf32>
      %neg3A_443 = arith.constant 0.000000e+00 : f32
      %neg3A_444 = vector.broadcast %neg3A_443 : f32 to vector<16xf32>
      %neg3A_445 = arith.subf %neg3A_444, %mul3A_413 : vector<16xf32>
      %max3A_446 = arith.constant 0.000000e+00 : f32
      %max3A_447 = vector.broadcast %max3A_446 : f32 to vector<16xf32>
      %max3A_448 = arith.maximumf %neg3A_445, %max3A_447 : vector<16xf32>
      %add3A_449 = arith.addf %max3A_448, %mul3A_442 : vector<16xf32>
      %abs3A_450 = math.absf %sub3A_405 : vector<16xf32>
      %mul3A_451 = arith.mulf %abs3A_450, %add3A_449 : vector<16xf32>
      %sub3A_452 = arith.constant 1.000000e+00 : f32
      %sub3A_453 = vector.broadcast %sub3A_452 : f32 to vector<16xf32>
      %sub3A_454 = arith.subf %sub3A_453, %abs3A_450 : vector<16xf32>
      %mul3A_455 = arith.mulf %sub3A_412, %sub3A_412 : vector<16xf32>
      %mul3A_456 = arith.mulf %sub3A_454, %mul3A_455 : vector<16xf32>
      %add3A_457 = arith.addf %mul3A_451, %mul3A_456 : vector<16xf32>
      %add3A_458 = vector.broadcast %add3A_395 : i32 to vector<16xi32>
      %add3A_459 = arith.addi %iota3A, %add3A_458 : vector<16xi32>
      %ge3A_460 = vector.broadcast %add3A_10 : i32 to vector<16xi32>
      %ge3A_461 = arith.cmpi sge, %add3A_459, %ge3A_460 : vector<16xi32>
      %lt3A_462 = vector.broadcast %add3A_57 : i32 to vector<16xi32>
      %lt3A_463 = arith.cmpi slt, %add3A_459, %lt3A_462 : vector<16xi32>
      %and3A_464 = arith.andi %ge3A_461, %lt3A_463 : vector<16xi1>
      %jit3A_465 = arith.constant 0.000000e+00 : f32
      %broadcast_in_dim3A_466 = vector.broadcast %jit3A_465 : f32 to vector<16xf32>
      %select_n3A_467 = arith.select %and3A_464, %add3A_457, %broadcast_in_dim3A_466 : vector<16xi1>, vector<16xf32>
      %add3A_468 = arith.addf %add3A_393, %select_n3A_467 : vector<16xf32>
      %add3A_469 = arith.constant 80 : i32
      %add3A_470 = arith.addi %mul3A_103, %add3A_469 : i32
      %get3A_471 = arith.index_cast %add3A_470 : i32 to index
      %get3A_472 = tpu.vector_load %arg6[%get3A_471] {strides = array<i32>} : memref<2560xi32, #tpu.memory_space<vmem>>, vector<16xi32>,
      %get3A_473 = vector.shape_cast %get3A_472 : vector<16xi32> to vector<16xi32>
      %shift_right_arithmetic3A_474 = arith.constant 20 : i32
      %shift_right_arithmetic3A_475 = vector.broadcast %shift_right_arithmetic3A_474 : i32 to vector<16xi32>
      %shift_right_arithmetic3A_476 = arith.shrsi %get3A_473, %shift_right_arithmetic3A_475 : vector<16xi32>
      %convert_element_type3A_477 = arith.sitofp %shift_right_arithmetic3A_476 : vector<16xi32> to vector<16xf32>
      %sub3A_478 = arith.constant 1.000000e+00 : f32
      %sub3A_479 = vector.broadcast %sub3A_478 : f32 to vector<16xf32>
      %sub3A_480 = arith.subf %convert_element_type3A_477, %sub3A_479 : vector<16xf32>
      %get3A_481 = arith.index_cast %add3A_470 : i32 to index
      %get3A_482 = tpu.vector_load %arg9[%get3A_481] {strides = array<i32>} : memref<2560xf32, #tpu.memory_space<vmem>>, vector<16xf32>,
      %get3A_483 = vector.shape_cast %get3A_482 : vector<16xf32> to vector<16xf32>
      %get3A_484 = arith.index_cast %add3A_470 : i32 to index
      %get3A_485 = tpu.vector_load %arg10[%get3A_484] {strides = array<i32>} : memref<2560xf32, #tpu.memory_space<vmem>>, vector<16xf32>,
      %get3A_486 = vector.shape_cast %get3A_485 : vector<16xf32> to vector<16xf32>
      %sub3A_487 = arith.subf %get3A_483, %get3A_486 : vector<16xf32>
      %mul3A_488 = arith.mulf %sub3A_480, %sub3A_487 : vector<16xf32>
      %abs3A_489 = math.absf %mul3A_488 : vector<16xf32>
      %neg3A_490 = arith.constant 0.000000e+00 : f32
      %neg3A_491 = vector.broadcast %neg3A_490 : f32 to vector<16xf32>
      %neg3A_492 = arith.subf %neg3A_491, %abs3A_489 : vector<16xf32>
      %exp3A_493 = math.exp %neg3A_492 : vector<16xf32>
      %add3A_494 = arith.constant 2.000000e+00 : f32
      %add3A_495 = vector.broadcast %add3A_494 : f32 to vector<16xf32>
      %add3A_496 = arith.addf %add3A_495, %exp3A_493 : vector<16xf32>
      %div3A_497 = arith.divf %exp3A_493, %add3A_496 : vector<16xf32>
      %mul3A_498 = arith.mulf %div3A_497, %div3A_497 : vector<16xf32>
      %mul3A_499 = arith.constant 0.222222224 : f32
      %mul3A_500 = vector.broadcast %mul3A_499 : f32 to vector<16xf32>
      %mul3A_501 = arith.mulf %mul3A_498, %mul3A_500 : vector<16xf32>
      %add3A_502 = arith.constant 0.285714298 : f32
      %add3A_503 = vector.broadcast %add3A_502 : f32 to vector<16xf32>
      %add3A_504 = arith.addf %add3A_503, %mul3A_501 : vector<16xf32>
      %mul3A_505 = arith.mulf %mul3A_498, %add3A_504 : vector<16xf32>
      %add3A_506 = arith.constant 4.000000e-01 : f32
      %add3A_507 = vector.broadcast %add3A_506 : f32 to vector<16xf32>
      %add3A_508 = arith.addf %add3A_507, %mul3A_505 : vector<16xf32>
      %mul3A_509 = arith.mulf %mul3A_498, %add3A_508 : vector<16xf32>
      %add3A_510 = arith.constant 0.666666686 : f32
      %add3A_511 = vector.broadcast %add3A_510 : f32 to vector<16xf32>
      %add3A_512 = arith.addf %add3A_511, %mul3A_509 : vector<16xf32>
      %mul3A_513 = arith.mulf %mul3A_498, %add3A_512 : vector<16xf32>
      %add3A_514 = arith.constant 2.000000e+00 : f32
      %add3A_515 = vector.broadcast %add3A_514 : f32 to vector<16xf32>
      %add3A_516 = arith.addf %add3A_515, %mul3A_513 : vector<16xf32>
      %mul3A_517 = arith.mulf %div3A_497, %add3A_516 : vector<16xf32>
      %neg3A_518 = arith.constant 0.000000e+00 : f32
      %neg3A_519 = vector.broadcast %neg3A_518 : f32 to vector<16xf32>
      %neg3A_520 = arith.subf %neg3A_519, %mul3A_488 : vector<16xf32>
      %max3A_521 = arith.constant 0.000000e+00 : f32
      %max3A_522 = vector.broadcast %max3A_521 : f32 to vector<16xf32>
      %max3A_523 = arith.maximumf %neg3A_520, %max3A_522 : vector<16xf32>
      %add3A_524 = arith.addf %max3A_523, %mul3A_517 : vector<16xf32>
      %abs3A_525 = math.absf %sub3A_480 : vector<16xf32>
      %mul3A_526 = arith.mulf %abs3A_525, %add3A_524 : vector<16xf32>
      %sub3A_527 = arith.constant 1.000000e+00 : f32
      %sub3A_528 = vector.broadcast %sub3A_527 : f32 to vector<16xf32>
      %sub3A_529 = arith.subf %sub3A_528, %abs3A_525 : vector<16xf32>
      %mul3A_530 = arith.mulf %sub3A_487, %sub3A_487 : vector<16xf32>
      %mul3A_531 = arith.mulf %sub3A_529, %mul3A_530 : vector<16xf32>
      %add3A_532 = arith.addf %mul3A_526, %mul3A_531 : vector<16xf32>
      %add3A_533 = vector.broadcast %add3A_470 : i32 to vector<16xi32>
      %add3A_534 = arith.addi %iota3A, %add3A_533 : vector<16xi32>
      %ge3A_535 = vector.broadcast %add3A_10 : i32 to vector<16xi32>
      %ge3A_536 = arith.cmpi sge, %add3A_534, %ge3A_535 : vector<16xi32>
      %lt3A_537 = vector.broadcast %add3A_57 : i32 to vector<16xi32>
      %lt3A_538 = arith.cmpi slt, %add3A_534, %lt3A_537 : vector<16xi32>
      %and3A_539 = arith.andi %ge3A_536, %lt3A_538 : vector<16xi1>
      %jit3A_540 = arith.constant 0.000000e+00 : f32
      %broadcast_in_dim3A_541 = vector.broadcast %jit3A_540 : f32 to vector<16xf32>
      %select_n3A_542 = arith.select %and3A_539, %add3A_532, %broadcast_in_dim3A_541 : vector<16xi1>, vector<16xf32>
      %add3A_543 = arith.addf %add3A_468, %select_n3A_542 : vector<16xf32>
      %add3A_544 = arith.constant 96 : i32
      %add3A_545 = arith.addi %mul3A_103, %add3A_544 : i32
      %get3A_546 = arith.index_cast %add3A_545 : i32 to index
      %get3A_547 = tpu.vector_load %arg6[%get3A_546] {strides = array<i32>} : memref<2560xi32, #tpu.memory_space<vmem>>, vector<16xi32>,
      %get3A_548 = vector.shape_cast %get3A_547 : vector<16xi32> to vector<16xi32>
      %shift_right_arithmetic3A_549 = arith.constant 20 : i32
      %shift_right_arithmetic3A_550 = vector.broadcast %shift_right_arithmetic3A_549 : i32 to vector<16xi32>
      %shift_right_arithmetic3A_551 = arith.shrsi %get3A_548, %shift_right_arithmetic3A_550 : vector<16xi32>
      %convert_element_type3A_552 = arith.sitofp %shift_right_arithmetic3A_551 : vector<16xi32> to vector<16xf32>
      %sub3A_553 = arith.constant 1.000000e+00 : f32
      %sub3A_554 = vector.broadcast %sub3A_553 : f32 to vector<16xf32>
      %sub3A_555 = arith.subf %convert_element_type3A_552, %sub3A_554 : vector<16xf32>
      %get3A_556 = arith.index_cast %add3A_545 : i32 to index
      %get3A_557 = tpu.vector_load %arg9[%get3A_556] {strides = array<i32>} : memref<2560xf32, #tpu.memory_space<vmem>>, vector<16xf32>,
      %get3A_558 = vector.shape_cast %get3A_557 : vector<16xf32> to vector<16xf32>
      %get3A_559 = arith.index_cast %add3A_545 : i32 to index
      %get3A_560 = tpu.vector_load %arg10[%get3A_559] {strides = array<i32>} : memref<2560xf32, #tpu.memory_space<vmem>>, vector<16xf32>,
      %get3A_561 = vector.shape_cast %get3A_560 : vector<16xf32> to vector<16xf32>
      %sub3A_562 = arith.subf %get3A_558, %get3A_561 : vector<16xf32>
      %mul3A_563 = arith.mulf %sub3A_555, %sub3A_562 : vector<16xf32>
      %abs3A_564 = math.absf %mul3A_563 : vector<16xf32>
      %neg3A_565 = arith.constant 0.000000e+00 : f32
      %neg3A_566 = vector.broadcast %neg3A_565 : f32 to vector<16xf32>
      %neg3A_567 = arith.subf %neg3A_566, %abs3A_564 : vector<16xf32>
      %exp3A_568 = math.exp %neg3A_567 : vector<16xf32>
      %add3A_569 = arith.constant 2.000000e+00 : f32
      %add3A_570 = vector.broadcast %add3A_569 : f32 to vector<16xf32>
      %add3A_571 = arith.addf %add3A_570, %exp3A_568 : vector<16xf32>
      %div3A_572 = arith.divf %exp3A_568, %add3A_571 : vector<16xf32>
      %mul3A_573 = arith.mulf %div3A_572, %div3A_572 : vector<16xf32>
      %mul3A_574 = arith.constant 0.222222224 : f32
      %mul3A_575 = vector.broadcast %mul3A_574 : f32 to vector<16xf32>
      %mul3A_576 = arith.mulf %mul3A_573, %mul3A_575 : vector<16xf32>
      %add3A_577 = arith.constant 0.285714298 : f32
      %add3A_578 = vector.broadcast %add3A_577 : f32 to vector<16xf32>
      %add3A_579 = arith.addf %add3A_578, %mul3A_576 : vector<16xf32>
      %mul3A_580 = arith.mulf %mul3A_573, %add3A_579 : vector<16xf32>
      %add3A_581 = arith.constant 4.000000e-01 : f32
      %add3A_582 = vector.broadcast %add3A_581 : f32 to vector<16xf32>
      %add3A_583 = arith.addf %add3A_582, %mul3A_580 : vector<16xf32>
      %mul3A_584 = arith.mulf %mul3A_573, %add3A_583 : vector<16xf32>
      %add3A_585 = arith.constant 0.666666686 : f32
      %add3A_586 = vector.broadcast %add3A_585 : f32 to vector<16xf32>
      %add3A_587 = arith.addf %add3A_586, %mul3A_584 : vector<16xf32>
      %mul3A_588 = arith.mulf %mul3A_573, %add3A_587 : vector<16xf32>
      %add3A_589 = arith.constant 2.000000e+00 : f32
      %add3A_590 = vector.broadcast %add3A_589 : f32 to vector<16xf32>
      %add3A_591 = arith.addf %add3A_590, %mul3A_588 : vector<16xf32>
      %mul3A_592 = arith.mulf %div3A_572, %add3A_591 : vector<16xf32>
      %neg3A_593 = arith.constant 0.000000e+00 : f32
      %neg3A_594 = vector.broadcast %neg3A_593 : f32 to vector<16xf32>
      %neg3A_595 = arith.subf %neg3A_594, %mul3A_563 : vector<16xf32>
      %max3A_596 = arith.constant 0.000000e+00 : f32
      %max3A_597 = vector.broadcast %max3A_596 : f32 to vector<16xf32>
      %max3A_598 = arith.maximumf %neg3A_595, %max3A_597 : vector<16xf32>
      %add3A_599 = arith.addf %max3A_598, %mul3A_592 : vector<16xf32>
      %abs3A_600 = math.absf %sub3A_555 : vector<16xf32>
      %mul3A_601 = arith.mulf %abs3A_600, %add3A_599 : vector<16xf32>
      %sub3A_602 = arith.constant 1.000000e+00 : f32
      %sub3A_603 = vector.broadcast %sub3A_602 : f32 to vector<16xf32>
      %sub3A_604 = arith.subf %sub3A_603, %abs3A_600 : vector<16xf32>
      %mul3A_605 = arith.mulf %sub3A_562, %sub3A_562 : vector<16xf32>
      %mul3A_606 = arith.mulf %sub3A_604, %mul3A_605 : vector<16xf32>
      %add3A_607 = arith.addf %mul3A_601, %mul3A_606 : vector<16xf32>
      %add3A_608 = vector.broadcast %add3A_545 : i32 to vector<16xi32>
      %add3A_609 = arith.addi %iota3A, %add3A_608 : vector<16xi32>
      %ge3A_610 = vector.broadcast %add3A_10 : i32 to vector<16xi32>
      %ge3A_611 = arith.cmpi sge, %add3A_609, %ge3A_610 : vector<16xi32>
      %lt3A_612 = vector.broadcast %add3A_57 : i32 to vector<16xi32>
      %lt3A_613 = arith.cmpi slt, %add3A_609, %lt3A_612 : vector<16xi32>
      %and3A_614 = arith.andi %ge3A_611, %lt3A_613 : vector<16xi1>
      %jit3A_615 = arith.constant 0.000000e+00 : f32
      %broadcast_in_dim3A_616 = vector.broadcast %jit3A_615 : f32 to vector<16xf32>
      %select_n3A_617 = arith.select %and3A_614, %add3A_607, %broadcast_in_dim3A_616 : vector<16xi1>, vector<16xf32>
      %add3A_618 = arith.addf %add3A_543, %select_n3A_617 : vector<16xf32>
      %add3A_619 = arith.constant 112 : i32
      %add3A_620 = arith.addi %mul3A_103, %add3A_619 : i32
      %get3A_621 = arith.index_cast %add3A_620 : i32 to index
      %get3A_622 = tpu.vector_load %arg6[%get3A_621] {strides = array<i32>} : memref<2560xi32, #tpu.memory_space<vmem>>, vector<16xi32>,
      %get3A_623 = vector.shape_cast %get3A_622 : vector<16xi32> to vector<16xi32>
      %shift_right_arithmetic3A_624 = arith.constant 20 : i32
      %shift_right_arithmetic3A_625 = vector.broadcast %shift_right_arithmetic3A_624 : i32 to vector<16xi32>
      %shift_right_arithmetic3A_626 = arith.shrsi %get3A_623, %shift_right_arithmetic3A_625 : vector<16xi32>
      %convert_element_type3A_627 = arith.sitofp %shift_right_arithmetic3A_626 : vector<16xi32> to vector<16xf32>
      %sub3A_628 = arith.constant 1.000000e+00 : f32
      %sub3A_629 = vector.broadcast %sub3A_628 : f32 to vector<16xf32>
      %sub3A_630 = arith.subf %convert_element_type3A_627, %sub3A_629 : vector<16xf32>
      %get3A_631 = arith.index_cast %add3A_620 : i32 to index
      %get3A_632 = tpu.vector_load %arg9[%get3A_631] {strides = array<i32>} : memref<2560xf32, #tpu.memory_space<vmem>>, vector<16xf32>,
      %get3A_633 = vector.shape_cast %get3A_632 : vector<16xf32> to vector<16xf32>
      %get3A_634 = arith.index_cast %add3A_620 : i32 to index
      %get3A_635 = tpu.vector_load %arg10[%get3A_634] {strides = array<i32>} : memref<2560xf32, #tpu.memory_space<vmem>>, vector<16xf32>,
      %get3A_636 = vector.shape_cast %get3A_635 : vector<16xf32> to vector<16xf32>
      %sub3A_637 = arith.subf %get3A_633, %get3A_636 : vector<16xf32>
      %mul3A_638 = arith.mulf %sub3A_630, %sub3A_637 : vector<16xf32>
      %abs3A_639 = math.absf %mul3A_638 : vector<16xf32>
      %neg3A_640 = arith.constant 0.000000e+00 : f32
      %neg3A_641 = vector.broadcast %neg3A_640 : f32 to vector<16xf32>
      %neg3A_642 = arith.subf %neg3A_641, %abs3A_639 : vector<16xf32>
      %exp3A_643 = math.exp %neg3A_642 : vector<16xf32>
      %add3A_644 = arith.constant 2.000000e+00 : f32
      %add3A_645 = vector.broadcast %add3A_644 : f32 to vector<16xf32>
      %add3A_646 = arith.addf %add3A_645, %exp3A_643 : vector<16xf32>
      %div3A_647 = arith.divf %exp3A_643, %add3A_646 : vector<16xf32>
      %mul3A_648 = arith.mulf %div3A_647, %div3A_647 : vector<16xf32>
      %mul3A_649 = arith.constant 0.222222224 : f32
      %mul3A_650 = vector.broadcast %mul3A_649 : f32 to vector<16xf32>
      %mul3A_651 = arith.mulf %mul3A_648, %mul3A_650 : vector<16xf32>
      %add3A_652 = arith.constant 0.285714298 : f32
      %add3A_653 = vector.broadcast %add3A_652 : f32 to vector<16xf32>
      %add3A_654 = arith.addf %add3A_653, %mul3A_651 : vector<16xf32>
      %mul3A_655 = arith.mulf %mul3A_648, %add3A_654 : vector<16xf32>
      %add3A_656 = arith.constant 4.000000e-01 : f32
      %add3A_657 = vector.broadcast %add3A_656 : f32 to vector<16xf32>
      %add3A_658 = arith.addf %add3A_657, %mul3A_655 : vector<16xf32>
      %mul3A_659 = arith.mulf %mul3A_648, %add3A_658 : vector<16xf32>
      %add3A_660 = arith.constant 0.666666686 : f32
      %add3A_661 = vector.broadcast %add3A_660 : f32 to vector<16xf32>
      %add3A_662 = arith.addf %add3A_661, %mul3A_659 : vector<16xf32>
      %mul3A_663 = arith.mulf %mul3A_648, %add3A_662 : vector<16xf32>
      %add3A_664 = arith.constant 2.000000e+00 : f32
      %add3A_665 = vector.broadcast %add3A_664 : f32 to vector<16xf32>
      %add3A_666 = arith.addf %add3A_665, %mul3A_663 : vector<16xf32>
      %mul3A_667 = arith.mulf %div3A_647, %add3A_666 : vector<16xf32>
      %neg3A_668 = arith.constant 0.000000e+00 : f32
      %neg3A_669 = vector.broadcast %neg3A_668 : f32 to vector<16xf32>
      %neg3A_670 = arith.subf %neg3A_669, %mul3A_638 : vector<16xf32>
      %max3A_671 = arith.constant 0.000000e+00 : f32
      %max3A_672 = vector.broadcast %max3A_671 : f32 to vector<16xf32>
      %max3A_673 = arith.maximumf %neg3A_670, %max3A_672 : vector<16xf32>
      %add3A_674 = arith.addf %max3A_673, %mul3A_667 : vector<16xf32>
      %abs3A_675 = math.absf %sub3A_630 : vector<16xf32>
      %mul3A_676 = arith.mulf %abs3A_675, %add3A_674 : vector<16xf32>
      %sub3A_677 = arith.constant 1.000000e+00 : f32
      %sub3A_678 = vector.broadcast %sub3A_677 : f32 to vector<16xf32>
      %sub3A_679 = arith.subf %sub3A_678, %abs3A_675 : vector<16xf32>
      %mul3A_680 = arith.mulf %sub3A_637, %sub3A_637 : vector<16xf32>
      %mul3A_681 = arith.mulf %sub3A_679, %mul3A_680 : vector<16xf32>
      %add3A_682 = arith.addf %mul3A_676, %mul3A_681 : vector<16xf32>
      %add3A_683 = vector.broadcast %add3A_620 : i32 to vector<16xi32>
      %add3A_684 = arith.addi %iota3A, %add3A_683 : vector<16xi32>
      %ge3A_685 = vector.broadcast %add3A_10 : i32 to vector<16xi32>
      %ge3A_686 = arith.cmpi sge, %add3A_684, %ge3A_685 : vector<16xi32>
      %lt3A_687 = vector.broadcast %add3A_57 : i32 to vector<16xi32>
      %lt3A_688 = arith.cmpi slt, %add3A_684, %lt3A_687 : vector<16xi32>
      %and3A_689 = arith.andi %ge3A_686, %lt3A_688 : vector<16xi1>
      %jit3A_690 = arith.constant 0.000000e+00 : f32
      %broadcast_in_dim3A_691 = vector.broadcast %jit3A_690 : f32 to vector<16xf32>
      %select_n3A_692 = arith.select %and3A_689, %add3A_682, %broadcast_in_dim3A_691 : vector<16xi1>, vector<16xf32>
      %add3A_693 = arith.addf %add3A_618, %select_n3A_692 : vector<16xf32>
      scf.yield %add3A_693 : vector<16xf32>
    }
    %scan3A_94 = arith.constant 10 : i32
    %swap3A = arith.constant 0 : index
    %swap3A_95 = tpu.vector_load %arg11[%swap3A] {strides = array<i32>} : memref<16xf32, #tpu.memory_space<vmem>>, vector<16xf32>,
    %swap3A_96 = vector.shape_cast %swap3A_95 : vector<16xf32> to vector<16xf32>
    %swap3A_97 = vector.shape_cast %scan3A_93 : vector<16xf32> to vector<16xf32>
    tpu.vector_store %arg11[%swap3A], %swap3A_97 {strides = array<i32>} : memref<16xf32, #tpu.memory_space<vmem>>, vector<16xf32>,
    %mul3A_98 = arith.constant 16 : i32
    %mul3A_99 = arith.muli %add3A, %mul3A_98 : i32
    "tpu.region"() ({
      %run_scoped3A = tpu.sem_alloc : memref<!tpu.dma_semaphore, #tpu.memory_space<semaphore_mem>>
      %dma_start3A_100 = tpu.memref_slice %arg5[%mul3A_99] : memref<512xf32, #tpu.memory_space<hbm>> -> memref<16xf32, #tpu.memory_space<hbm>>
      %dma_start3A_101 = tpu.memref_slice %arg5[%mul3A_99] : memref<512xf32, #tpu.memory_space<hbm>> -> memref<16xf32, #tpu.memory_space<hbm>>
      tpu.enqueue_dma source(%arg11 : memref<16xf32, #tpu.memory_space<vmem>>) target(%dma_start3A_101 : memref<16xf32, #tpu.memory_space<hbm>>) target_semaphore(%run_scoped3A : memref<!tpu.dma_semaphore, #tpu.memory_space<semaphore_mem>>)
      %dma_wait3A_102 = tpu.memref_slice %arg5[%mul3A_99] : memref<512xf32, #tpu.memory_space<hbm>> -> memref<16xf32, #tpu.memory_space<hbm>>
      %dma_wait3A_103 = tpu.memref_slice %arg5[%mul3A_99] : memref<512xf32, #tpu.memory_space<hbm>> -> memref<16xf32, #tpu.memory_space<hbm>>
      tpu.wait_dma2 semaphore(%run_scoped3A : memref<!tpu.dma_semaphore, #tpu.memory_space<semaphore_mem>>) src(%arg11 : memref<16xf32, #tpu.memory_space<vmem>>) dst(%dma_wait3A_103 : memref<16xf32, #tpu.memory_space<hbm>>)
      tpu.yield
    }) : () -> ()
    return
  }
}

module attributes {stable_mosaic.version = 14 : i64} {
  func.func @body(%arg0: memref<4x128xf32, #tpu.memory_space<vmem>>, %arg1: memref<1x1xf32, #tpu.memory_space<smem>>) attributes {dimension_semantics = [], scalar_prefetch = 0 : i64, scratch_operands = 0 : i64, tpu.core_type = #tpu.core_type<tc>} {
    %get3A = arith.constant 0 : index
    %get3A_0 = arith.constant 0 : index
    %get3A_1 = vector.load %arg0[%get3A, %get3A_0] : memref<4x128xf32, #tpu.memory_space<vmem>>, vector<4x128xf32>
    %reduce_sum3A = vector.shape_cast %get3A_1 : vector<4x128xf32> to vector<1x4x128xf32>
    %reduce_sum3A_2 = arith.constant dense<0.000000e+00> : vector<1xf32>
    %reduce_sum3A_3 = vector.multi_reduction <add>, %reduce_sum3A, %reduce_sum3A_2 [1, 2] : vector<1x4x128xf32> to vector<1xf32>
    %reduce_sum3A_4 = vector.shape_cast %reduce_sum3A_3 : vector<1xf32> to vector<1x1x1xf32>
    %reduce_sum3A_5 = vector.extract %reduce_sum3A_4[0, 0, 0] : f32 from vector<1x1x1xf32>
    %div3A = arith.constant 8.000000e+04 : f32
    %div3A_6 = arith.divf %reduce_sum3A_5, %div3A : f32
    %swap3A = arith.constant 0 : index
    %swap3A_7 = arith.constant 0 : index
    %swap3A_8 = memref.load %arg1[%swap3A, %swap3A_7] : memref<1x1xf32, #tpu.memory_space<smem>>
    memref.store %div3A_6, %arg1[%swap3A, %swap3A_7] : memref<1x1xf32, #tpu.memory_space<smem>>
    return
  }
}

</mosaic_0001>

<sc_bundles>
// kernel: kernel.4.cloned.1.call-start
scs
__scs_entry_jumppad:
0x0: {  	(pc) =	sbr.rel $0x88, $3  }
0x1: {  	(tag) =	ssettag $0x0;
	lr =	simm.s32 $0x1  }
0x2: {  	[smem:$0x3F9B] =	sst lr;
	_ =	strace $0xD0000000  }
0x3: {  	_ = 	snop  }
0x4: {  	_ = 	snop  }
0x5: {  	_ = 	snop  }
0x6: {  	_ = 	snop  }
0x7: {  	_ = 	snop  }
__scs_overlays_trampoline_lowered:
0x8: {  	[smem:$0x3FAA] =	sst s0  }
0x9: {  	[smem:$0x3FAB] =	sst s1  }
0xa: {  	[smem:$0x3FAC] =	sst s2  }
0xb: {  	[smem:$0x3FAD] =	sst s3  }
0xc: {  	[smem:$0x3FAE] =	sst s4  }
0xd: {  	[smem:$0x3FAF] =	sst s5  }
0xe: {  	[smem:$0x3FB0] =	sst s6  }
0xf: {  	[smem:$0x3FB1] =	sst s7  }
0x10: {  	[smem:$0x3FB2] =	sst s8  }
0x11: {  	[smem:$0x3FB3] =	sst s9;
	s0 =	simm.s32 @!p0 $0x0  }
0x12: {  	s1 =	sld [smem:$0x3F99];
	s0 =	simm.s32 @p0 $0x1  }
0x13: {  	[smem:$0x3FB4] =	sst s0;
	s0 =	simm.s32 @!p1 $0x0  }
0x14: {  	s2 =	sld [smem:$0x3F98];
	s0 =	simm.s32 @p1 $0x1  }
0x15: {  	[smem:$0x3FB5] =	sst s0;
	s0 =	simm.s32 @!p2 $0x0  }
0x16: {  	s3 =	sld [smem:$0x3FDB];
	s0 =	simm.s32 @p2 $0x1  }
0x17: {  	s4 =	simm.s32 $0x1BF5;
	[smem:$0x3FB7] =	sst s0  }
0x18: {  	s0 =	sld [smem:$0x3F9A];
	_ =	swait.ge [sflag:s4], $0x0  }
0x19: {  	s7 =	sld [smem:$0x3F9B]  }
0x1a: {  	s8 =	sadd.s32 $0xFFFFE003, lr  }
0x1b: {  	s9 =	sadd.s32 $0xFFFFFEF7, lr;
	s5 =	simm.s32 $0xFFFFFFFF;
	p2 =	slt.u32 s8, $0xFFFFF086  }
0x1c: {  	p1 =	slt.u32 s9, $0xF7A;
	s5 =	simm.s32 @!p2 $0x0  }
0x1d: {  	s5 =	simm.s32 @p1 $0x1;
	p0 =	seq.s32 s7, s2  }
0x1e: {  	s7 =	smul.u32 @!p0 $0xF7A, s2;
	p2 =	seq.s32 @!p0 s5, $0x0  }
0x1f: {  	s9 =	smul.u32 $0xF7A, s1;
	s8 =	simm.s32 @!p0 $0x1BF5;
	p2 =	por !p2, p0  }
0x20: {  	[sflag:s8] =	ssyncset.s32 @!p0 $0xFFFFF086;
	s6 =	sadd.s32 @!p0 s3, s7;
	s7 =	simm.s32 @!p0 $0x108  }
0x21: {  	s3 =	sadd.s32 s3, s9;
	s6 =	sadd.s32 @!p0 $0x88, s6;
	s7 =	simm.s32 @p2 $0x1082  }
0x22: {  	[simem:s7], [sflag:s8] =	dma.local @!p0 [hbm:s6], $0xF7A  }
0x23: {  	s9 =	sor.u32 $0xD0000000, s2;
	s6 =	simm.s32 $0x108;
	_ =	swait.ge @!p0 [sflag:s8], $0x0  }
0x24: {  	s3 =	sadd.s32 $0x88, s3;
	s6 =	simm.s32 @!p1 $0x1082;
	[sflag:s4] =	ssyncset.s32 $0xFFFFF086  }
0x25: {  	[simem:s6], [sflag:s4] =	dma.local [hbm:s3], $0xF7A  }
0x26: {  	[smem:$0x3F9B] =	sst s1;
	(tag) =	ssettag s2;
	_ =	strace s9  }
0x27: {  	s1 =	sld [smem:$0x3FAB]  }
0x28: {  	s2 =	sld [smem:$0x3FAC]  }
0x29: {  	s4 =	sld [smem:$0x3FAE]  }
0x2a: {  	p0 =	seq.s32 s5, $0x0;
	s5 =	sld [smem:$0x3FAF]  }
0x2b: {  	s6 =	sld [smem:$0x3FB0]  }
0x2c: {  	s7 =	sld [smem:$0x3FB1]  }
0x2d: {  	s3 =	simm.s32 $0x108;
	s8 =	sld [smem:$0x3FB2]  }
0x2e: {  	s3 =	simm.s32 @!p0 $0x1082;
	s9 =	sld [smem:$0x3FB3]  }
0x2f: {  	lr =	sadd.s32 s0, s3;
	s0 =	sld [smem:$0x3FAA]  }
0x30: {  	s3 =	sld [smem:$0x3FAD]  }
0x31: {  	[smem:$0x3FB6] =	sst s10  }
0x32: {  	s10 =	sld [smem:$0x3FB4];
	_ =	sdelay $0x3  }
0x33: {  	p0 =	seq.s32 s10, $0x1;
	s10 =	sld [smem:$0x3FB6];
	_ =	sdelay $0x3  }
0x34: {  	[smem:$0x3FB6] =	sst s10  }
0x35: {  	s10 =	sld [smem:$0x3FB5];
	_ =	sdelay $0x3  }
0x36: {  	p1 =	seq.s32 s10, $0x1;
	s10 =	sld [smem:$0x3FB6];
	_ =	sdelay $0x3  }
0x37: {  	[smem:$0x3FB6] =	sst s10  }
0x38: {  	s10 =	sld [smem:$0x3FB7]  }
0x39: {  	_ = 	snop;
	(pc) =	sbr.ind lr, $3  }
0x3a: {  	_ = 	snop  }
0x3b: {  	_ = 	snop  }
0x3c: {  	p2 =	seq.s32 s10, $0x1;
	s10 =	sld [smem:$0x3FB6]  }
0x3d: {  	_ =	shalt  }
0x3e: {  	_ =	shalt  }
0x3f: {  	_ =	shalt  }
0x40: {  	_ =	shalt  }
0x41: {  	_ =	shalt  }
0x42: {  	_ =	shalt  }
0x43: {  	_ =	shalt  }
0x44: {  	_ =	shalt  }
0x45: {  	_ =	shalt  }
0x46: {  	_ =	shalt  }
0x47: {  	_ =	shalt  }
0x48: {  	_ =	shalt  }
0x49: {  	_ =	shalt  }
0x4a: {  	_ =	shalt  }
0x4b: {  	_ =	shalt  }
0x4c: {  	_ =	shalt  }
0x4d: {  	_ =	shalt  }
0x4e: {  	_ =	shalt  }
0x4f: {  	_ =	shalt  }
0x50: {  	_ =	shalt  }
0x51: {  	_ =	shalt  }
0x52: {  	_ =	shalt  }
0x53: {  	_ =	shalt  }
0x54: {  	_ =	shalt  }
0x55: {  	_ =	shalt  }
0x56: {  	_ =	shalt  }
0x57: {  	_ =	shalt  }
0x58: {  	_ =	shalt  }
0x59: {  	_ =	shalt  }
0x5a: {  	_ =	shalt  }
0x5b: {  	_ =	shalt  }
0x5c: {  	_ =	shalt  }
0x5d: {  	_ =	shalt  }
0x5e: {  	_ =	shalt  }
0x5f: {  	_ =	shalt  }
0x60: {  	_ =	shalt  }
0x61: {  	_ =	shalt  }
0x62: {  	_ =	shalt  }
0x63: {  	_ =	shalt  }
0x64: {  	_ =	shalt  }
0x65: {  	_ =	shalt  }
0x66: {  	_ =	shalt  }
0x67: {  	_ =	shalt  }
0x68: {  	_ =	shalt  }
0x69: {  	_ =	shalt  }
0x6a: {  	_ =	shalt  }
0x6b: {  	_ =	shalt  }
0x6c: {  	_ =	shalt  }
0x6d: {  	_ =	shalt  }
0x6e: {  	_ =	shalt  }
0x6f: {  	_ =	shalt  }
0x70: {  	_ =	shalt  }
0x71: {  	_ =	shalt  }
0x72: {  	_ =	shalt  }
0x73: {  	_ =	shalt  }
0x74: {  	_ =	shalt  }
0x75: {  	_ =	shalt  }
0x76: {  	_ =	shalt  }
0x77: {  	_ =	shalt  }
0x78: {  	_ =	shalt  }
0x79: {  	_ =	shalt  }
0x7a: {  	_ =	shalt  }
0x7b: {  	_ =	shalt  }
0x7c: {  	_ =	shalt  }
0x7d: {  	_ =	shalt  }
0x7e: {  	_ =	shalt  }
0x7f: {  	_ =	shalt  }
0x80: {  	_ =	shalt  }
0x81: {  	_ =	shalt  }
0x82: {  	_ =	shalt  }
0x83: {  	_ =	shalt  }
0x84: {  	_ =	shalt  }
0x85: {  	_ =	shalt  }
0x86: {  	_ =	shalt  }
0x87: {  	_ =	shalt  }
.Lfunc_end0:
.L_simem_size_0:
called_computation_lowered:
.L_overlay_start_0:
0x88: {  	s2 =	sld [smem:$0x3FD9]  }
0x89: {  	s3 =	sld [smem:$0x3FFE];
	_ =	sdelay $0x1  }
0x8a: {  	s1 =	srdreg.scid  }
0x8b: {  	s0 =	sand.u32 $0x1, s1  }
0x8c: {  	s17 =	sshll.u32 s0, $0xA;
	s2 =	sadd.s32 s3, s2  }
0x8d: {  	s2 =	sadd.s32 s2, s17  }
0x8e: {  	[smem:$0x3FC2] =	sst s2  }
0x8f: {  	_ = 	snop  }
0x90: {  	s2 =	sld [smem:$0x3FC9];
	(tm) =	ssettm $0x1  }
0x91: {  	s18 =	sld [smem:$0x3FFB];
	_ =	sdelay $0x3  }
0x92: {  	_ =	strace s18  }
0x93: {  	s3 =	sld [smem:$0x3FFC];
	_ =	sdelay $0x3  }
0x94: {  	_ =	strace s3  }
0x95: {  	s3 =	sld [smem:$0x3FFD];
	_ =	sdelay $0x3  }
0x96: {  	_ =	strace s3  }
0x97: {  	_ =	strace $0x8FFFFFFF  }
0x98: {  	s19 =	sld [smem:$0x3FDB];
	_ =	sdelay $0x1  }
0x99: {  	s4 =	simm.s32 $_scs_section_size  }
0x9a: {  	s5 =	simm.s32 $_size__tile_overlayer_lowered;
	s6 =	simm.s32 $_tile_overlayer_lowered  }
0x9b: {  	s22 =	simm.s32 $0x1BFF;
	s21 =	sshll.u32 s6, $0x1;
	s3 =	sadd.s32 s4, s19  }
0x9c: {  	s7 =	simm.s32 $0x0;
	s20 =	sshll.u32 s5, $0x1;
	s5 =	sadd.s32 s21, s3  }
0x9d: {  	[timem:s7], [sflag:s22] =	dma.local [hbm:s5], s20  }
0x9e: {  	_ =	swait.ge [sflag:s22], s20  }
0x9f: {  	s4 =	ssub.s32 $0x0, s20;
	[sflag:s22] =	ssyncset.done $0x0  }
0xa0: {  	[sflag:s22] =	ssyncadd.s32 s4;
	_ =	sdelay $0x1  }
0xa1: {  	s23 =	simm.s32 $0x1B8B  }
0xa2: {  	_ =	swait.ge [sflag:s23], $0x1  }
0xa3: {  	[sflag:s23] =	ssyncset.done $0x0  }
0xa4: {  	s25 =	simm.s32 $0x1B8E;
	s24 =	sld [smem:$0x3FFE];
	[sflag:s23] =	ssyncadd.s32 $0xFFFFFFFF  }
0xa5: {  	s26 =	simm.s32 $execute0_lowered;
	[smem:$0x3FD2] =	sst s25  }
0xa6: {  	s5 =	sshll.u32 s26, $0x1;
	_ =	strace $0x80000046;
	[dreg:$0x1] =	wrdreg $0xFFFFFFFF  }
0xa7: {  	s28 =	simm.s32 $_size_execute0_lowered;
	s3 =	sadd.s32 s3, s5;
	[dreg:$0x0] =	wrdreg $0x0  }
0xa8: {  	s5 =	sshll.u32 s28, $0x1;
	[dreg:$0x2] =	wrdreg s3  }
0xa9: {  	[dreg:$0x3] =	wrdreg s5  }
0xaa: {  	[dreg:$0x4] =	wrdreg $0xC0  }
0xab: {  	_ =	task [dreg:s7], $0x5FFFF  }
0xac: {  	[dreg:$0x1] =	wrdreg $0xFFFFFFFF  }
0xad: {  	[dreg:$0x0] =	wrdreg $0x60  }
0xae: {  	[dreg:$0x2] =	wrdreg s2  }
0xaf: {  	[dreg:$0x3] =	wrdreg s24  }
0xb0: {  	[dreg:$0x4] =	wrdreg $0x9  }
0xb1: {  	_ =	task.clear_ibuf [dreg:s7], $0x5FFFF;
	_ =	strace $0x90000046  }
0xb2: {  	s29 =	simm.s32 $0x9;
	_ =	strace $0x80000048  }
0xb3: {  	_ =	swait.ge [sflag:s29], $0x1  }
0xb4: {  	[sflag:s29] =	ssyncadd.s32 $0xFFFFFFFF  }
0xb5: {  	_ =	strace $0x90000048  }
0xb6: {  	_ =	sfence  }
0xb7: {  	s30 =	sld [smem:$0x0];
	_ =	sdelay $0x2  }
0xb8: {  	s31 =	sshll.u32 s1, $0xD;
	s1 =	sshrl.u32 s1, $0x2  }
0xb9: {  	s3 =	sand.u32 $0x4000, s31;
	s1 =	sadd.s32 s1, s30  }
0xba: {  	s0 =	sor.u32 s3, s0;
	s1 =	sshll.u32 s1, $0x11  }
0xbb: {  	s0 =	sor.u32 s1, s0  }
0xbc: {  	s0 =	sadd.s32 $0x8F2B, s0  }
0xbd: {  	[sflag:s0] =	ssyncadd.remote.s32 $0x1  }
0xbe: {  	_ =	sfence.sel $0xFFFF  }
0xbf: {  	[dreg:$0x0] =	wrdreg $0xFFFFFFFF;
	(pc) =	sbr.abs _section_cstart, $3  }
0xc0: {  	[dreg:$0x1] =	wrdreg $0xFFFFFFFF  }
0xc1: {  	_ =	task.clear_ibuf [dreg:s7], $0x2FFFF;
	_ =	strace $0x9FFFFFFF  }
0xc2: {  	(tm) =	ssettm $0x7FFFFFFF  }
0xc3: {  	_ =	shalt  }
tec
execute0_lowered:
.L_overlay_start_1:
0x0: {  	(tag) =	ssettag $0x1  }
0x1: {  	s1 =	srdreg.scid  }
0x2: {  	s0 =	stileid.u32;
	s2 =	rddreg [dreg:$0x0]  }
0x3: {  	s8 =	rddreg [dreg:$0x1];
	s4 =	sand.u32 $0x1, s1;
	s28 =	sshll.u32 s0, $0x1  }
0x4: {  	s11 =	simm.s32 $0x1400;
	s12 =	simm.s32 $0x1E00;
	s5 =	sor.u32 s4, s28  }
0x5: {  	s13 =	simm.s32 $0x2800;
	s14 =	simm.s32 $0x1900;
	s1 =	sand.u32 $0x7, s5  }
0x6: {  	s15 =	simm.s32 $0x2300;
	s16 =	simm.s32 $0xF00;
	s6 =	smul.u32 $0x9C4, s1  }
0x7: {  	s17 =	simm.s32 $0x2D00;
	s18 =	simm.s32 $0x2;
	s19 =	simm.s32 $0x3  }
0x8: {  	s22 =	simm.s32 $0x0;
	s29 =	sshrl.u32 s0, $0x2;
	s7 =	smax.u32 s6, $0x4420  }
0x9: {  	s10 =	smul.u32 $0x4E20, s29;
	s4 =	ssub.s32 $0x2, s4;
	s3 =	ssub.s32 s6, s7  }
0xa: {  	s5 =	sshll.u32 s5, $0x1;
	s30 =	sshrl.u32 s4, $0x1;
	s9 =	sand.u32 $0x4, s3  }
0xb: {  	s31 =	ssub.s32 s4, s30;
	s6 =	sadd.s32 s10, s6;
	s7 =	sadd.s32 s9, s7  }
0xc: {  	s10 =	simm.s32 $0x500;
	s3 =	simm.s32 $0x0;
	s20 =	sadd.s32 $0xFFFFBBE0, s7  }
0xd: {  	[smem:$0x7FF] =	sst s3;
	s9 =	simm.s32 $0x1;
	s6 =	ssub.s32 s6, s20  }
0xe: {  	_ =	strace $0x80000047;
	s21 =	sadd.s32 $0xFFFFC5A4, s7;
	s6 =	sshrl.u32 s6, $0x3  }
0xf: {  	s7 =	smax.u32 s31, $0x1;
	v0 =	vmov s20;
	s20 =	simm.s32 $0x3200;
	s6 =	sadd.s32 s6, s8  }
0x10: {  	v1 =	vmov s21;
	s21 =	simm.s32 $0x4;
	s8 =	sadd.s32 s5, s8;
	s4 =	sadd.s32 $0x3000, s6  }
0x11: {  	v2 =	vlaneseq.u32;
	s5 =	sadd.s32 $0x800, s6;
	s6 =	sadd.s32 $0x5800, s8;
	s8 =	simm.s32 $0xA00  }
.LBB2_1:
0x12: {  	[tilespmem:s3], [sflag:$0x1] =	stream.linear.gather [hbm4b:s4+s3], $0xA00, $0x38;
	[tilespmem:$0x3280] =	vst v63  }
0x13: {  	_ = 	snop  }
0x14: {  	[tilespmem:s8], [sflag:$0x1] =	stream.linear.gather [hbm4b:s5+s3], $0xA00, $0x38;
	[tilespmem:$0x3280] =	vst v63  }
0x15: {  	_ =	swait.ge [sflag:s9], $0xA00  }
0x16: {  	[sflag:s9] =	ssyncset.done $0x0  }
0x17: {  	[sflag:s9] =	ssyncadd.s32 $0xFFFFF600  }
0x18: {  	v3 =	vld [tilespmem:$0x0]  }
0x19: {  	v4 =	vld [tilespmem:$0x10]  }
0x1a: {  	v5 =	vld [tilespmem:$0x20]  }
0x1b: {  	v6 =	vld [tilespmem:$0x30]  }
0x1c: {  	v7 =	vld [tilespmem:$0x40]  }
0x1d: {  	v8 =	vld [tilespmem:$0x50];
	v3 =	vand.u32 $0xFFFFF, v3  }
0x1e: {  	[tilespmem:$0x1400] =	vst v3;
	v3 =	vand.u32 $0xFFFFF, v4;
	v4 =	vld [tilespmem:$0x60]  }
0x1f: {  	[tilespmem:$0x1410] =	vst v3;
	v3 =	vand.u32 $0xFFFFF, v5;
	v5 =	vld [tilespmem:$0x70]  }
0x20: {  	[tilespmem:$0x1420] =	vst v3;
	v3 =	vand.u32 $0xFFFFF, v6;
	v6 =	vld [tilespmem:$0x80]  }
0x21: {  	[tilespmem:$0x1430] =	vst v3;
	v3 =	vand.u32 $0xFFFFF, v7;
	v7 =	vld [tilespmem:$0x90]  }
0x22: {  	[tilespmem:$0x1440] =	vst v3;
	v3 =	vand.u32 $0xFFFFF, v8;
	v8 =	vld [tilespmem:$0xA0]  }
0x23: {  	[tilespmem:$0x1450] =	vst v3;
	v3 =	vand.u32 $0xFFFFF, v4;
	v4 =	vld [tilespmem:$0xB0]  }
0x24: {  	[tilespmem:$0x1460] =	vst v3;
	v3 =	vand.u32 $0xFFFFF, v5;
	v5 =	vld [tilespmem:$0xC0]  }
0x25: {  	[tilespmem:$0x1470] =	vst v3;
	v3 =	vand.u32 $0xFFFFF, v6;
	v6 =	vld [tilespmem:$0xD0]  }
0x26: {  	[tilespmem:$0x1480] =	vst v3;
	v3 =	vand.u32 $0xFFFFF, v7;
	v7 =	vld [tilespmem:$0xE0]  }
0x27: {  	[tilespmem:$0x1490] =	vst v3;
	v3 =	vand.u32 $0xFFFFF, v8;
	v8 =	vld [tilespmem:$0xF0]  }
0x28: {  	[tilespmem:$0x14A0] =	vst v3;
	v3 =	vand.u32 $0xFFFFF, v4;
	v4 =	vld [tilespmem:$0x100]  }
0x29: {  	[tilespmem:$0x14B0] =	vst v3;
	v3 =	vand.u32 $0xFFFFF, v5;
	v5 =	vld [tilespmem:$0x110]  }
0x2a: {  	[tilespmem:$0x14C0] =	vst v3;
	v3 =	vand.u32 $0xFFFFF, v6;
	v6 =	vld [tilespmem:$0x120]  }
0x2b: {  	[tilespmem:$0x14D0] =	vst v3;
	v3 =	vand.u32 $0xFFFFF, v7;
	v7 =	vld [tilespmem:$0x130]  }
0x2c: {  	[tilespmem:$0x14E0] =	vst v3;
	v3 =	vand.u32 $0xFFFFF, v8;
	v8 =	vld [tilespmem:$0x140]  }
0x2d: {  	[tilespmem:$0x14F0] =	vst v3;
	v3 =	vand.u32 $0xFFFFF, v4;
	v4 =	vld [tilespmem:$0x150]  }
0x2e: {  	[tilespmem:$0x1500] =	vst v3;
	v3 =	vand.u32 $0xFFFFF, v5;
	v5 =	vld [tilespmem:$0x160]  }
0x2f: {  	[tilespmem:$0x1510] =	vst v3;
	v3 =	vand.u32 $0xFFFFF, v6;
	v6 =	vld [tilespmem:$0x170]  }
0x30: {  	[tilespmem:$0x1520] =	vst v3;
	v3 =	vand.u32 $0xFFFFF, v7;
	v7 =	vld [tilespmem:$0x180]  }
0x31: {  	[tilespmem:$0x1530] =	vst v3;
	v3 =	vand.u32 $0xFFFFF, v8;
	v8 =	vld [tilespmem:$0x190]  }
0x32: {  	[tilespmem:$0x1540] =	vst v3;
	v3 =	vand.u32 $0xFFFFF, v4;
	v4 =	vld [tilespmem:$0x1A0]  }
0x33: {  	[tilespmem:$0x1550] =	vst v3;
	v3 =	vand.u32 $0xFFFFF, v5;
	v5 =	vld [tilespmem:$0x1B0]  }
0x34: {  	[tilespmem:$0x1560] =	vst v3;
	v3 =	vand.u32 $0xFFFFF, v6;
	v6 =	vld [tilespmem:$0x1C0]  }
0x35: {  	[tilespmem:$0x1570] =	vst v3;
	v3 =	vand.u32 $0xFFFFF, v7;
	v7 =	vld [tilespmem:$0x1D0]  }
0x36: {  	[tilespmem:$0x1580] =	vst v3;
	v3 =	vand.u32 $0xFFFFF, v8;
	v8 =	vld [tilespmem:$0x1E0]  }
0x37: {  	[tilespmem:$0x1590] =	vst v3;
	v3 =	vand.u32 $0xFFFFF, v4;
	v4 =	vld [tilespmem:$0x1F0]  }
0x38: {  	[tilespmem:$0x15A0] =	vst v3;
	v3 =	vand.u32 $0xFFFFF, v5;
	v5 =	vld [tilespmem:$0x200]  }
0x39: {  	[tilespmem:$0x15B0] =	vst v3;
	v3 =	vand.u32 $0xFFFFF, v6;
	v6 =	vld [tilespmem:$0x210]  }
0x3a: {  	[tilespmem:$0x15C0] =	vst v3;
	v3 =	vand.u32 $0xFFFFF, v7;
	v7 =	vld [tilespmem:$0x220]  }
0x3b: {  	[tilespmem:$0x15D0] =	vst v3;
	v3 =	vand.u32 $0xFFFFF, v8;
	v8 =	vld [tilespmem:$0x230]  }
0x3c: {  	[tilespmem:$0x15E0] =	vst v3;
	v3 =	vand.u32 $0xFFFFF, v4;
	v4 =	vld [tilespmem:$0x240]  }
0x3d: {  	[tilespmem:$0x15F0] =	vst v3;
	v3 =	vand.u32 $0xFFFFF, v5;
	v5 =	vld [tilespmem:$0x250]  }
0x3e: {  	[tilespmem:$0x1600] =	vst v3;
	v3 =	vand.u32 $0xFFFFF, v6;
	v6 =	vld [tilespmem:$0x260]  }
0x3f: {  	[tilespmem:$0x1610] =	vst v3;
	v3 =	vand.u32 $0xFFFFF, v7;
	v7 =	vld [tilespmem:$0x270]  }
0x40: {  	[tilespmem:$0x1620] =	vst v3;
	v3 =	vand.u32 $0xFFFFF, v8;
	v8 =	vld [tilespmem:$0x280]  }
0x41: {  	[tilespmem:$0x1630] =	vst v3;
	v3 =	vand.u32 $0xFFFFF, v4;
	v4 =	vld [tilespmem:$0x290]  }
0x42: {  	[tilespmem:$0x1640] =	vst v3;
	v3 =	vand.u32 $0xFFFFF, v5;
	v5 =	vld [tilespmem:$0x2A0]  }
0x43: {  	[tilespmem:$0x1650] =	vst v3;
	v3 =	vand.u32 $0xFFFFF, v6;
	v6 =	vld [tilespmem:$0x2B0]  }
0x44: {  	[tilespmem:$0x1660] =	vst v3;
	v3 =	vand.u32 $0xFFFFF, v7;
	v7 =	vld [tilespmem:$0x2C0]  }
0x45: {  	[tilespmem:$0x1670] =	vst v3;
	v3 =	vand.u32 $0xFFFFF, v8;
	v8 =	vld [tilespmem:$0x2D0]  }
0x46: {  	[tilespmem:$0x1680] =	vst v3;
	v3 =	vand.u32 $0xFFFFF, v4;
	v4 =	vld [tilespmem:$0x2E0]  }
0x47: {  	[tilespmem:$0x1690] =	vst v3;
	v3 =	vand.u32 $0xFFFFF, v5;
	v5 =	vld [tilespmem:$0x2F0]  }
0x48: {  	[tilespmem:$0x16A0] =	vst v3;
	v3 =	vand.u32 $0xFFFFF, v6;
	v6 =	vld [tilespmem:$0x300]  }
0x49: {  	[tilespmem:$0x16B0] =	vst v3;
	v3 =	vand.u32 $0xFFFFF, v7;
	v7 =	vld [tilespmem:$0x310]  }
0x4a: {  	[tilespmem:$0x16C0] =	vst v3;
	v3 =	vand.u32 $0xFFFFF, v8;
	v8 =	vld [tilespmem:$0x320]  }
0x4b: {  	[tilespmem:$0x16D0] =	vst v3;
	v3 =	vand.u32 $0xFFFFF, v4;
	v4 =	vld [tilespmem:$0x330]  }
0x4c: {  	[tilespmem:$0x16E0] =	vst v3;
	v3 =	vand.u32 $0xFFFFF, v5;
	v5 =	vld [tilespmem:$0x340]  }
0x4d: {  	[tilespmem:$0x16F0] =	vst v3;
	v3 =	vand.u32 $0xFFFFF, v6;
	v6 =	vld [tilespmem:$0x350]  }
0x4e: {  	[tilespmem:$0x1700] =	vst v3;
	v3 =	vand.u32 $0xFFFFF, v7;
	v7 =	vld [tilespmem:$0x360]  }
0x4f: {  	[tilespmem:$0x1710] =	vst v3;
	v3 =	vand.u32 $0xFFFFF, v8;
	v8 =	vld [tilespmem:$0x370]  }
0x50: {  	[tilespmem:$0x1720] =	vst v3;
	v3 =	vand.u32 $0xFFFFF, v4;
	v4 =	vld [tilespmem:$0x380]  }
0x51: {  	[tilespmem:$0x1730] =	vst v3;
	v3 =	vand.u32 $0xFFFFF, v5;
	v5 =	vld [tilespmem:$0x390]  }
0x52: {  	[tilespmem:$0x1740] =	vst v3;
	v3 =	vand.u32 $0xFFFFF, v6;
	v6 =	vld [tilespmem:$0x3A0]  }
0x53: {  	[tilespmem:$0x1750] =	vst v3;
	v3 =	vand.u32 $0xFFFFF, v7;
	v7 =	vld [tilespmem:$0x3B0]  }
0x54: {  	[tilespmem:$0x1760] =	vst v3;
	v3 =	vand.u32 $0xFFFFF, v8;
	v8 =	vld [tilespmem:$0x3C0]  }
0x55: {  	[tilespmem:$0x1770] =	vst v3;
	v3 =	vand.u32 $0xFFFFF, v4;
	v4 =	vld [tilespmem:$0x3D0]  }
0x56: {  	[tilespmem:$0x1780] =	vst v3;
	v3 =	vand.u32 $0xFFFFF, v5;
	v5 =	vld [tilespmem:$0x3E0]  }
0x57: {  	[tilespmem:$0x1790] =	vst v3;
	v3 =	vand.u32 $0xFFFFF, v6;
	v6 =	vld [tilespmem:$0x3F0]  }
0x58: {  	[tilespmem:$0x17A0] =	vst v3;
	v3 =	vand.u32 $0xFFFFF, v7;
	v7 =	vld [tilespmem:$0x400]  }
0x59: {  	[tilespmem:$0x17B0] =	vst v3;
	v3 =	vand.u32 $0xFFFFF, v8;
	v8 =	vld [tilespmem:$0x410]  }
0x5a: {  	[tilespmem:$0x17C0] =	vst v3;
	v3 =	vand.u32 $0xFFFFF, v4;
	v4 =	vld [tilespmem:$0x420]  }
0x5b: {  	[tilespmem:$0x17D0] =	vst v3;
	v3 =	vand.u32 $0xFFFFF, v5;
	v5 =	vld [tilespmem:$0x430]  }
0x5c: {  	[tilespmem:$0x17E0] =	vst v3;
	v3 =	vand.u32 $0xFFFFF, v6;
	v6 =	vld [tilespmem:$0x440]  }
0x5d: {  	[tilespmem:$0x17F0] =	vst v3;
	v3 =	vand.u32 $0xFFFFF, v7;
	v7 =	vld [tilespmem:$0x450]  }
0x5e: {  	[tilespmem:$0x1800] =	vst v3;
	v3 =	vand.u32 $0xFFFFF, v8;
	v8 =	vld [tilespmem:$0x460]  }
0x5f: {  	[tilespmem:$0x1810] =	vst v3;
	v3 =	vand.u32 $0xFFFFF, v4;
	v4 =	vld [tilespmem:$0x470]  }
0x60: {  	[tilespmem:$0x1820] =	vst v3;
	v3 =	vand.u32 $0xFFFFF, v5;
	v5 =	vld [tilespmem:$0x480]  }
0x61: {  	[tilespmem:$0x1830] =	vst v3;
	v3 =	vand.u32 $0xFFFFF, v6;
	v6 =	vld [tilespmem:$0x490]  }
0x62: {  	[tilespmem:$0x1840] =	vst v3;
	v3 =	vand.u32 $0xFFFFF, v7;
	v7 =	vld [tilespmem:$0x4A0]  }
0x63: {  	[tilespmem:$0x1850] =	vst v3;
	v3 =	vand.u32 $0xFFFFF, v8;
	v8 =	vld [tilespmem:$0x4B0]  }
0x64: {  	[tilespmem:$0x1860] =	vst v3;
	v3 =	vand.u32 $0xFFFFF, v4;
	v4 =	vld [tilespmem:$0x4C0]  }
0x65: {  	[tilespmem:$0x1870] =	vst v3;
	v3 =	vand.u32 $0xFFFFF, v5;
	v5 =	vld [tilespmem:$0x4D0]  }
0x66: {  	[tilespmem:$0x1880] =	vst v3;
	v3 =	vand.u32 $0xFFFFF, v6;
	v6 =	vld [tilespmem:$0x4E0]  }
0x67: {  	[tilespmem:$0x1890] =	vst v3;
	v3 =	vand.u32 $0xFFFFF, v7;
	v7 =	vld [tilespmem:$0x4F0]  }
0x68: {  	[tilespmem:$0x18A0] =	vst v3;
	v3 =	vand.u32 $0xFFFFF, v8  }
0x69: {  	[tilespmem:$0x18B0] =	vst v3;
	v3 =	vand.u32 $0xFFFFF, v4  }
0x6a: {  	[tilespmem:$0x18C0] =	vst v3;
	v3 =	vand.u32 $0xFFFFF, v5  }
0x6b: {  	[tilespmem:$0x18D0] =	vst v3;
	v3 =	vand.u32 $0xFFFFF, v6  }
0x6c: {  	[tilespmem:$0x18E0] =	vst v3;
	v3 =	vand.u32 $0xFFFFF, v7  }
0x6d: {  	[tilespmem:$0x18F0] =	vst v3  }
0x6e: {  	[tilespmem:s12], [sflag:$0x2] =	stream.indirect.gather [hbm4b:s2+s10], $0x1, s11, s10, $0xb8;
	[tilespmem:$0x3280] =	vst v63  }
0x6f: {  	_ =	swait.ge [sflag:s9], $0xA00  }
0x70: {  	[sflag:s9] =	ssyncset.done $0x0  }
0x71: {  	[sflag:s9] =	ssyncadd.s32 $0xFFFFF600  }
0x72: {  	[tilespmem:s13], [sflag:$0x2] =	stream.indirect.gather [hbm4b:s2+s10], $0x1, s8, s10, $0xb8;
	[tilespmem:$0x3280] =	vst v63  }
0x73: {  	v3 =	vld [tilespmem:$0x500]  }
0x74: {  	v4 =	vld [tilespmem:$0x510]  }
0x75: {  	v5 =	vld [tilespmem:$0x520]  }
0x76: {  	v6 =	vld [tilespmem:$0x530]  }
0x77: {  	v7 =	vld [tilespmem:$0x540]  }
0x78: {  	v8 =	vld [tilespmem:$0x550];
	v3 =	vand.u32 $0xFFFFF, v3  }
0x79: {  	[tilespmem:$0x1900] =	vst v3;
	v3 =	vand.u32 $0xFFFFF, v4;
	v4 =	vld [tilespmem:$0x560]  }
0x7a: {  	[tilespmem:$0x1910] =	vst v3;
	v3 =	vand.u32 $0xFFFFF, v5;
	v5 =	vld [tilespmem:$0x570]  }
0x7b: {  	[tilespmem:$0x1920] =	vst v3;
	v3 =	vand.u32 $0xFFFFF, v6;
	v6 =	vld [tilespmem:$0x580]  }
0x7c: {  	[tilespmem:$0x1930] =	vst v3;
	v3 =	vand.u32 $0xFFFFF, v7;
	v7 =	vld [tilespmem:$0x590]  }
0x7d: {  	[tilespmem:$0x1940] =	vst v3;
	v3 =	vand.u32 $0xFFFFF, v8;
	v8 =	vld [tilespmem:$0x5A0]  }
0x7e: {  	[tilespmem:$0x1950] =	vst v3;
	v3 =	vand.u32 $0xFFFFF, v4;
	v4 =	vld [tilespmem:$0x5B0]  }
0x7f: {  	[tilespmem:$0x1960] =	vst v3;
	v3 =	vand.u32 $0xFFFFF, v5;
	v5 =	vld [tilespmem:$0x5C0]  }
0x80: {  	[tilespmem:$0x1970] =	vst v3;
	v3 =	vand.u32 $0xFFFFF, v6;
	v6 =	vld [tilespmem:$0x5D0]  }
0x81: {  	[tilespmem:$0x1980] =	vst v3;
	v3 =	vand.u32 $0xFFFFF, v7;
	v7 =	vld [tilespmem:$0x5E0]  }
0x82: {  	[tilespmem:$0x1990] =	vst v3;
	v3 =	vand.u32 $0xFFFFF, v8;
	v8 =	vld [tilespmem:$0x5F0]  }
0x83: {  	[tilespmem:$0x19A0] =	vst v3;
	v3 =	vand.u32 $0xFFFFF, v4;
	v4 =	vld [tilespmem:$0x600]  }
0x84: {  	[tilespmem:$0x19B0] =	vst v3;
	v3 =	vand.u32 $0xFFFFF, v5;
	v5 =	vld [tilespmem:$0x610]  }
0x85: {  	[tilespmem:$0x19C0] =	vst v3;
	v3 =	vand.u32 $0xFFFFF, v6;
	v6 =	vld [tilespmem:$0x620]  }
0x86: {  	[tilespmem:$0x19D0] =	vst v3;
	v3 =	vand.u32 $0xFFFFF, v7;
	v7 =	vld [tilespmem:$0x630]  }
0x87: {  	[tilespmem:$0x19E0] =	vst v3;
	v3 =	vand.u32 $0xFFFFF, v8;
	v8 =	vld [tilespmem:$0x640]  }
0x88: {  	[tilespmem:$0x19F0] =	vst v3;
	v3 =	vand.u32 $0xFFFFF, v4;
	v4 =	vld [tilespmem:$0x650]  }
0x89: {  	[tilespmem:$0x1A00] =	vst v3;
	v3 =	vand.u32 $0xFFFFF, v5;
	v5 =	vld [tilespmem:$0x660]  }
0x8a: {  	[tilespmem:$0x1A10] =	vst v3;
	v3 =	vand.u32 $0xFFFFF, v6;
	v6 =	vld [tilespmem:$0x670]  }
0x8b: {  	[tilespmem:$0x1A20] =	vst v3;
	v3 =	vand.u32 $0xFFFFF, v7;
	v7 =	vld [tilespmem:$0x680]  }
0x8c: {  	[tilespmem:$0x1A30] =	vst v3;
	v3 =	vand.u32 $0xFFFFF, v8;
	v8 =	vld [tilespmem:$0x690]  }
0x8d: {  	[tilespmem:$0x1A40] =	vst v3;
	v3 =	vand.u32 $0xFFFFF, v4;
	v4 =	vld [tilespmem:$0x6A0]  }
0x8e: {  	[tilespmem:$0x1A50] =	vst v3;
	v3 =	vand.u32 $0xFFFFF, v5;
	v5 =	vld [tilespmem:$0x6B0]  }
0x8f: {  	[tilespmem:$0x1A60] =	vst v3;
	v3 =	vand.u32 $0xFFFFF, v6;
	v6 =	vld [tilespmem:$0x6C0]  }
0x90: {  	[tilespmem:$0x1A70] =	vst v3;
	v3 =	vand.u32 $0xFFFFF, v7;
	v7 =	vld [tilespmem:$0x6D0]  }
0x91: {  	[tilespmem:$0x1A80] =	vst v3;
	v3 =	vand.u32 $0xFFFFF, v8;
	v8 =	vld [tilespmem:$0x6E0]  }
0x92: {  	[tilespmem:$0x1A90] =	vst v3;
	v3 =	vand.u32 $0xFFFFF, v4;
	v4 =	vld [tilespmem:$0x6F0]  }
0x93: {  	[tilespmem:$0x1AA0] =	vst v3;
	v3 =	vand.u32 $0xFFFFF, v5;
	v5 =	vld [tilespmem:$0x700]  }
0x94: {  	[tilespmem:$0x1AB0] =	vst v3;
	v3 =	vand.u32 $0xFFFFF, v6;
	v6 =	vld [tilespmem:$0x710]  }
0x95: {  	[tilespmem:$0x1AC0] =	vst v3;
	v3 =	vand.u32 $0xFFFFF, v7;
	v7 =	vld [tilespmem:$0x720]  }
0x96: {  	[tilespmem:$0x1AD0] =	vst v3;
	v3 =	vand.u32 $0xFFFFF, v8;
	v8 =	vld [tilespmem:$0x730]  }
0x97: {  	[tilespmem:$0x1AE0] =	vst v3;
	v3 =	vand.u32 $0xFFFFF, v4;
	v4 =	vld [tilespmem:$0x740]  }
0x98: {  	[tilespmem:$0x1AF0] =	vst v3;
	v3 =	vand.u32 $0xFFFFF, v5;
	v5 =	vld [tilespmem:$0x750]  }
0x99: {  	[tilespmem:$0x1B00] =	vst v3;
	v3 =	vand.u32 $0xFFFFF, v6;
	v6 =	vld [tilespmem:$0x760]  }
0x9a: {  	[tilespmem:$0x1B10] =	vst v3;
	v3 =	vand.u32 $0xFFFFF, v7;
	v7 =	vld [tilespmem:$0x770]  }
0x9b: {  	[tilespmem:$0x1B20] =	vst v3;
	v3 =	vand.u32 $0xFFFFF, v8;
	v8 =	vld [tilespmem:$0x780]  }
0x9c: {  	[tilespmem:$0x1B30] =	vst v3;
	v3 =	vand.u32 $0xFFFFF, v4;
	v4 =	vld [tilespmem:$0x790]  }
0x9d: {  	[tilespmem:$0x1B40] =	vst v3;
	v3 =	vand.u32 $0xFFFFF, v5;
	v5 =	vld [tilespmem:$0x7A0]  }
0x9e: {  	[tilespmem:$0x1B50] =	vst v3;
	v3 =	vand.u32 $0xFFFFF, v6;
	v6 =	vld [tilespmem:$0x7B0]  }
0x9f: {  	[tilespmem:$0x1B60] =	vst v3;
	v3 =	vand.u32 $0xFFFFF, v7;
	v7 =	vld [tilespmem:$0x7C0]  }
0xa0: {  	[tilespmem:$0x1B70] =	vst v3;
	v3 =	vand.u32 $0xFFFFF, v8;
	v8 =	vld [tilespmem:$0x7D0]  }
0xa1: {  	[tilespmem:$0x1B80] =	vst v3;
	v3 =	vand.u32 $0xFFFFF, v4;
	v4 =	vld [tilespmem:$0x7E0]  }
0xa2: {  	[tilespmem:$0x1B90] =	vst v3;
	v3 =	vand.u32 $0xFFFFF, v5;
	v5 =	vld [tilespmem:$0x7F0]  }
0xa3: {  	[tilespmem:$0x1BA0] =	vst v3;
	v3 =	vand.u32 $0xFFFFF, v6;
	v6 =	vld [tilespmem:$0x800]  }
0xa4: {  	[tilespmem:$0x1BB0] =	vst v3;
	v3 =	vand.u32 $0xFFFFF, v7;
	v7 =	vld [tilespmem:$0x810]  }
0xa5: {  	[tilespmem:$0x1BC0] =	vst v3;
	v3 =	vand.u32 $0xFFFFF, v8;
	v8 =	vld [tilespmem:$0x820]  }
0xa6: {  	[tilespmem:$0x1BD0] =	vst v3;
	v3 =	vand.u32 $0xFFFFF, v4;
	v4 =	vld [tilespmem:$0x830]  }
0xa7: {  	[tilespmem:$0x1BE0] =	vst v3;
	v3 =	vand.u32 $0xFFFFF, v5;
	v5 =	vld [tilespmem:$0x840]  }
0xa8: {  	[tilespmem:$0x1BF0] =	vst v3;
	v3 =	vand.u32 $0xFFFFF, v6;
	v6 =	vld [tilespmem:$0x850]  }
0xa9: {  	[tilespmem:$0x1C00] =	vst v3;
	v3 =	vand.u32 $0xFFFFF, v7;
	v7 =	vld [tilespmem:$0x860]  }
0xaa: {  	[tilespmem:$0x1C10] =	vst v3;
	v3 =	vand.u32 $0xFFFFF, v8;
	v8 =	vld [tilespmem:$0x870]  }
0xab: {  	[tilespmem:$0x1C20] =	vst v3;
	v3 =	vand.u32 $0xFFFFF, v4;
	v4 =	vld [tilespmem:$0x880]  }
0xac: {  	[tilespmem:$0x1C30] =	vst v3;
	v3 =	vand.u32 $0xFFFFF, v5;
	v5 =	vld [tilespmem:$0x890]  }
0xad: {  	[tilespmem:$0x1C40] =	vst v3;
	v3 =	vand.u32 $0xFFFFF, v6;
	v6 =	vld [tilespmem:$0x8A0]  }
0xae: {  	[tilespmem:$0x1C50] =	vst v3;
	v3 =	vand.u32 $0xFFFFF, v7;
	v7 =	vld [tilespmem:$0x8B0]  }
0xaf: {  	[tilespmem:$0x1C60] =	vst v3;
	v3 =	vand.u32 $0xFFFFF, v8;
	v8 =	vld [tilespmem:$0x8C0]  }
0xb0: {  	[tilespmem:$0x1C70] =	vst v3;
	v3 =	vand.u32 $0xFFFFF, v4;
	v4 =	vld [tilespmem:$0x8D0]  }
0xb1: {  	[tilespmem:$0x1C80] =	vst v3;
	v3 =	vand.u32 $0xFFFFF, v5;
	v5 =	vld [tilespmem:$0x8E0]  }
0xb2: {  	[tilespmem:$0x1C90] =	vst v3;
	v3 =	vand.u32 $0xFFFFF, v6;
	v6 =	vld [tilespmem:$0x8F0]  }
0xb3: {  	[tilespmem:$0x1CA0] =	vst v3;
	v3 =	vand.u32 $0xFFFFF, v7;
	v7 =	vld [tilespmem:$0x900]  }
0xb4: {  	[tilespmem:$0x1CB0] =	vst v3;
	v3 =	vand.u32 $0xFFFFF, v8;
	v8 =	vld [tilespmem:$0x910]  }
0xb5: {  	[tilespmem:$0x1CC0] =	vst v3;
	v3 =	vand.u32 $0xFFFFF, v4;
	v4 =	vld [tilespmem:$0x920]  }
0xb6: {  	[tilespmem:$0x1CD0] =	vst v3;
	v3 =	vand.u32 $0xFFFFF, v5;
	v5 =	vld [tilespmem:$0x930]  }
0xb7: {  	[tilespmem:$0x1CE0] =	vst v3;
	v3 =	vand.u32 $0xFFFFF, v6;
	v6 =	vld [tilespmem:$0x940]  }
0xb8: {  	[tilespmem:$0x1CF0] =	vst v3;
	v3 =	vand.u32 $0xFFFFF, v7;
	v7 =	vld [tilespmem:$0x950]  }
0xb9: {  	[tilespmem:$0x1D00] =	vst v3;
	v3 =	vand.u32 $0xFFFFF, v8;
	v8 =	vld [tilespmem:$0x960]  }
0xba: {  	[tilespmem:$0x1D10] =	vst v3;
	v3 =	vand.u32 $0xFFFFF, v4;
	v4 =	vld [tilespmem:$0x970]  }
0xbb: {  	[tilespmem:$0x1D20] =	vst v3;
	v3 =	vand.u32 $0xFFFFF, v5;
	v5 =	vld [tilespmem:$0x980]  }
0xbc: {  	[tilespmem:$0x1D30] =	vst v3;
	v3 =	vand.u32 $0xFFFFF, v6;
	v6 =	vld [tilespmem:$0x990]  }
0xbd: {  	[tilespmem:$0x1D40] =	vst v3;
	v3 =	vand.u32 $0xFFFFF, v7;
	v7 =	vld [tilespmem:$0x9A0]  }
0xbe: {  	[tilespmem:$0x1D50] =	vst v3;
	v3 =	vand.u32 $0xFFFFF, v8;
	v8 =	vld [tilespmem:$0x9B0]  }
0xbf: {  	[tilespmem:$0x1D60] =	vst v3;
	v3 =	vand.u32 $0xFFFFF, v4;
	v4 =	vld [tilespmem:$0x9C0]  }
0xc0: {  	[tilespmem:$0x1D70] =	vst v3;
	v3 =	vand.u32 $0xFFFFF, v5;
	v5 =	vld [tilespmem:$0x9D0]  }
0xc1: {  	[tilespmem:$0x1D80] =	vst v3;
	v3 =	vand.u32 $0xFFFFF, v6;
	v6 =	vld [tilespmem:$0x9E0]  }
0xc2: {  	[tilespmem:$0x1D90] =	vst v3;
	v3 =	vand.u32 $0xFFFFF, v7;
	v7 =	vld [tilespmem:$0x9F0]  }
0xc3: {  	[tilespmem:$0x1DA0] =	vst v3;
	v3 =	vand.u32 $0xFFFFF, v8  }
0xc4: {  	[tilespmem:$0x1DB0] =	vst v3;
	v3 =	vand.u32 $0xFFFFF, v4  }
0xc5: {  	[tilespmem:$0x1DC0] =	vst v3;
	v3 =	vand.u32 $0xFFFFF, v5  }
0xc6: {  	[tilespmem:$0x1DD0] =	vst v3;
	v3 =	vand.u32 $0xFFFFF, v6  }
0xc7: {  	[tilespmem:$0x1DE0] =	vst v3;
	v3 =	vand.u32 $0xFFFFF, v7  }
0xc8: {  	[tilespmem:$0x1DF0] =	vst v3  }
0xc9: {  	[tilespmem:s15], [sflag:$0x3] =	stream.indirect.gather [hbm4b:s2+s10], $0x1, s14, s10, $0xb8;
	[tilespmem:$0x3280] =	vst v63  }
0xca: {  	_ = 	snop  }
0xcb: {  	[tilespmem:s17], [sflag:$0x3] =	stream.indirect.gather [hbm4b:s2+s10], $0x1, s16, s10, $0xb8;
	[tilespmem:$0x3280] =	vst v63  }
0xcc: {  	_ =	swait.ge [sflag:s18], $0x500  }
0xcd: {  	[sflag:s18] =	ssyncset.done $0x0  }
0xce: {  	[sflag:s18] =	ssyncadd.s32 $0xFFFFFB00  }
0xcf: {  	_ =	swait.ge [sflag:s18], $0x500  }
0xd0: {  	[sflag:s18] =	ssyncset.done $0x0  }
0xd1: {  	s23 =	simm.s32 $0x1E40;
	[sflag:s18] =	ssyncadd.s32 $0xFFFFFB00  }
0xd2: {  	s24 =	simm.s32 $0x2840;
	v6 =	vld [tilespmem:s23+$0x30]  }
0xd3: {  	v8 =	vld [tilespmem:s24+$0x30]  }
0xd4: {  	v10 =	vld [tilespmem:s23+$0x20]  }
0xd5: {  	s25 =	simm.s32 $0x40;
	v11 =	vld [tilespmem:s24+$0x20]  }
0xd6: {  	v13 =	vld [tilespmem:s25+$0x30]  }
0xd7: {  	v9 =	vld [tilespmem:s23+$0x10]  }
0xd8: {  	v14 =	vld [tilespmem:s24+$0x10]  }
0xd9: {  	v15 =	vld [tilespmem:s25+$0x20]  }
0xda: {  	v16 =	vld [tilespmem:s23+$0x0]  }
0xdb: {  	v17 =	vld [tilespmem:s24+$0x0]  }
0xdc: {  	v18 =	vld [tilespmem:s25+$0x10]  }
0xdd: {  	v19 =	vld [tilespmem:s23+$0xFFFFFFF0]  }
0xde: {  	v22 =	vld [tilespmem:s24+$0xFFFFFFF0]  }
0xdf: {  	v23 =	vld [tilespmem:s25+$0x0]  }
0xe0: {  	s26 =	simm.s32 $0x60;
	s29 =	simm.s32 $0x40;
	v20 =	vld [tilespmem:s23+$0xFFFFFFE0]  }
0xe1: {  	s30 =	simm.s32 $0x50;
	s1 =	simm.s32 $0x20;
	s31 =	simm.s32 $0x30;
	v12 =	vor.u32 s26, v2;
	v21 =	vor.u32 s29, v2;
	v24 =	vld [tilespmem:s24+$0xFFFFFFE0]  }
0xe2: {  	v26 =	vor.u32 s30, v2;
	v28 =	vor.u32 s1, v2;
	v29 =	vor.u32 s31, v2;
	v25 =	vld [tilespmem:s25+$0xFFFFFFF0]  }
0xe3: {  	vm0 =	vge.s32 v12, v0;
	vm1 =	vlt.s32 v12, v1;
	vm4 =	vge.s32 v21, v0;
	v27 =	vld [tilespmem:s23+$0xFFFFFFD0]  }
0xe4: {  	vm2 =	vge.s32 v26, v0;
	vm3 =	vlt.s32 v26, v1;
	vm5 =	vge.s32 v29, v0;
	v30 =	vld [tilespmem:s24+$0xFFFFFFD0]  }
0xe5: {  	s30 =	simm.s32 $0x0;
	vm7 =	vlt.s32 v29, v1;
	vm6 =	vlt.s32 v21, v1;
	vm8 =	vge.s32 v28, v0;
	v31 =	vld [tilespmem:s25+$0xFFFFFFE0]  }
0xe6: {  	s28 =	simm.s32 $0x70;
	s26 =	simm.s32 $0x10;
	vm9 =	vlt.s32 v28, v1;
	v4 =	vimm.f32 $0.0e+00;
	v5 =	vor.u32 s30, v2;
	v26 =	vld [tilespmem:s23+$0xFFFFFFC0]  }
0xe7: {  	v7 =	vor.u32 s26, v2;
	v3 =	vor.u32 s28, v2;
	v29 =	vld [tilespmem:s24+$0xFFFFFFC0];
	v12 =	vsub.f32 v6, v8  }
0xe8: {  	v28 =	vld [tilespmem:s25+$0xFFFFFFD0];
	v9 =	vsub.f32 v9, v14;
	v8 =	vsub.f32 v10, v11;
	v10 =	vshra.s32 v13, $0x14  }
0xe9: {  	v21 =	vsub.f32 v16, v17;
	v13 =	vshra.s32 v18, $0x14;
	v14 =	vshra.s32 v15, $0x14  }
0xea: {  	v20 =	vsub.f32 v20, v24;
	v22 =	vsub.f32 v19, v22;
	v15 =	vshra.s32 v23, $0x14  }
0xeb: {  	v11 =	vld [tilespmem:s25+$0xFFFFFFC0];
	v17 =	vsub.f32 v27, v30;
	v16 =	vshra.s32 v31, $0x14;
	v18 =	vshra.s32 v25, $0x14  }
0xec: {  	v6 =	vsub.f32 v26, v29;
	v14 =	vcvt.s32.f32 v14;
	v10 =	vcvt.s32.f32 v10  }
0xed: {  	v19 =	vshra.s32 v28, $0x14;
	v15 =	vcvt.s32.f32 v15;
	v13 =	vcvt.s32.f32 v13  }
0xee: {  	v16 =	vcvt.s32.f32 v16;
	v23 =	vcvt.s32.f32 v18;
	v25 =	vadd.f32 $-1.000000000e+00, v14  }
0xef: {  	v19 =	vcvt.s32.f32 v19;
	v27 =	vadd.f32 $-1.000000000e+00, v10;
	v26 =	vadd.f32 $-1.000000000e+00, v13  }
0xf0: {  	v24 =	vadd.f32 $-1.000000000e+00, v15;
	v18 =	vadd.f32 $-1.000000000e+00, v16;
	v11 =	vshra.s32 v11, $0x14  }
0xf1: {  	v23 =	vadd.f32 $-1.000000000e+00, v23;
	v15 =	vmul.f32 v9, v26;
	v10 =	vcvt.s32.f32 v11  }
0xf2: {  	v16 =	vadd.f32 $-1.000000000e+00, v19;
	v13 =	vmul.f32 v8, v25;
	v14 =	vmul.f32 v21, v24  }
0xf3: {  	s26 =	simm.s32 $0xF0;
	v11 =	vmul.f32 v12, v27;
	v19 =	vadd.f32 $-1.000000000e+00, v10;
	v10 =	vmul.f32 v22, v23  }
.LBB2_2:
0xf4: {  	p0 =	sne.s32 s26, $0x4F0;
	v29 =	vmul.f32 v17, v16;
	vm10 =	vge.s32 v7, v0;
	v31 =	vmul.f32 v20, v18  }
0xf5: {  	v30 =	vand.u32 $0x7FFFFFFF, v13;
	v32 =	vand.u32 $0x7FFFFFFF, v11;
	v28 =	vmul.f32 v6, v19  }
0xf6: {  	v34 =	vand.u32 $0x7FFFFFFF, v15;
	v33 =	vand.u32 $0x7FFFFFFF, v14;
	v32 =	vsub.f32 $0.0e+00, v32  }
0xf7: {  	v36 =	vand.u32 $0x7FFFFFFF, v10;
	v30 =	vsub.f32 $0.0e+00, v30;
	v35 =	vand.u32 $0x7FFFFFFF, v31  }
0xf8: {  	v34 =	vsub.f32 $0.0e+00, v34;
	v37 =	vand.u32 $0x7FFFFFFF, v29;
	v32 =	vmul.f32 $1.442695020e+00, v32  }
0xf9: {  	v33 =	vsub.f32 $0.0e+00, v33;
	v38 =	vand.u32 $0x7FFFFFFF, v28;
	v30 =	vmul.f32 $1.442695020e+00, v30  }
0xfa: {  	v36 =	vsub.f32 $0.0e+00, v36;
	v34 =	vmul.f32 $1.442695020e+00, v34;
	(erf) = vpow2.f32 v32  }
0xfb: {  	v33 =	vmul.f32 $1.442695020e+00, v33;
	v32 =	vsub.f32 $0.0e+00, v35;
	(erf) = vpow2.f32 v30  }
0xfc: {  	v35 =	vmul.f32 $1.442695020e+00, v36;
	v30 =	vsub.f32 $0.0e+00, v37;
	(erf) = vpow2.f32 v34  }
0xfd: {  	v34 =	vsub.f32 $0.0e+00, v38;
	v32 =	vmul.f32 $1.442695020e+00, v32;
	(erf) = vpow2.f32 v33  }
0xfe: {  	vm11 =	vlt.s32 v7, v1;
	v30 =	vmul.f32 $1.442695020e+00, v30;
	(erf) = vpow2.f32 v35  }
0xff: {  	vm12 =	vge.s32 v5, v0;
	v7 =	vmul.f32 $1.442695020e+00, v34;
	(erf) = vpow2.f32 v32  }
0x100: {  	vm13 =	vlt.s32 v5, v1;
	vm4 =	vmand vm4, vm6;
	(erf) = vpow2.f32 v30  }
0x101: {  	vm6 =	vmand vm8, vm9;
	vm5 =	vmand vm5, vm7;
	(erf) = vpow2.f32 v7  }
0x102: {  	v8 =	vmul.f32 v8, v8;
	v5 =	vmul.f32 v12, v12;
	vm7 =	vmand vm10, vm11  }
0x103: {  	vm8 =	vmand vm12, vm13;
	v32 =	vmul.f32 v9, v9;
	v30 =	vmul.f32 v21, v21;
	v33 =	vpop (erf)  }
0x104: {  	v34 =	vmul.f32 v20, v20;
	v35 =	vmul.f32 v22, v22;
	v12 =	vadd.f32 $2.000000000e+00, v33;
	v36 =	vpop (erf)  }
0x105: {  	v37 =	vmul.f32 v17, v17;
	v7 =	vand.u32 $0x7FFFFFFF, v27;
	v17 =	vadd.f32 $2.000000000e+00, v36;
	v27 =	vpop (erf)  }
0x106: {  	v9 =	vand.u32 $0x7FFFFFFF, v25;
	v20 =	vadd.f32 $2.000000000e+00, v27;
	v38 =	vpop (erf);
	(erf) = vrcp.f32 v12  }
0x107: {  	v12 =	vand.u32 $0x7FFFFFFF, v26;
	v21 =	vadd.f32 $2.000000000e+00, v38;
	v39 =	vpop (erf);
	(erf) = vrcp.f32 v17  }
0x108: {  	v17 =	vand.u32 $0x7FFFFFFF, v24;
	v22 =	vadd.f32 $2.000000000e+00, v39;
	v40 =	vpop (erf);
	(erf) = vrcp.f32 v20  }
0x109: {  	v20 =	vand.u32 $0x7FFFFFFF, v23;
	v24 =	vadd.f32 $2.000000000e+00, v40;
	v23 =	vpop (erf);
	(erf) = vrcp.f32 v21  }
0x10a: {  	v21 =	vand.u32 $0x7FFFFFFF, v18;
	v25 =	vadd.f32 $2.000000000e+00, v23;
	v41 =	vpop (erf);
	(erf) = vrcp.f32 v22  }
0x10b: {  	v22 =	vand.u32 $0x7FFFFFFF, v16;
	v26 =	vadd.f32 $2.000000000e+00, v41;
	(erf) = vrcp.f32 v24  }
0x10c: {  	v18 =	vsub.f32 $1.000000000e+00, v9;
	v16 =	vsub.f32 $1.000000000e+00, v7;
	(erf) = vrcp.f32 v25  }
0x10d: {  	v42 =	vsub.f32 $1.000000000e+00, v12;
	v25 =	vsub.f32 $1.000000000e+00, v17;
	(erf) = vrcp.f32 v26  }
0x10e: {  	v24 =	vand.u32 $0x7FFFFFFF, v19;
	v19 =	vsub.f32 $1.000000000e+00, v21;
	v26 =	vsub.f32 $1.000000000e+00, v20  }
0x10f: {  	v44 =	vmul.f32 v6, v6;
	v45 =	vsub.f32 $1.000000000e+00, v22;
	v43 =	vsub.f32 $1.000000000e+00, v24;
	v46 =	vpop (erf)  }
0x110: {  	v47 =	vxor.u32 $0x80000000, v15;
	v48 =	vxor.u32 $0x80000000, v13;
	v49 =	vxor.u32 $0x80000000, v11;
	v13 =	vpop (erf)  }
0x111: {  	v50 =	vxor.u32 $0x80000000, v14;
	v6 =	vmul.f32 v42, v32;
	v11 =	vmul.f32 v25, v30;
	v14 =	vpop (erf)  }
0x112: {  	v32 =	vxor.u32 $0x80000000, v10;
	v15 =	vmul.f32 v19, v34;
	v10 =	vmul.f32 v26, v35;
	v26 =	vpop (erf)  }
0x113: {  	v31 =	vxor.u32 $0x80000000, v31;
	v30 =	vmul.f32 v43, v44;
	v25 =	vmul.f32 v45, v37;
	v34 =	vpop (erf)  }
0x114: {  	v29 =	vxor.u32 $0x80000000, v29;
	v19 =	vmul.f32 v13, v36;
	v13 =	vmul.f32 v46, v33;
	v33 =	vpop (erf)  }
0x115: {  	v35 =	vxor.u32 $0x80000000, v28;
	v28 =	vmul.f32 v26, v38;
	v26 =	vmul.f32 v14, v27;
	v27 =	vpop (erf)  }
0x116: {  	v14 =	vmax.f32 v49, $0.0e+00;
	v34 =	vmul.f32 v34, v39;
	v33 =	vmul.f32 v33, v40;
	v36 =	vpop (erf)  }
0x117: {  	v37 =	vmul.f32 v27, v23;
	v23 =	vmax.f32 v48, $0.0e+00;
	v36 =	vmul.f32 v36, v41  }
0x118: {  	v38 =	vmul.f32 v19, v19;
	v39 =	vmul.f32 v13, v13;
	v27 =	vmax.f32 v47, $0.0e+00  }
0x119: {  	v40 =	vmul.f32 v28, v28;
	v42 =	vmul.f32 v26, v26;
	v41 =	vmax.f32 v50, $0.0e+00  }
0x11a: {  	v32 =	vmax.f32 v32, $0.0e+00;
	v44 =	vmul.f32 v34, v34;
	v43 =	vmul.f32 v33, v33  }
0x11b: {  	v31 =	vmax.f32 v31, $0.0e+00;
	v46 =	vmul.f32 v37, v37;
	v45 =	vmul.f32 v36, v36  }
0x11c: {  	v29 =	vmax.f32 v29, $0.0e+00;
	v47 =	vmul.f32 $2.222222240e-01, v38;
	v48 =	vmul.f32 $2.222222240e-01, v39  }
0x11d: {  	v35 =	vmax.f32 v35, $0.0e+00;
	v49 =	vmul.f32 $2.222222240e-01, v40;
	v50 =	vmul.f32 $2.222222240e-01, v42  }
0x11e: {  	v52 =	vmul.f32 $2.222222240e-01, v44;
	v48 =	vadd.f32 $2.857142980e-01, v48;
	v51 =	vmul.f32 $2.222222240e-01, v45  }
0x11f: {  	v47 =	vadd.f32 $2.857142980e-01, v47;
	v53 =	vmul.f32 $2.222222240e-01, v43;
	v50 =	vadd.f32 $2.857142980e-01, v50  }
0x120: {  	v49 =	vadd.f32 $2.857142980e-01, v49;
	v54 =	vmul.f32 $2.222222240e-01, v46;
	v51 =	vadd.f32 $2.857142980e-01, v51  }
0x121: {  	v52 =	vadd.f32 $2.857142980e-01, v52;
	v47 =	vmul.f32 v47, v38;
	v48 =	vmul.f32 v48, v39  }
0x122: {  	v50 =	vmul.f32 v50, v42;
	v54 =	vadd.f32 $2.857142980e-01, v54;
	v51 =	vmul.f32 v51, v45  }
0x123: {  	v53 =	vadd.f32 $2.857142980e-01, v53;
	v49 =	vmul.f32 v49, v40;
	v52 =	vmul.f32 v52, v44  }
0x124: {  	v48 =	vadd.f32 $4.000000060e-01, v48;
	v54 =	vmul.f32 v54, v46;
	v51 =	vadd.f32 $4.000000060e-01, v51  }
0x125: {  	v47 =	vadd.f32 $4.000000060e-01, v47;
	v53 =	vmul.f32 v53, v43;
	v50 =	vadd.f32 $4.000000060e-01, v50  }
0x126: {  	v49 =	vadd.f32 $4.000000060e-01, v49;
	v54 =	vadd.f32 $4.000000060e-01, v54;
	v51 =	vmul.f32 v51, v45  }
0x127: {  	v47 =	vmul.f32 v47, v38;
	v48 =	vmul.f32 v48, v39;
	v53 =	vadd.f32 $4.000000060e-01, v53  }
0x128: {  	v50 =	vmul.f32 v50, v42;
	v54 =	vmul.f32 v54, v46;
	v51 =	vadd.f32 $6.666666860e-01, v51  }
0x129: {  	v52 =	vadd.f32 $4.000000060e-01, v52;
	v49 =	vmul.f32 v49, v40;
	v53 =	vmul.f32 v53, v43  }
0x12a: {  	v48 =	vadd.f32 $6.666666860e-01, v48;
	v45 =	vmul.f32 v51, v45;
	v51 =	vadd.f32 $6.666666860e-01, v54  }
0x12b: {  	v52 =	vmul.f32 v52, v44;
	v47 =	vadd.f32 $6.666666860e-01, v47;
	v50 =	vadd.f32 $6.666666860e-01, v50  }
0x12c: {  	v45 =	vadd.f32 $2.000000000e+00, v45;
	v46 =	vmul.f32 v51, v46;
	v51 =	vadd.f32 $6.666666860e-01, v53  }
0x12d: {  	v52 =	vadd.f32 $6.666666860e-01, v52;
	v38 =	vmul.f32 v47, v38;
	v39 =	vmul.f32 v48, v39  }
0x12e: {  	v36 =	vmul.f32 v45, v36;
	v45 =	vadd.f32 $2.000000000e+00, v46;
	v43 =	vmul.f32 v51, v43  }
0x12f: {  	v42 =	vmul.f32 v50, v42;
	v44 =	vmul.f32 v52, v44;
	v46 =	vadd.f32 $6.666666860e-01, v49  }
0x130: {  	v35 =	vadd.f32 v36, v35;
	v36 =	vmul.f32 v45, v37;
	v37 =	vadd.f32 $2.000000000e+00, v43  }
0x131: {  	v39 =	vadd.f32 $2.000000000e+00, v39;
	v43 =	vadd.f32 $2.000000000e+00, v44;
	v40 =	vmul.f32 v46, v40  }
0x132: {  	v24 =	vmul.f32 v35, v24;
	v29 =	vadd.f32 v36, v29;
	v33 =	vmul.f32 v37, v33  }
0x133: {  	v34 =	vmul.f32 v43, v34;
	v35 =	vadd.f32 $2.000000000e+00, v40;
	v36 =	vadd.f32 $2.000000000e+00, v38  }
0x134: {  	s23 =	sadd.s32 $0x80, s23;
	v24 =	vadd.f32 v24, v30;
	v22 =	vmul.f32 v29, v22;
	v29 =	vadd.f32 v33, v31  }
0x135: {  	s24 =	sadd.s32 $0x80, s24;
	v31 =	vadd.f32 v34, v32;
	v28 =	vmul.f32 v35, v28;
	v32 =	vadd.f32 $2.000000000e+00, v42;
	v30 =	vld [tilespmem:s23+$0x30]  }
0x136: {  	v24 =	vnsel vm8, $0x0, v24;
	v22 =	vadd.f32 v22, v25;
	v21 =	vmul.f32 v29, v21;
	v33 =	vld [tilespmem:s24+$0x30]  }
0x137: {  	v26 =	vmul.f32 v32, v26;
	v4 =	vadd.f32 v24, v4;
	v24 =	vadd.f32 v28, v41;
	v25 =	vld [tilespmem:s23+$0x20]  }
0x138: {  	s25 =	sadd.s32 $0x80, s25;
	v20 =	vmul.f32 v31, v20;
	v22 =	vnsel vm7, $0x0, v22;
	v15 =	vadd.f32 v21, v15;
	v28 =	vld [tilespmem:s24+$0x20]  }
0x139: {  	v19 =	vmul.f32 v36, v19;
	v4 =	vadd.f32 v22, v4;
	v22 =	vadd.f32 v26, v27;
	v21 =	vld [tilespmem:s25+$0x30]  }
0x13a: {  	v10 =	vadd.f32 v20, v10;
	v17 =	vmul.f32 v24, v17;
	v15 =	vnsel vm6, $0x0, v15;
	v26 =	vld [tilespmem:s23+$0x10]  }
0x13b: {  	v13 =	vmul.f32 v39, v13;
	v4 =	vadd.f32 v15, v4;
	v15 =	vadd.f32 v19, v23;
	v20 =	vld [tilespmem:s24+$0x10]  }
0x13c: {  	v10 =	vnsel vm5, $0x0, v10;
	v11 =	vadd.f32 v17, v11;
	v12 =	vmul.f32 v22, v12;
	v19 =	vld [tilespmem:s25+$0x20]  }
0x13d: {  	v8 =	vmul.f32 v18, v8;
	v4 =	vadd.f32 v10, v4;
	v10 =	vadd.f32 v13, v14;
	v17 =	vld [tilespmem:s23+$0x0]  }
0x13e: {  	v11 =	vnsel vm4, $0x0, v11;
	v6 =	vadd.f32 v12, v6;
	v9 =	vmul.f32 v15, v9;
	v13 =	vld [tilespmem:s24+$0x0]  }
0x13f: {  	vm2 =	vmand vm2, vm3;
	v5 =	vmul.f32 v16, v5;
	v4 =	vadd.f32 v11, v4;
	v14 =	vld [tilespmem:s25+$0x10]  }
0x140: {  	v6 =	vnsel vm2, $0x0, v6;
	v8 =	vadd.f32 v9, v8;
	v7 =	vmul.f32 v10, v7;
	v11 =	vld [tilespmem:s23+$0xFFFFFFF0]  }
0x141: {  	vm0 =	vmand vm0, vm1;
	vm1 =	vge.s32 v3, v0;
	v4 =	vadd.f32 v6, v4;
	v10 =	vld [tilespmem:s24+$0xFFFFFFF0]  }
0x142: {  	v8 =	vnsel vm0, $0x0, v8;
	v5 =	vadd.f32 v7, v5;
	vm0 =	vlt.s32 v3, v1;
	v6 =	vld [tilespmem:s25+$0x0]  }
0x143: {  	s28 =	sadd.s32 $0xFFFFFFF0, s26;
	vm0 =	vmand vm1, vm0;
	v4 =	vadd.f32 v8, v4;
	v15 =	vld [tilespmem:s23+$0xFFFFFFE0]  }
0x144: {  	s29 =	sadd.s32 $0xFFFFFFD0, s26;
	s30 =	sadd.s32 $0xFFFFFFE0, s26;
	v3 =	vor.u32 s26, v2;
	v8 =	vor.u32 s28, v2;
	v5 =	vnsel vm0, $0x0, v5;
	v16 =	vld [tilespmem:s24+$0xFFFFFFE0]  }
0x145: {  	s31 =	sadd.s32 $0xFFFFFFB0, s26;
	s1 =	sadd.s32 $0xFFFFFFC0, s26;
	v12 =	vor.u32 s30, v2;
	v9 =	vor.u32 s29, v2;
	s28 =	sadd.s32 $0xFFFFFFA0, s26;
	v4 =	vadd.f32 v5, v4;
	v18 =	vld [tilespmem:s25+$0xFFFFFFF0]  }
0x146: {  	v24 =	vor.u32 s1, v2;
	v22 =	vor.u32 s31, v2;
	s29 =	sadd.s32 $0xFFFFFF90, s26;
	v7 =	vor.u32 s28, v2;
	v23 =	vld [tilespmem:s23+$0xFFFFFFD0]  }
0x147: {  	vm0 =	vge.s32 v8, v0;
	vm1 =	vlt.s32 v8, v1;
	v5 =	vor.u32 s29, v2;
	v27 =	vld [tilespmem:s24+$0xFFFFFFD0]  }
0x148: {  	vm3 =	vlt.s32 v12, v1;
	vm2 =	vge.s32 v12, v0;
	vm4 =	vge.s32 v9, v0;
	v29 =	vld [tilespmem:s25+$0xFFFFFFE0]  }
0x149: {  	vm5 =	vge.s32 v24, v0;
	vm7 =	vlt.s32 v24, v1;
	vm6 =	vlt.s32 v9, v1;
	v31 =	vld [tilespmem:s23+$0xFFFFFFC0]  }
0x14a: {  	vm8 =	vge.s32 v22, v0;
	vm9 =	vlt.s32 v22, v1;
	v12 =	vsub.f32 v30, v33;
	v24 =	vld [tilespmem:s24+$0xFFFFFFC0]  }
0x14b: {  	v9 =	vsub.f32 v26, v20;
	v8 =	vsub.f32 v25, v28;
	v25 =	vshra.s32 v21, $0x14;
	v30 =	vld [tilespmem:s25+$0xFFFFFFD0]  }
0x14c: {  	v21 =	vsub.f32 v17, v13;
	v13 =	vshra.s32 v14, $0x14;
	v14 =	vshra.s32 v19, $0x14;
	v26 =	vld [tilespmem:s25+$0xFFFFFFC0]  }
0x14d: {  	v22 =	vsub.f32 v11, v10;
	v10 =	vshra.s32 v6, $0x14;
	v20 =	vsub.f32 v15, v16  }
0x14e: {  	v15 =	vshra.s32 v18, $0x14;
	v17 =	vsub.f32 v23, v27;
	v11 =	vshra.s32 v29, $0x14  }
0x14f: {  	v14 =	vcvt.s32.f32 v14;
	v16 =	vcvt.s32.f32 v25;
	v6 =	vsub.f32 v31, v24  }
0x150: {  	v13 =	vcvt.s32.f32 v13;
	v10 =	vcvt.s32.f32 v10;
	v18 =	vshra.s32 v30, $0x14  }
0x151: {  	v15 =	vcvt.s32.f32 v15;
	v11 =	vcvt.s32.f32 v11;
	v19 =	vshra.s32 v26, $0x14  }
.Ltmp0:
0x152: {  	v25 =	vadd.f32 $-1.000000000e+00, v14;
	v27 =	vadd.f32 $-1.000000000e+00, v16;
	v28 =	vcvt.s32.f32 v18;
	(pc) =	sbr.rel @p0 .LBB2_2-.Ltmp0, $4  }
0x153: {  	v24 =	vadd.f32 $-1.000000000e+00, v10;
	v26 =	vadd.f32 $-1.000000000e+00, v13;
	v14 =	vcvt.s32.f32 v19  }
0x154: {  	v23 =	vadd.f32 $-1.000000000e+00, v15;
	v18 =	vadd.f32 $-1.000000000e+00, v11;
	v11 =	vmul.f32 v12, v27  }
0x155: {  	v13 =	vmul.f32 v8, v25;
	v16 =	vadd.f32 $-1.000000000e+00, v28;
	v15 =	vmul.f32 v9, v26  }
0x156: {  	s26 =	sadd.s32 $0x80, s26;
	v10 =	vmul.f32 v22, v23;
	v19 =	vadd.f32 $-1.000000000e+00, v14;
	v14 =	vmul.f32 v21, v24  }
0x157: {  	v28 =	vmul.f32 v17, v16;
	vm10 =	vge.s32 v7, v0  }
0x158: {  	v29 =	vmul.f32 v20, v18;
	v31 =	vand.u32 $0x7FFFFFFF, v13;
	v32 =	vand.u32 $0x7FFFFFFF, v11  }
0x159: {  	v34 =	vand.u32 $0x7FFFFFFF, v15;
	vm11 =	vlt.s32 v7, v1;
	vm12 =	vge.s32 v5, v0  }
0x15a: {  	vm13 =	vlt.s32 v5, v1;
	vm4 =	vmand vm4, vm6;
	v8 =	vmul.f32 v8, v8  }
0x15b: {  	vm6 =	vmand vm8, vm9;
	v5 =	vmul.f32 v12, v12;
	v58 =	vmul.f32 v21, v21  }
0x15c: {  	vm5 =	vmand vm5, vm7;
	v59 =	vmul.f32 v9, v9;
	v61 =	vmul.f32 v20, v20  }
0x15d: {  	v62 =	vmul.f32 v22, v22;
	v52 =	vmul.f32 v17, v17;
	v9 =	vand.u32 $0x7FFFFFFF, v25  }
0x15e: {  	v44 =	vmul.f32 v6, v6;
	v30 =	vmul.f32 v6, v19;
	v32 =	vsub.f32 $0.0e+00, v32  }
0x15f: {  	v33 =	vand.u32 $0x7FFFFFFF, v14;
	v36 =	vand.u32 $0x7FFFFFFF, v10;
	v31 =	vsub.f32 $0.0e+00, v31  }
0x160: {  	v34 =	vsub.f32 $0.0e+00, v34;
	v35 =	vand.u32 $0x7FFFFFFF, v29;
	v32 =	vmul.f32 $1.442695020e+00, v32  }
0x161: {  	v37 =	vand.u32 $0x7FFFFFFF, v28;
	v33 =	vsub.f32 $0.0e+00, v33;
	v31 =	vmul.f32 $1.442695020e+00, v31  }
0x162: {  	v36 =	vsub.f32 $0.0e+00, v36;
	v34 =	vmul.f32 $1.442695020e+00, v34;
	(erf) = vpow2.f32 v32  }
0x163: {  	v54 =	vsub.f32 $0.0e+00, v35;
	v33 =	vmul.f32 $1.442695020e+00, v33;
	(erf) = vpow2.f32 v31  }
0x164: {  	v38 =	vand.u32 $0x7FFFFFFF, v30;
	v56 =	vmul.f32 $1.442695020e+00, v36;
	(erf) = vpow2.f32 v34  }
0x165: {  	v55 =	vsub.f32 $0.0e+00, v37;
	v32 =	vmul.f32 $1.442695020e+00, v54;
	(erf) = vpow2.f32 v33  }
0x166: {  	v47 =	vxor.u32 $0x80000000, v15;
	v57 =	vsub.f32 $0.0e+00, v38;
	(erf) = vpow2.f32 v56  }
0x167: {  	v48 =	vxor.u32 $0x80000000, v13;
	v31 =	vmul.f32 $1.442695020e+00, v55;
	(erf) = vpow2.f32 v32  }
0x168: {  	v49 =	vxor.u32 $0x80000000, v11;
	vm2 =	vmand vm2, vm3;
	v7 =	vmul.f32 $1.442695020e+00, v57  }
0x169: {  	vm0 =	vmand vm0, vm1;
	vm1 =	vge.s32 v3, v0;
	(erf) = vpow2.f32 v31  }
0x16a: {  	vm7 =	vmand vm10, vm11;
	v19 =	vand.u32 $0x7FFFFFFF, v19;
	(erf) = vpow2.f32 v7  }
0x16b: {  	vm8 =	vmand vm12, vm13;
	v50 =	vxor.u32 $0x80000000, v14;
	v43 =	vsub.f32 $1.000000000e+00, v19;
	v60 =	vpop (erf)  }
0x16c: {  	v29 =	vxor.u32 $0x80000000, v29;
	v57 =	vxor.u32 $0x80000000, v10;
	v12 =	vadd.f32 $2.000000000e+00, v60;
	v63 =	vpop (erf)  }
0x16d: {  	v34 =	vmul.f32 v43, v44;
	v7 =	vand.u32 $0x7FFFFFFF, v27;
	v17 =	vadd.f32 $2.000000000e+00, v63;
	v27 =	vpop (erf)  }
0x16e: {  	v20 =	vadd.f32 $2.000000000e+00, v27;
	v25 =	vpop (erf);
	(erf) = vrcp.f32 v12;
	v12 =	vand.u32 $0x7FFFFFFF, v26  }
0x16f: {  	v21 =	vadd.f32 $2.000000000e+00, v25;
	v26 =	vpop (erf);
	(erf) = vrcp.f32 v17;
	v17 =	vand.u32 $0x7FFFFFFF, v24  }
0x170: {  	v55 =	vsub.f32 $1.000000000e+00, v12;
	v22 =	vadd.f32 $2.000000000e+00, v26;
	v24 =	vpop (erf);
	(erf) = vrcp.f32 v20  }
0x171: {  	v20 =	vand.u32 $0x7FFFFFFF, v23;
	v53 =	vadd.f32 $2.000000000e+00, v24;
	(erf) = vrcp.f32 v21  }
0x172: {  	v54 =	vsub.f32 $1.000000000e+00, v17;
	v23 =	vpop (erf);
	v21 =	vand.u32 $0x7FFFFFFF, v18;
	(erf) = vrcp.f32 v22  }
0x173: {  	v18 =	vsub.f32 $1.000000000e+00, v9;
	v39 =	vadd.f32 $2.000000000e+00, v23;
	v40 =	vpop (erf);
	(erf) = vrcp.f32 v53  }
0x174: {  	v42 =	vsub.f32 $1.000000000e+00, v20;
	v6 =	vmul.f32 v55, v59;
	v41 =	vadd.f32 $2.000000000e+00, v40  }
0x175: {  	v22 =	vand.u32 $0x7FFFFFFF, v16;
	v16 =	vsub.f32 $1.000000000e+00, v7;
	(erf) = vrcp.f32 v39  }
0x176: {  	v56 =	vsub.f32 $1.000000000e+00, v21;
	v11 =	vmul.f32 v54, v58;
	(erf) = vrcp.f32 v41  }
0x177: {  	v45 =	vsub.f32 $1.000000000e+00, v22;
	v10 =	vmul.f32 v42, v62;
	v8 =	vmul.f32 v18, v8;
	v46 =	vpop (erf)  }
0x178: {  	v28 =	vxor.u32 $0x80000000, v28;
	v15 =	vmul.f32 v56, v61;
	v5 =	vmul.f32 v16, v5;
	v13 =	vpop (erf)  }
0x179: {  	v30 =	vxor.u32 $0x80000000, v30;
	v35 =	vmul.f32 v45, v52;
	v14 =	vpop (erf);
	v36 =	vmul.f32 v13, v63  }
0x17a: {  	v37 =	vmax.f32 v47, $0.0e+00;
	v13 =	vmul.f32 v46, v60;
	v58 =	vpop (erf);
	v27 =	vmul.f32 v14, v27  }
0x17b: {  	v29 =	vmax.f32 v29, $0.0e+00;
	v59 =	vpop (erf);
	v25 =	vmul.f32 v58, v25;
	v38 =	vmul.f32 v36, v36  }
0x17c: {  	v28 =	vmax.f32 v28, $0.0e+00;
	v39 =	vmul.f32 v13, v13;
	v60 =	vpop (erf);
	v26 =	vmul.f32 v59, v26  }
0x17d: {  	v30 =	vmax.f32 v30, $0.0e+00;
	v42 =	vmul.f32 v27, v27;
	v24 =	vmul.f32 v60, v24  }
0x17e: {  	v32 =	vmax.f32 v48, $0.0e+00;
	v61 =	vpop (erf);
	v58 =	vmul.f32 $2.222222240e-01, v38;
	v59 =	vmul.f32 $2.222222240e-01, v39  }
0x17f: {  	v31 =	vmax.f32 v57, $0.0e+00;
	v62 =	vpop (erf);
	v23 =	vmul.f32 v61, v23;
	v44 =	vmul.f32 v26, v26  }
0x180: {  	v41 =	vmax.f32 v50, $0.0e+00;
	v61 =	vmul.f32 $2.222222240e-01, v42;
	v33 =	vmul.f32 v62, v40  }
0x181: {  	v14 =	vmax.f32 v49, $0.0e+00;
	v40 =	vmul.f32 v25, v25;
	v43 =	vmul.f32 v24, v24  }
0x182: {  	v48 =	vadd.f32 $2.857142980e-01, v59;
	v57 =	vmul.f32 v23, v23;
	v63 =	vmul.f32 v33, v33  }
0x183: {  	v47 =	vadd.f32 $2.857142980e-01, v58;
	v52 =	vmul.f32 $2.222222240e-01, v44;
	v60 =	vmul.f32 $2.222222240e-01, v40  }
0x184: {  	v50 =	vadd.f32 $2.857142980e-01, v61;
	v53 =	vmul.f32 $2.222222240e-01, v43;
	v51 =	vmul.f32 $2.222222240e-01, v63  }
0x185: {  	v47 =	vmul.f32 v47, v38;
	v54 =	vmul.f32 $2.222222240e-01, v57;
	v52 =	vadd.f32 $2.857142980e-01, v52  }
0x186: {  	v48 =	vmul.f32 v48, v39;
	v49 =	vadd.f32 $2.857142980e-01, v60;
	v51 =	vadd.f32 $2.857142980e-01, v51  }
0x187: {  	v50 =	vmul.f32 v50, v42;
	v53 =	vadd.f32 $2.857142980e-01, v53;
	v54 =	vadd.f32 $2.857142980e-01, v54  }
0x188: {  	v48 =	vadd.f32 $4.000000060e-01, v48;
	v47 =	vadd.f32 $4.000000060e-01, v47;
	v51 =	vmul.f32 v51, v63  }
0x189: {  	v52 =	vmul.f32 v52, v44;
	v50 =	vadd.f32 $4.000000060e-01, v50;
	v54 =	vmul.f32 v54, v57  }
0x18a: {  	v49 =	vmul.f32 v49, v40;
	v53 =	vmul.f32 v53, v43;
	v51 =	vadd.f32 $4.000000060e-01, v51  }
0x18b: {  	v47 =	vmul.f32 v47, v38;
	v48 =	vmul.f32 v48, v39;
	v54 =	vadd.f32 $4.000000060e-01, v54  }
0x18c: {  	v52 =	vadd.f32 $4.000000060e-01, v52;
	v49 =	vadd.f32 $4.000000060e-01, v49;
	v51 =	vmul.f32 v51, v63  }
0x18d: {  	v53 =	vadd.f32 $4.000000060e-01, v53;
	v48 =	vadd.f32 $6.666666860e-01, v48;
	v54 =	vmul.f32 v54, v57  }
0x18e: {  	v50 =	vmul.f32 v50, v42;
	v47 =	vadd.f32 $6.666666860e-01, v47;
	v51 =	vadd.f32 $6.666666860e-01, v51  }
0x18f: {  	v52 =	vmul.f32 v52, v44;
	v53 =	vmul.f32 v53, v43;
	v62 =	vadd.f32 $6.666666860e-01, v54  }
0x190: {  	v50 =	vadd.f32 $6.666666860e-01, v50;
	v49 =	vmul.f32 v49, v40;
	v45 =	vmul.f32 v51, v63  }
0x191: {  	v38 =	vmul.f32 v47, v38;
	v46 =	vmul.f32 v62, v57;
	v63 =	vadd.f32 $6.666666860e-01, v53  }
0x192: {  	v39 =	vmul.f32 v48, v39;
	v52 =	vadd.f32 $6.666666860e-01, v52;
	v45 =	vadd.f32 $2.000000000e+00, v45  }
0x193: {  	_ =	swait.ge [sflag:s19], $0x500;
	v42 =	vmul.f32 v50, v42;
	v56 =	vadd.f32 $2.000000000e+00, v46;
	v43 =	vmul.f32 v63, v43  }
0x194: {  	[sflag:s19] =	ssyncset.done $0x0;
	v44 =	vmul.f32 v52, v44;
	v57 =	vadd.f32 $6.666666860e-01, v49;
	v33 =	vmul.f32 v45, v33  }
0x195: {  	[sflag:s19] =	ssyncadd.s32 $0xFFFFFB00;
	v39 =	vadd.f32 $2.000000000e+00, v39;
	v23 =	vmul.f32 v56, v23;
	v58 =	vadd.f32 $2.000000000e+00, v43  }
0x196: {  	_ =	swait.ge [sflag:s19], $0x500;
	v59 =	vadd.f32 $2.000000000e+00, v44;
	v40 =	vmul.f32 v57, v40;
	v30 =	vadd.f32 v33, v30  }
0x197: {  	[sflag:s19] =	ssyncset.done $0x0;
	v60 =	vadd.f32 $2.000000000e+00, v38;
	v23 =	vadd.f32 v23, v28;
	v24 =	vmul.f32 v58, v24  }
0x198: {  	s25 =	simm.s32 $0x570;
	[sflag:s19] =	ssyncadd.s32 $0xFFFFFB00;
	v26 =	vmul.f32 v59, v26;
	v28 =	vadd.f32 $2.000000000e+00, v40;
	v19 =	vmul.f32 v30, v19  }
0x199: {  	s23 =	simm.s32 $0x2370;
	v16 =	vld [tilespmem:s25+$0xFFFFFFD0];
	v13 =	vmul.f32 v39, v13;
	v22 =	vmul.f32 v23, v22;
	v23 =	vadd.f32 v24, v29  }
0x19a: {  	s24 =	simm.s32 $0x2D70;
	s29 =	simm.s32 $0x520;
	v18 =	vld [tilespmem:s23+$0xFFFFFFB0];
	v25 =	vmul.f32 v28, v25;
	v24 =	vadd.f32 v26, v31;
	v19 =	vadd.f32 v19, v34  }
0x19b: {  	s30 =	simm.s32 $0x530;
	v61 =	vld [tilespmem:s24+$0xFFFFFFA0];
	v28 =	vor.u32 s29, v2;
	v26 =	vadd.f32 $2.000000000e+00, v42;
	v22 =	vadd.f32 v22, v35  }
0x19c: {  	v62 =	vld [tilespmem:s25+$0xFFFFFFB0];
	v29 =	vor.u32 s30, v2;
	v21 =	vmul.f32 v23, v21;
	v19 =	vnsel vm8, $0x0, v19  }
0x19d: {  	v63 =	vld [tilespmem:s23+$0xFFFFFF90];
	v20 =	vmul.f32 v24, v20;
	v22 =	vnsel vm7, $0x0, v22;
	v4 =	vadd.f32 v19, v4  }
0x19e: {  	v23 =	vld [tilespmem:s23+$0x0];
	v15 =	vadd.f32 v21, v15;
	v19 =	vadd.f32 v25, v41;
	v25 =	vmul.f32 v26, v27  }
0x19f: {  	vm9 =	vlt.s32 v28, v1;
	v24 =	vmul.f32 v60, v36;
	v21 =	vld [tilespmem:s23+$0xFFFFFFF0];
	v4 =	vadd.f32 v22, v4  }
0x1a0: {  	v10 =	vadd.f32 v20, v10;
	v20 =	vld [tilespmem:s23+$0xFFFFFFE0];
	v15 =	vnsel vm6, $0x0, v15;
	v22 =	vadd.f32 v25, v37  }
0x1a1: {  	vm7 =	vlt.s32 v29, v1;
	v26 =	vld [tilespmem:s24+$0x0];
	v17 =	vmul.f32 v19, v17;
	v4 =	vadd.f32 v15, v4  }
0x1a2: {  	v27 =	vld [tilespmem:s23+$0xFFFFFFA0];
	v10 =	vnsel vm5, $0x0, v10;
	v15 =	vadd.f32 v24, v32;
	v12 =	vmul.f32 v22, v12  }
0x1a3: {  	vm8 =	vge.s32 v28, v0;
	v11 =	vadd.f32 v17, v11;
	v17 =	vld [tilespmem:s24+$0xFFFFFFE0];
	v4 =	vadd.f32 v10, v4  }
0x1a4: {  	s28 =	simm.s32 $0x550;
	vm5 =	vge.s32 v29, v0;
	v22 =	vld [tilespmem:s24+$0xFFFFFFB0];
	v10 =	vadd.f32 v13, v14;
	v6 =	vadd.f32 v12, v6  }
0x1a5: {  	v19 =	vld [tilespmem:s25+$0x0];
	v11 =	vnsel vm4, $0x0, v11;
	v9 =	vmul.f32 v15, v9;
	v12 =	vor.u32 s28, v2  }
0x1a6: {  	s26 =	simm.s32 $0x540;
	v25 =	vld [tilespmem:s24+$0xFFFFFFF0];
	vm3 =	vlt.s32 v12, v1;
	v4 =	vadd.f32 v11, v4;
	v6 =	vnsel vm2, $0x0, v6  }
0x1a7: {  	v13 =	vld [tilespmem:s25+$0xFFFFFFF0];
	v8 =	vadd.f32 v9, v8;
	v7 =	vmul.f32 v10, v7;
	v9 =	vor.u32 s26, v2  }
0x1a8: {  	v14 =	vld [tilespmem:s23+$0xFFFFFFD0];
	vm2 =	vge.s32 v12, v0;
	v12 =	vsub.f32 v23, v26;
	vm4 =	vge.s32 v9, v0  }
0x1a9: {  	v11 =	vld [tilespmem:s24+$0xFFFFFFD0];
	vm6 =	vlt.s32 v9, v1;
	v9 =	vsub.f32 v20, v17;
	v20 =	vsub.f32 v18, v22  }
0x1aa: {  	v19 =	vshra.s32 v19, $0x14;
	v10 =	vld [tilespmem:s25+$0xFFFFFFE0];
	v17 =	vsub.f32 v27, v61;
	v4 =	vadd.f32 v6, v4  }
0x1ab: {  	s1 =	simm.s32 $0x560;
	v29 =	vld [tilespmem:s24+$0xFFFFFF90];
	v8 =	vnsel vm0, $0x0, v8;
	v5 =	vadd.f32 v7, v5;
	vm0 =	vlt.s32 v3, v1  }
0x1ac: {  	s31 =	simm.s32 $0x500;
	v23 =	vld [tilespmem:s25+$0xFFFFFFA0];
	vm0 =	vmand vm1, vm0;
	v3 =	vadd.f32 v8, v4;
	v8 =	vor.u32 s1, v2;
	s1 =	simm.s32 $0x510  }
0x1ad: {  	v15 =	vld [tilespmem:s24+$0xFFFFFFC0];
	v4 =	vnsel vm0, $0x0, v5;
	v5 =	vor.u32 s31, v2;
	v7 =	vor.u32 s1, v2  }
0x1ae: {  	v6 =	vld [tilespmem:s23+$0xFFFFFFC0];
	vm0 =	vge.s32 v8, v0;
	vm1 =	vlt.s32 v8, v1;
	v8 =	vsub.f32 v21, v25  }
0x1af: {  	v24 =	vld [tilespmem:s25+$0xFFFFFFC0];
	v21 =	vsub.f32 v14, v11;
	v10 =	vshra.s32 v10, $0x14;
	v11 =	vshra.s32 v13, $0x14  }
0x1b0: {  	v13 =	vshra.s32 v16, $0x14;
	v14 =	vshra.s32 v62, $0x14;
	v16 =	vcvt.s32.f32 v19  }
0x1b1: {  	v25 =	vld [tilespmem:s25+$0xFFFFFF90];
	v18 =	vshra.s32 v23, $0x14;
	v4 =	vadd.f32 v4, v3;
	v11 =	vcvt.s32.f32 v11  }
0x1b2: {  	v3 =	vor.u32 s25, v2;
	v13 =	vcvt.s32.f32 v13;
	v10 =	vcvt.s32.f32 v10  }
0x1b3: {  	v14 =	vcvt.s32.f32 v14;
	v28 =	vcvt.s32.f32 v18;
	v22 =	vsub.f32 v6, v15  }
0x1b4: {  	v15 =	vshra.s32 v24, $0x14;
	v6 =	vsub.f32 v63, v29;
	v27 =	vadd.f32 $-1.000000000e+00, v16  }
0x1b5: {  	v15 =	vcvt.s32.f32 v15;
	v24 =	vadd.f32 $-1.000000000e+00, v13;
	v26 =	vadd.f32 $-1.000000000e+00, v10  }
0x1b6: {  	v18 =	vadd.f32 $-1.000000000e+00, v14;
	v19 =	vshra.s32 v25, $0x14;
	v25 =	vadd.f32 $-1.000000000e+00, v11  }
0x1b7: {  	v23 =	vadd.f32 $-1.000000000e+00, v15;
	v11 =	vmul.f32 v12, v27;
	v19 =	vcvt.s32.f32 v19  }
0x1b8: {  	v16 =	vadd.f32 $-1.000000000e+00, v28;
	v15 =	vmul.f32 v9, v26;
	v14 =	vmul.f32 v21, v24  }
0x1b9: {  	s26 =	simm.s32 $0x5F0;
	v13 =	vmul.f32 v8, v25;
	v10 =	vmul.f32 v22, v23;
	v19 =	vadd.f32 $-1.000000000e+00, v19  }
.LBB2_4:
0x1ba: {  	p0 =	sne.s32 s26, $0x9F0;
	v29 =	vmul.f32 v17, v16;
	vm10 =	vge.s32 v7, v0;
	v31 =	vmul.f32 v20, v18  }
0x1bb: {  	v30 =	vand.u32 $0x7FFFFFFF, v13;
	v32 =	vand.u32 $0x7FFFFFFF, v11;
	v28 =	vmul.f32 v6, v19  }
0x1bc: {  	v34 =	vand.u32 $0x7FFFFFFF, v15;
	v33 =	vand.u32 $0x7FFFFFFF, v14;
	v32 =	vsub.f32 $0.0e+00, v32  }
0x1bd: {  	v36 =	vand.u32 $0x7FFFFFFF, v10;
	v30 =	vsub.f32 $0.0e+00, v30;
	v35 =	vand.u32 $0x7FFFFFFF, v31  }
0x1be: {  	v34 =	vsub.f32 $0.0e+00, v34;
	v37 =	vand.u32 $0x7FFFFFFF, v29;
	v32 =	vmul.f32 $1.442695020e+00, v32  }
0x1bf: {  	v33 =	vsub.f32 $0.0e+00, v33;
	v38 =	vand.u32 $0x7FFFFFFF, v28;
	v30 =	vmul.f32 $1.442695020e+00, v30  }
0x1c0: {  	v36 =	vsub.f32 $0.0e+00, v36;
	v34 =	vmul.f32 $1.442695020e+00, v34;
	(erf) = vpow2.f32 v32  }
0x1c1: {  	v33 =	vmul.f32 $1.442695020e+00, v33;
	v32 =	vsub.f32 $0.0e+00, v35;
	(erf) = vpow2.f32 v30  }
0x1c2: {  	v35 =	vmul.f32 $1.442695020e+00, v36;
	v30 =	vsub.f32 $0.0e+00, v37;
	(erf) = vpow2.f32 v34  }
0x1c3: {  	v34 =	vsub.f32 $0.0e+00, v38;
	v32 =	vmul.f32 $1.442695020e+00, v32;
	(erf) = vpow2.f32 v33  }
0x1c4: {  	vm11 =	vlt.s32 v7, v1;
	v30 =	vmul.f32 $1.442695020e+00, v30;
	(erf) = vpow2.f32 v35  }
0x1c5: {  	vm12 =	vge.s32 v5, v0;
	v7 =	vmul.f32 $1.442695020e+00, v34;
	(erf) = vpow2.f32 v32  }
0x1c6: {  	vm13 =	vlt.s32 v5, v1;
	vm4 =	vmand vm4, vm6;
	(erf) = vpow2.f32 v30  }
0x1c7: {  	vm6 =	vmand vm8, vm9;
	vm5 =	vmand vm5, vm7;
	(erf) = vpow2.f32 v7  }
0x1c8: {  	v8 =	vmul.f32 v8, v8;
	v5 =	vmul.f32 v12, v12;
	vm7 =	vmand vm10, vm11  }
0x1c9: {  	vm8 =	vmand vm12, vm13;
	v32 =	vmul.f32 v9, v9;
	v30 =	vmul.f32 v21, v21;
	v33 =	vpop (erf)  }
0x1ca: {  	v34 =	vmul.f32 v20, v20;
	v35 =	vmul.f32 v22, v22;
	v12 =	vadd.f32 $2.000000000e+00, v33;
	v36 =	vpop (erf)  }
0x1cb: {  	v37 =	vmul.f32 v17, v17;
	v7 =	vand.u32 $0x7FFFFFFF, v27;
	v17 =	vadd.f32 $2.000000000e+00, v36;
	v27 =	vpop (erf)  }
0x1cc: {  	v9 =	vand.u32 $0x7FFFFFFF, v25;
	v20 =	vadd.f32 $2.000000000e+00, v27;
	v38 =	vpop (erf);
	(erf) = vrcp.f32 v12  }
0x1cd: {  	v12 =	vand.u32 $0x7FFFFFFF, v26;
	v21 =	vadd.f32 $2.000000000e+00, v38;
	v39 =	vpop (erf);
	(erf) = vrcp.f32 v17  }
0x1ce: {  	v17 =	vand.u32 $0x7FFFFFFF, v24;
	v22 =	vadd.f32 $2.000000000e+00, v39;
	v40 =	vpop (erf);
	(erf) = vrcp.f32 v20  }
0x1cf: {  	v20 =	vand.u32 $0x7FFFFFFF, v23;
	v24 =	vadd.f32 $2.000000000e+00, v40;
	v23 =	vpop (erf);
	(erf) = vrcp.f32 v21  }
0x1d0: {  	v21 =	vand.u32 $0x7FFFFFFF, v18;
	v25 =	vadd.f32 $2.000000000e+00, v23;
	v41 =	vpop (erf);
	(erf) = vrcp.f32 v22  }
0x1d1: {  	v22 =	vand.u32 $0x7FFFFFFF, v16;
	v26 =	vadd.f32 $2.000000000e+00, v41;
	(erf) = vrcp.f32 v24  }
0x1d2: {  	v18 =	vsub.f32 $1.000000000e+00, v9;
	v16 =	vsub.f32 $1.000000000e+00, v7;
	(erf) = vrcp.f32 v25  }
0x1d3: {  	v42 =	vsub.f32 $1.000000000e+00, v12;
	v25 =	vsub.f32 $1.000000000e+00, v17;
	(erf) = vrcp.f32 v26  }
0x1d4: {  	v24 =	vand.u32 $0x7FFFFFFF, v19;
	v19 =	vsub.f32 $1.000000000e+00, v21;
	v26 =	vsub.f32 $1.000000000e+00, v20  }
0x1d5: {  	v44 =	vmul.f32 v6, v6;
	v45 =	vsub.f32 $1.000000000e+00, v22;
	v43 =	vsub.f32 $1.000000000e+00, v24;
	v46 =	vpop (erf)  }
0x1d6: {  	v47 =	vxor.u32 $0x80000000, v15;
	v48 =	vxor.u32 $0x80000000, v13;
	v49 =	vxor.u32 $0x80000000, v11;
	v13 =	vpop (erf)  }
0x1d7: {  	v50 =	vxor.u32 $0x80000000, v14;
	v6 =	vmul.f32 v42, v32;
	v11 =	vmul.f32 v25, v30;
	v14 =	vpop (erf)  }
0x1d8: {  	v32 =	vxor.u32 $0x80000000, v10;
	v15 =	vmul.f32 v19, v34;
	v10 =	vmul.f32 v26, v35;
	v26 =	vpop (erf)  }
0x1d9: {  	v31 =	vxor.u32 $0x80000000, v31;
	v30 =	vmul.f32 v43, v44;
	v25 =	vmul.f32 v45, v37;
	v34 =	vpop (erf)  }
0x1da: {  	v29 =	vxor.u32 $0x80000000, v29;
	v19 =	vmul.f32 v13, v36;
	v13 =	vmul.f32 v46, v33;
	v33 =	vpop (erf)  }
0x1db: {  	v35 =	vxor.u32 $0x80000000, v28;
	v28 =	vmul.f32 v26, v38;
	v26 =	vmul.f32 v14, v27;
	v27 =	vpop (erf)  }
0x1dc: {  	v14 =	vmax.f32 v49, $0.0e+00;
	v34 =	vmul.f32 v34, v39;
	v33 =	vmul.f32 v33, v40;
	v36 =	vpop (erf)  }
0x1dd: {  	v37 =	vmul.f32 v27, v23;
	v23 =	vmax.f32 v48, $0.0e+00;
	v36 =	vmul.f32 v36, v41  }
0x1de: {  	v38 =	vmul.f32 v19, v19;
	v39 =	vmul.f32 v13, v13;
	v27 =	vmax.f32 v47, $0.0e+00  }
0x1df: {  	v40 =	vmul.f32 v28, v28;
	v42 =	vmul.f32 v26, v26;
	v41 =	vmax.f32 v50, $0.0e+00  }
0x1e0: {  	v32 =	vmax.f32 v32, $0.0e+00;
	v44 =	vmul.f32 v34, v34;
	v43 =	vmul.f32 v33, v33  }
0x1e1: {  	v31 =	vmax.f32 v31, $0.0e+00;
	v46 =	vmul.f32 v37, v37;
	v45 =	vmul.f32 v36, v36  }
0x1e2: {  	v29 =	vmax.f32 v29, $0.0e+00;
	v47 =	vmul.f32 $2.222222240e-01, v38;
	v48 =	vmul.f32 $2.222222240e-01, v39  }
0x1e3: {  	v35 =	vmax.f32 v35, $0.0e+00;
	v49 =	vmul.f32 $2.222222240e-01, v40;
	v50 =	vmul.f32 $2.222222240e-01, v42  }
0x1e4: {  	v52 =	vmul.f32 $2.222222240e-01, v44;
	v48 =	vadd.f32 $2.857142980e-01, v48;
	v51 =	vmul.f32 $2.222222240e-01, v45  }
0x1e5: {  	v47 =	vadd.f32 $2.857142980e-01, v47;
	v53 =	vmul.f32 $2.222222240e-01, v43;
	v50 =	vadd.f32 $2.857142980e-01, v50  }
0x1e6: {  	v49 =	vadd.f32 $2.857142980e-01, v49;
	v54 =	vmul.f32 $2.222222240e-01, v46;
	v51 =	vadd.f32 $2.857142980e-01, v51  }
0x1e7: {  	v52 =	vadd.f32 $2.857142980e-01, v52;
	v47 =	vmul.f32 v47, v38;
	v48 =	vmul.f32 v48, v39  }
0x1e8: {  	v50 =	vmul.f32 v50, v42;
	v54 =	vadd.f32 $2.857142980e-01, v54;
	v51 =	vmul.f32 v51, v45  }
0x1e9: {  	v53 =	vadd.f32 $2.857142980e-01, v53;
	v49 =	vmul.f32 v49, v40;
	v52 =	vmul.f32 v52, v44  }
0x1ea: {  	v48 =	vadd.f32 $4.000000060e-01, v48;
	v54 =	vmul.f32 v54, v46;
	v51 =	vadd.f32 $4.000000060e-01, v51  }
0x1eb: {  	v47 =	vadd.f32 $4.000000060e-01, v47;
	v53 =	vmul.f32 v53, v43;
	v50 =	vadd.f32 $4.000000060e-01, v50  }
0x1ec: {  	v49 =	vadd.f32 $4.000000060e-01, v49;
	v54 =	vadd.f32 $4.000000060e-01, v54;
	v51 =	vmul.f32 v51, v45  }
0x1ed: {  	v47 =	vmul.f32 v47, v38;
	v48 =	vmul.f32 v48, v39;
	v53 =	vadd.f32 $4.000000060e-01, v53  }
0x1ee: {  	v50 =	vmul.f32 v50, v42;
	v54 =	vmul.f32 v54, v46;
	v51 =	vadd.f32 $6.666666860e-01, v51  }
0x1ef: {  	v52 =	vadd.f32 $4.000000060e-01, v52;
	v49 =	vmul.f32 v49, v40;
	v53 =	vmul.f32 v53, v43  }
0x1f0: {  	v48 =	vadd.f32 $6.666666860e-01, v48;
	v45 =	vmul.f32 v51, v45;
	v51 =	vadd.f32 $6.666666860e-01, v54  }
0x1f1: {  	v52 =	vmul.f32 v52, v44;
	v47 =	vadd.f32 $6.666666860e-01, v47;
	v50 =	vadd.f32 $6.666666860e-01, v50  }
0x1f2: {  	v45 =	vadd.f32 $2.000000000e+00, v45;
	v46 =	vmul.f32 v51, v46;
	v51 =	vadd.f32 $6.666666860e-01, v53  }
0x1f3: {  	v52 =	vadd.f32 $6.666666860e-01, v52;
	v38 =	vmul.f32 v47, v38;
	v39 =	vmul.f32 v48, v39  }
0x1f4: {  	v36 =	vmul.f32 v45, v36;
	v45 =	vadd.f32 $2.000000000e+00, v46;
	v43 =	vmul.f32 v51, v43  }
0x1f5: {  	v42 =	vmul.f32 v50, v42;
	v44 =	vmul.f32 v52, v44;
	v46 =	vadd.f32 $6.666666860e-01, v49  }
0x1f6: {  	v35 =	vadd.f32 v36, v35;
	v36 =	vmul.f32 v45, v37;
	v37 =	vadd.f32 $2.000000000e+00, v43  }
0x1f7: {  	v39 =	vadd.f32 $2.000000000e+00, v39;
	v43 =	vadd.f32 $2.000000000e+00, v44;
	v40 =	vmul.f32 v46, v40  }
0x1f8: {  	v24 =	vmul.f32 v35, v24;
	v29 =	vadd.f32 v36, v29;
	v33 =	vmul.f32 v37, v33  }
0x1f9: {  	v34 =	vmul.f32 v43, v34;
	v35 =	vadd.f32 $2.000000000e+00, v40;
	v36 =	vadd.f32 $2.000000000e+00, v38  }
0x1fa: {  	s23 =	sadd.s32 $0x80, s23;
	v24 =	vadd.f32 v24, v30;
	v22 =	vmul.f32 v29, v22;
	v29 =	vadd.f32 v33, v31  }
0x1fb: {  	s24 =	sadd.s32 $0x80, s24;
	v31 =	vadd.f32 v34, v32;
	v28 =	vmul.f32 v35, v28;
	v32 =	vadd.f32 $2.000000000e+00, v42;
	v30 =	vld [tilespmem:s23+$0x0]  }
0x1fc: {  	v24 =	vnsel vm8, $0x0, v24;
	v22 =	vadd.f32 v22, v25;
	v21 =	vmul.f32 v29, v21;
	v33 =	vld [tilespmem:s24+$0x0]  }
0x1fd: {  	v26 =	vmul.f32 v32, v26;
	v4 =	vadd.f32 v24, v4;
	v24 =	vadd.f32 v28, v41;
	v25 =	vld [tilespmem:s23+$0xFFFFFFF0]  }
0x1fe: {  	s25 =	sadd.s32 $0x80, s25;
	v20 =	vmul.f32 v31, v20;
	v22 =	vnsel vm7, $0x0, v22;
	v15 =	vadd.f32 v21, v15;
	v28 =	vld [tilespmem:s24+$0xFFFFFFF0]  }
0x1ff: {  	v19 =	vmul.f32 v36, v19;
	v4 =	vadd.f32 v22, v4;
	v22 =	vadd.f32 v26, v27;
	v21 =	vld [tilespmem:s25+$0x0]  }
0x200: {  	v10 =	vadd.f32 v20, v10;
	v17 =	vmul.f32 v24, v17;
	v15 =	vnsel vm6, $0x0, v15;
	v26 =	vld [tilespmem:s23+$0xFFFFFFE0]  }
0x201: {  	v13 =	vmul.f32 v39, v13;
	v4 =	vadd.f32 v15, v4;
	v15 =	vadd.f32 v19, v23;
	v20 =	vld [tilespmem:s24+$0xFFFFFFE0]  }
0x202: {  	v10 =	vnsel vm5, $0x0, v10;
	v11 =	vadd.f32 v17, v11;
	v12 =	vmul.f32 v22, v12;
	v19 =	vld [tilespmem:s25+$0xFFFFFFF0]  }
0x203: {  	v8 =	vmul.f32 v18, v8;
	v4 =	vadd.f32 v10, v4;
	v10 =	vadd.f32 v13, v14;
	v17 =	vld [tilespmem:s23+$0xFFFFFFD0]  }
0x204: {  	v11 =	vnsel vm4, $0x0, v11;
	v6 =	vadd.f32 v12, v6;
	v9 =	vmul.f32 v15, v9;
	v13 =	vld [tilespmem:s24+$0xFFFFFFD0]  }
0x205: {  	vm2 =	vmand vm2, vm3;
	v5 =	vmul.f32 v16, v5;
	v4 =	vadd.f32 v11, v4;
	v14 =	vld [tilespmem:s25+$0xFFFFFFE0]  }
0x206: {  	v6 =	vnsel vm2, $0x0, v6;
	v8 =	vadd.f32 v9, v8;
	v7 =	vmul.f32 v10, v7;
	v11 =	vld [tilespmem:s23+$0xFFFFFFC0]  }
0x207: {  	vm0 =	vmand vm0, vm1;
	vm1 =	vge.s32 v3, v0;
	v4 =	vadd.f32 v6, v4;
	v10 =	vld [tilespmem:s24+$0xFFFFFFC0]  }
0x208: {  	v8 =	vnsel vm0, $0x0, v8;
	v5 =	vadd.f32 v7, v5;
	vm0 =	vlt.s32 v3, v1;
	v6 =	vld [tilespmem:s25+$0xFFFFFFD0]  }
0x209: {  	s1 =	sadd.s32 $0xFFFFFFF0, s26;
	vm0 =	vmand vm1, vm0;
	v4 =	vadd.f32 v8, v4;
	v15 =	vld [tilespmem:s23+$0xFFFFFFB0]  }
0x20a: {  	s28 =	sadd.s32 $0xFFFFFFD0, s26;
	s29 =	sadd.s32 $0xFFFFFFE0, s26;
	v3 =	vor.u32 s26, v2;
	v8 =	vor.u32 s1, v2;
	v5 =	vnsel vm0, $0x0, v5;
	v16 =	vld [tilespmem:s24+$0xFFFFFFB0]  }
0x20b: {  	s30 =	sadd.s32 $0xFFFFFFB0, s26;
	s31 =	sadd.s32 $0xFFFFFFC0, s26;
	v12 =	vor.u32 s29, v2;
	v9 =	vor.u32 s28, v2;
	s1 =	sadd.s32 $0xFFFFFFA0, s26;
	v4 =	vadd.f32 v5, v4;
	v18 =	vld [tilespmem:s25+$0xFFFFFFC0]  }
0x20c: {  	v24 =	vor.u32 s31, v2;
	v22 =	vor.u32 s30, v2;
	s28 =	sadd.s32 $0xFFFFFF90, s26;
	v7 =	vor.u32 s1, v2;
	v23 =	vld [tilespmem:s23+$0xFFFFFFA0]  }
0x20d: {  	vm0 =	vge.s32 v8, v0;
	vm1 =	vlt.s32 v8, v1;
	v5 =	vor.u32 s28, v2;
	v27 =	vld [tilespmem:s24+$0xFFFFFFA0]  }
0x20e: {  	vm3 =	vlt.s32 v12, v1;
	vm2 =	vge.s32 v12, v0;
	vm4 =	vge.s32 v9, v0;
	v29 =	vld [tilespmem:s25+$0xFFFFFFB0]  }
0x20f: {  	vm5 =	vge.s32 v24, v0;
	vm7 =	vlt.s32 v24, v1;
	vm6 =	vlt.s32 v9, v1;
	v31 =	vld [tilespmem:s23+$0xFFFFFF90]  }
0x210: {  	vm8 =	vge.s32 v22, v0;
	vm9 =	vlt.s32 v22, v1;
	v12 =	vsub.f32 v30, v33;
	v24 =	vld [tilespmem:s24+$0xFFFFFF90]  }
0x211: {  	v9 =	vsub.f32 v26, v20;
	v8 =	vsub.f32 v25, v28;
	v25 =	vshra.s32 v21, $0x14;
	v30 =	vld [tilespmem:s25+$0xFFFFFFA0]  }
0x212: {  	v21 =	vsub.f32 v17, v13;
	v13 =	vshra.s32 v14, $0x14;
	v14 =	vshra.s32 v19, $0x14;
	v26 =	vld [tilespmem:s25+$0xFFFFFF90]  }
0x213: {  	v22 =	vsub.f32 v11, v10;
	v10 =	vshra.s32 v6, $0x14;
	v20 =	vsub.f32 v15, v16  }
0x214: {  	v15 =	vshra.s32 v18, $0x14;
	v17 =	vsub.f32 v23, v27;
	v11 =	vshra.s32 v29, $0x14  }
0x215: {  	v14 =	vcvt.s32.f32 v14;
	v16 =	vcvt.s32.f32 v25;
	v6 =	vsub.f32 v31, v24  }
0x216: {  	v13 =	vcvt.s32.f32 v13;
	v10 =	vcvt.s32.f32 v10;
	v18 =	vshra.s32 v30, $0x14  }
0x217: {  	v15 =	vcvt.s32.f32 v15;
	v11 =	vcvt.s32.f32 v11;
	v19 =	vshra.s32 v26, $0x14  }
.Ltmp1:
0x218: {  	v25 =	vadd.f32 $-1.000000000e+00, v14;
	v27 =	vadd.f32 $-1.000000000e+00, v16;
	v28 =	vcvt.s32.f32 v18;
	(pc) =	sbr.rel @p0 .LBB2_4-.Ltmp1, $4  }
0x219: {  	v24 =	vadd.f32 $-1.000000000e+00, v10;
	v26 =	vadd.f32 $-1.000000000e+00, v13;
	v14 =	vcvt.s32.f32 v19  }
0x21a: {  	v23 =	vadd.f32 $-1.000000000e+00, v15;
	v18 =	vadd.f32 $-1.000000000e+00, v11;
	v11 =	vmul.f32 v12, v27  }
0x21b: {  	v13 =	vmul.f32 v8, v25;
	v16 =	vadd.f32 $-1.000000000e+00, v28;
	v15 =	vmul.f32 v9, v26  }
0x21c: {  	s26 =	sadd.s32 $0x80, s26;
	v10 =	vmul.f32 v22, v23;
	v19 =	vadd.f32 $-1.000000000e+00, v14;
	v14 =	vmul.f32 v21, v24  }
0x21d: {  	v28 =	vmul.f32 v17, v16  }
0x21e: {  	vm10 =	vge.s32 v7, v0;
	v29 =	vmul.f32 v20, v18;
	v31 =	vand.u32 $0x7FFFFFFF, v13  }
0x21f: {  	v32 =	vand.u32 $0x7FFFFFFF, v11;
	v34 =	vand.u32 $0x7FFFFFFF, v15;
	vm11 =	vlt.s32 v7, v1  }
0x220: {  	vm12 =	vge.s32 v5, v0;
	vm13 =	vlt.s32 v5, v1;
	vm4 =	vmand vm4, vm6  }
0x221: {  	vm14 =	vmand vm8, vm9;
	vm5 =	vmand vm5, vm7;
	v7 =	vmul.f32 v8, v8  }
0x222: {  	v5 =	vmul.f32 v12, v12;
	v8 =	vand.u32 $0x7FFFFFFF, v27;
	v44 =	vmul.f32 v6, v6  }
0x223: {  	v30 =	vmul.f32 v6, v19;
	v33 =	vand.u32 $0x7FFFFFFF, v14;
	v32 =	vsub.f32 $0.0e+00, v32  }
0x224: {  	v36 =	vand.u32 $0x7FFFFFFF, v10;
	v31 =	vsub.f32 $0.0e+00, v31;
	v34 =	vsub.f32 $0.0e+00, v34  }
0x225: {  	v35 =	vand.u32 $0x7FFFFFFF, v29;
	v37 =	vand.u32 $0x7FFFFFFF, v28;
	v32 =	vmul.f32 $1.442695020e+00, v32  }
0x226: {  	v33 =	vsub.f32 $0.0e+00, v33;
	v36 =	vsub.f32 $0.0e+00, v36;
	v31 =	vmul.f32 $1.442695020e+00, v31  }
0x227: {  	v38 =	vand.u32 $0x7FFFFFFF, v30;
	v34 =	vmul.f32 $1.442695020e+00, v34;
	(erf) = vpow2.f32 v32  }
0x228: {  	v46 =	vsub.f32 $0.0e+00, v35;
	v33 =	vmul.f32 $1.442695020e+00, v33;
	(erf) = vpow2.f32 v31  }
0x229: {  	v47 =	vsub.f32 $0.0e+00, v37;
	v48 =	vmul.f32 $1.442695020e+00, v36;
	(erf) = vpow2.f32 v34  }
0x22a: {  	v49 =	vsub.f32 $0.0e+00, v38;
	v32 =	vmul.f32 $1.442695020e+00, v46;
	(erf) = vpow2.f32 v33  }
0x22b: {  	v12 =	vand.u32 $0x7FFFFFFF, v26;
	v31 =	vmul.f32 $1.442695020e+00, v47;
	(erf) = vpow2.f32 v48  }
0x22c: {  	v62 =	vxor.u32 $0x80000000, v15;
	v50 =	vmul.f32 $1.442695020e+00, v49;
	(erf) = vpow2.f32 v32  }
0x22d: {  	v63 =	vxor.u32 $0x80000000, v13;
	vm2 =	vmand vm2, vm3;
	(erf) = vpow2.f32 v31  }
0x22e: {  	vm15 =	vmand vm10, vm11;
	vm13 =	vmand vm12, vm13;
	(erf) = vpow2.f32 v50  }
0x22f: {  	v60 =	vsub.f32 $1.000000000e+00, v12;
	v19 =	vand.u32 $0x7FFFFFFF, v19;
	v13 =	vmax.f32 v63, $0.0e+00  }
0x230: {  	v15 =	vmax.f32 v62, $0.0e+00;
	v43 =	vsub.f32 $1.000000000e+00, v19;
	v29 =	vxor.u32 $0x80000000, v29;
	v33 =	vpop (erf)  }
0x231: {  	v28 =	vxor.u32 $0x80000000, v28;
	v35 =	vmul.f32 v22, v22;
	v51 =	vadd.f32 $2.000000000e+00, v33;
	v36 =	vpop (erf)  }
0x232: {  	v37 =	vmul.f32 v17, v17;
	v32 =	vmul.f32 v9, v9;
	v52 =	vadd.f32 $2.000000000e+00, v36;
	v27 =	vpop (erf)  }
0x233: {  	v9 =	vand.u32 $0x7FFFFFFF, v25;
	v53 =	vadd.f32 $2.000000000e+00, v27;
	v25 =	vpop (erf);
	(erf) = vrcp.f32 v51  }
0x234: {  	v17 =	vand.u32 $0x7FFFFFFF, v24;
	v54 =	vadd.f32 $2.000000000e+00, v25;
	v26 =	vpop (erf);
	(erf) = vrcp.f32 v52  }
0x235: {  	v22 =	vand.u32 $0x7FFFFFFF, v16;
	v55 =	vadd.f32 $2.000000000e+00, v26;
	v56 =	vpop (erf);
	(erf) = vrcp.f32 v53  }
0x236: {  	v16 =	vsub.f32 $1.000000000e+00, v8;
	v57 =	vadd.f32 $2.000000000e+00, v56;
	v58 =	vpop (erf);
	(erf) = vrcp.f32 v54  }
0x237: {  	v30 =	vxor.u32 $0x80000000, v30;
	v39 =	vadd.f32 $2.000000000e+00, v58;
	v40 =	vpop (erf);
	(erf) = vrcp.f32 v55  }
0x238: {  	v59 =	vsub.f32 $1.000000000e+00, v17;
	v41 =	vadd.f32 $2.000000000e+00, v40;
	(erf) = vrcp.f32 v57  }
0x239: {  	v45 =	vsub.f32 $1.000000000e+00, v22;
	v38 =	vmul.f32 v43, v44;
	(erf) = vrcp.f32 v39  }
0x23a: {  	v31 =	vmul.f32 v21, v21;
	v21 =	vand.u32 $0x7FFFFFFF, v18;
	(erf) = vrcp.f32 v41  }
0x23b: {  	v34 =	vmul.f32 v20, v20;
	v20 =	vand.u32 $0x7FFFFFFF, v23;
	v61 =	vsub.f32 $1.000000000e+00, v21  }
0x23c: {  	v37 =	vmul.f32 v45, v37;
	v42 =	vsub.f32 $1.000000000e+00, v20;
	v6 =	vmul.f32 v60, v32;
	v46 =	vpop (erf)  }
0x23d: {  	v47 =	vxor.u32 $0x80000000, v11;
	v11 =	vmul.f32 v59, v31;
	v32 =	vmul.f32 v61, v34;
	v48 =	vpop (erf)  }
0x23e: {  	v29 =	vmax.f32 v29, $0.0e+00;
	v34 =	vmul.f32 v42, v35;
	v50 =	vpop (erf);
	v36 =	vmul.f32 v48, v36  }
0x23f: {  	v28 =	vmax.f32 v28, $0.0e+00;
	v33 =	vmul.f32 v46, v33;
	v52 =	vpop (erf);
	v27 =	vmul.f32 v50, v27  }
0x240: {  	v30 =	vmax.f32 v30, $0.0e+00;
	v53 =	vpop (erf);
	v25 =	vmul.f32 v52, v25;
	v31 =	vmul.f32 v36, v36  }
0x241: {  	v49 =	vxor.u32 $0x80000000, v14;
	v54 =	vpop (erf);
	v26 =	vmul.f32 v53, v26;
	v42 =	vmul.f32 v27, v27  }
0x242: {  	v14 =	vmax.f32 v49, $0.0e+00;
	v55 =	vpop (erf);
	v24 =	vmul.f32 v54, v56;
	v41 =	vmul.f32 v25, v25  }
0x243: {  	v18 =	vsub.f32 $1.000000000e+00, v9;
	v60 =	vmul.f32 $2.222222240e-01, v31;
	v56 =	vpop (erf);
	v23 =	vmul.f32 v55, v58  }
0x244: {  	v35 =	vmax.f32 v47, $0.0e+00;
	v57 =	vmul.f32 v26, v26;
	v39 =	vmul.f32 v56, v40  }
0x245: {  	v51 =	vxor.u32 $0x80000000, v10;
	v50 =	vmul.f32 $2.222222240e-01, v42;
	v40 =	vmul.f32 v33, v33  }
0x246: {  	v10 =	vmax.f32 v51, $0.0e+00;
	v43 =	vmul.f32 v24, v24;
	v58 =	vmul.f32 v39, v39  }
0x247: {  	v49 =	vmul.f32 $2.222222240e-01, v41;
	v47 =	vadd.f32 $2.857142980e-01, v60;
	v59 =	vmul.f32 v23, v23  }
0x248: {  	v52 =	vmul.f32 $2.222222240e-01, v57;
	v50 =	vadd.f32 $2.857142980e-01, v50;
	v51 =	vmul.f32 $2.222222240e-01, v58  }
0x249: {  	v61 =	vmul.f32 $2.222222240e-01, v40;
	v53 =	vmul.f32 $2.222222240e-01, v43;
	v49 =	vadd.f32 $2.857142980e-01, v49  }
0x24a: {  	v47 =	vmul.f32 v47, v31;
	v54 =	vmul.f32 $2.222222240e-01, v59;
	v51 =	vadd.f32 $2.857142980e-01, v51  }
0x24b: {  	v52 =	vadd.f32 $2.857142980e-01, v52;
	v50 =	vmul.f32 v50, v42;
	v48 =	vadd.f32 $2.857142980e-01, v61  }
0x24c: {  	v53 =	vadd.f32 $2.857142980e-01, v53;
	v54 =	vadd.f32 $2.857142980e-01, v54;
	v51 =	vmul.f32 v51, v58  }
0x24d: {  	v49 =	vmul.f32 v49, v41;
	v47 =	vadd.f32 $4.000000060e-01, v47;
	v52 =	vmul.f32 v52, v57  }
0x24e: {  	v50 =	vadd.f32 $4.000000060e-01, v50;
	v54 =	vmul.f32 v54, v59;
	v51 =	vadd.f32 $4.000000060e-01, v51  }
0x24f: {  	v48 =	vmul.f32 v48, v40;
	v53 =	vmul.f32 v53, v43;
	v49 =	vadd.f32 $4.000000060e-01, v49  }
0x250: {  	v47 =	vmul.f32 v47, v31;
	v54 =	vadd.f32 $4.000000060e-01, v54;
	v51 =	vmul.f32 v51, v58  }
0x251: {  	v50 =	vmul.f32 v50, v42;
	v52 =	vadd.f32 $4.000000060e-01, v52;
	v48 =	vadd.f32 $4.000000060e-01, v48  }
0x252: {  	v53 =	vadd.f32 $4.000000060e-01, v53;
	v54 =	vmul.f32 v54, v59;
	v51 =	vadd.f32 $6.666666860e-01, v51  }
0x253: {  	v49 =	vmul.f32 v49, v41;
	v47 =	vadd.f32 $6.666666860e-01, v47;
	v48 =	vmul.f32 v48, v40  }
0x254: {  	v53 =	vmul.f32 v53, v43;
	v62 =	vadd.f32 $6.666666860e-01, v54;
	v45 =	vmul.f32 v51, v58  }
0x255: {  	v52 =	vmul.f32 v52, v57;
	v50 =	vadd.f32 $6.666666860e-01, v50;
	v48 =	vadd.f32 $6.666666860e-01, v48  }
0x256: {  	v63 =	vadd.f32 $6.666666860e-01, v53;
	v46 =	vmul.f32 v62, v59;
	v45 =	vadd.f32 $2.000000000e+00, v45  }
0x257: {  	v31 =	vmul.f32 v47, v31;
	v52 =	vadd.f32 $6.666666860e-01, v52;
	v40 =	vmul.f32 v48, v40  }
0x258: {  	v43 =	vmul.f32 v63, v43;
	v48 =	vadd.f32 $2.000000000e+00, v46;
	v39 =	vmul.f32 v45, v39  }
0x259: {  	v49 =	vadd.f32 $6.666666860e-01, v49;
	v42 =	vmul.f32 v50, v42;
	v44 =	vmul.f32 v52, v57  }
0x25a: {  	v50 =	vadd.f32 $2.000000000e+00, v43;
	v23 =	vmul.f32 v48, v23;
	v30 =	vadd.f32 v39, v30  }
0x25b: {  	v41 =	vmul.f32 v49, v41;
	v53 =	vadd.f32 $2.000000000e+00, v31;
	v51 =	vadd.f32 $2.000000000e+00, v44  }
0x25c: {  	v24 =	vmul.f32 v50, v24;
	v23 =	vadd.f32 v23, v28;
	v19 =	vmul.f32 v30, v19  }
0x25d: {  	v56 =	vadd.f32 $2.000000000e+00, v42;
	v52 =	vadd.f32 $2.000000000e+00, v41;
	v26 =	vmul.f32 v51, v26  }
0x25e: {  	v54 =	vadd.f32 v24, v29;
	v22 =	vmul.f32 v23, v22;
	v19 =	vadd.f32 v19, v38  }
0x25f: {  	v40 =	vadd.f32 $2.000000000e+00, v40;
	v55 =	vmul.f32 v52, v25;
	v10 =	vadd.f32 v26, v10  }
0x260: {  	v21 =	vmul.f32 v54, v21;
	v22 =	vadd.f32 v22, v37;
	v19 =	vnsel vm13, $0x0, v19  }
0x261: {  	v57 =	vmul.f32 v56, v27;
	v14 =	vadd.f32 v55, v14;
	v4 =	vadd.f32 v19, v4  }
0x262: {  	v10 =	vmul.f32 v10, v20;
	v21 =	vadd.f32 v21, v32;
	v22 =	vnsel vm15, $0x0, v22  }
0x263: {  	v58 =	vmul.f32 v53, v36;
	v15 =	vadd.f32 v57, v15;
	v4 =	vadd.f32 v22, v4  }
0x264: {  	v14 =	vmul.f32 v14, v17;
	v10 =	vadd.f32 v10, v34;
	v59 =	vnsel vm14, $0x0, v21  }
0x265: {  	v13 =	vadd.f32 v58, v13;
	v60 =	vmul.f32 v40, v33;
	v4 =	vadd.f32 v59, v4  }
0x266: {  	v12 =	vmul.f32 v15, v12;
	v11 =	vadd.f32 v14, v11;
	v10 =	vnsel vm5, $0x0, v10  }
0x267: {  	v7 =	vmul.f32 v18, v7;
	v9 =	vmul.f32 v13, v9;
	v4 =	vadd.f32 v10, v4  }
0x268: {  	v61 =	vadd.f32 v60, v35;
	v6 =	vadd.f32 v12, v6;
	v11 =	vnsel vm4, $0x0, v11  }
0x269: {  	vm0 =	vmand vm0, vm1;
	v7 =	vadd.f32 v9, v7;
	v4 =	vadd.f32 v11, v4  }
0x26a: {  	v5 =	vmul.f32 v16, v5;
	v8 =	vmul.f32 v61, v8;
	v6 =	vnsel vm2, $0x0, v6  }
0x26b: {  	v62 =	vnsel vm0, $0x0, v7;
	v4 =	vadd.f32 v6, v4  }
0x26c: {  	v5 =	vadd.f32 v8, v5;
	vm14 =	vge.s32 v3, v0;
	vm15 =	vlt.s32 v3, v1  }
0x26d: {  	vm0 =	vmand vm14, vm15;
	v3 =	vadd.f32 v62, v4  }
0x26e: {  	v63 =	vnsel vm0, $0x0, v5  }
0x26f: {  	s22 =	sadd.s32 $0x1, s22;
	v3 =	vadd.f32 v63, v3  }
0x270: {  	p0 =	sne.s32 s22, s7  }
.Ltmp2:
0x271: {  	[tilespmem:$0x3200] =	vst v3;
	(pc) =	sbr.rel @p0 .LBB2_1-.Ltmp2, $4  }
0x272: {  	[hbm4b:s6+s3] =	stream.linear.scatter [tilespmem:s20], [sflag:$0x4], $0x10, $0x38;
	[tilespmem:$0x3280] =	vst v63  }
0x273: {  	_ =	swait.ge [sflag:s21], $0x10  }
0x274: {  	[sflag:s21] =	ssyncset.done $0x0  }
0x275: {  	[sflag:s21] =	ssyncadd.s32 $0xFFFFFFF0  }
0x276: {  	_ =	sfence.sel $0x180000  }
0x277: {  	[bflag:$0x0] =	sbarrier.arrive $0xFFFF  }
0x278: {  	_ =	strace $0x90000047  }
0x279: {  	[bflag:$0x2] =	sbarrier.arrive $0xFFFF  }
0x27a: {  	p0 =	sne.s32 s0, $0x0;
	s0 =	rddreg [dreg:$0x2]  }
0x27b: {  	s0 =	sadd.s32 @!p0 $0x100000, s0  }
0x27c: {  	[sflag:s0] =	ssyncadd.tile.s32 @!p0 $0x1;
	_ =	shalt  }
.Lfunc_end2:
_tile_overlayer_lowered:
.L_overlay_start_2:
0x27d: {  	(tag) =	ssettag $0x2  }
0x27e: {  	s0 =	rddreg [dreg:$0x0];
	s2 =	stileid.u32  }
0x27f: {  	s1 =	rddreg [dreg:$0x1];
	p0 =	sne.s32 s2, $0x0  }
0x280: {  	s3 =	rddreg [dreg:$0x2];
	[bflag:$0x3] =	sbarrier.arrive $0xFFFF;
	s2 =	simm.s32 @!p0 $0x1C04  }
0x281: {  	[timem:s3], [sflag:s2] =	dma.local @!p0 [hbm:s0], s1  }
0x282: {  	s0 =	simm.s32 @!p0 $0x4  }
0x283: {  	_ =	swait.ge @!p0 [sflag:s0], s1  }
0x284: {  	s1 =	ssub.s32 @!p0 $0x0, s1;
	[sflag:s0] =	ssyncset.done @!p0 $0x0  }
0x285: {  	[sflag:s0] =	ssyncadd.s32 @!p0 s1  }
0x286: {  	[bflag:$0x3] =	sbarrier.arrive $0xFFFF  }
0x287: {  	_ =	shalt  }

</sc_bundles>
